<compile_context>
chip_gen: v7x
topology: tpu7x:2x2x1
jax: 0.10.2.dev20260603
libtpu: 0.0.44.dev20260713+nightly
codegen_flags: <defaults>
</compile_context>

<pallas_src>
import functools

import jax
import jax.numpy as jnp
from jax import lax
from jax.experimental import pallas as pl
from jax.experimental.pallas import tpu as pltpu
from jax.experimental.pallas import tpu_sc as plsc

_HIDDEN = 2048
_E = 64
_T = 16384
_BT = 1024
_NCHUNK = 2
_CT = _T // _NCHUNK
_NW = 32
_TPW = _CT // _NW
_L = 16
_NG = _TPW // _L
_NC = 4


def _tc_logits_body(x_ref, w_ref, o_ref, p_ref):
    lt = lax.dot_general(
        w_ref[...].astype(jnp.bfloat16), x_ref[...].astype(jnp.bfloat16),
        dimension_numbers=(((1,), (1,)), ((), ())),
        preferred_element_type=jnp.float32,
        precision=lax.Precision.DEFAULT,
    )
    l = lt.T
    o_ref[...] = l
    m = jnp.max(l, axis=1, keepdims=True)
    u = jnp.exp(l - m)
    p_ref[...] = u / jnp.sum(u, axis=1, keepdims=True)


def _tc_logits(x, W, c):
    off = c * (_CT // _BT)
    return pl.pallas_call(
        _tc_logits_body,
        grid=(_CT // _BT,),
        in_specs=[
            pl.BlockSpec((_BT, _HIDDEN), lambda i: (i + off, 0)),
            pl.BlockSpec((_E, _HIDDEN), lambda i: (0, 0)),
        ],
        out_specs=[
            pl.BlockSpec((_BT, _E), lambda i: (i, 0)),
            pl.BlockSpec((_BT, _E), lambda i: (i, 0)),
        ],
        out_shape=[
            jax.ShapeDtypeStruct((_CT, _E), jnp.float32),
            jax.ShapeDtypeStruct((_CT, _E), jnp.float32),
        ],
    )(x, W)


def _pick(ma, ia, mb, ib):
    take_a = (ma > mb) | ((ma == mb) & (ia < ib))
    return jnp.where(take_a, ma, mb), jnp.where(take_a, ia, ib)


def _merge_top2(a, b):
    m1a, i1a, m2a, i2a = a
    m1b, i1b, m2b, i2b = b
    m1, i1 = _pick(m1a, i1a, m1b, i1b)
    a_won = (m1a > m1b) | ((m1a == m1b) & (i1a < i1b))
    c1m = jnp.where(a_won, m2a, m1a)
    c1i = jnp.where(a_won, i2a, i1a)
    c2m = jnp.where(a_won, m1b, m2b)
    c2i = jnp.where(a_won, i1b, i2b)
    m2, i2 = _pick(c1m, c1i, c2m, c2i)
    return m1, i1, m2, i2


def _sc_route(probs2d):
    mesh = plsc.VectorSubcoreMesh(core_axis_name="c", subcore_axis_name="s")

    @functools.partial(
        pl.kernel,
        mesh=mesh,
        compiler_params=pltpu.CompilerParams(needs_layout_passes=False),
        out_type=[
            jax.ShapeDtypeStruct((_CT,), jnp.float32),
            jax.ShapeDtypeStruct((_CT,), jnp.float32),
            jax.ShapeDtypeStruct((_CT,), jnp.int32),
            jax.ShapeDtypeStruct((_CT,), jnp.int32),
        ],
        scratch_types=[
            pltpu.VMEM((_TPW, _E), jnp.float32),
            pltpu.VMEM((_TPW,), jnp.float32),
            pltpu.VMEM((_TPW,), jnp.float32),
            pltpu.VMEM((_TPW,), jnp.int32),
            pltpu.VMEM((_TPW,), jnp.int32),
        ],
    )
    def k(probs_hbm, w1_hbm, w2_hbm, e1_hbm, e2_hbm,
          lv, w1v, w2v, e1v, e2v):
        wid = lax.axis_index("s") * 2 + lax.axis_index("c")
        base = wid * _TPW
        pltpu.sync_copy(probs_hbm.at[pl.ds(base, _TPW)], lv)

        iota = lax.iota(jnp.int32, _L)
        neg = jnp.full((_L,), -1.0, jnp.float32)

        def group_body(g, _):
            rows = g * _L + iota
            chains = []
            for c in range(_NC):
                e0 = c * (_E // _NC)
                m1 = plsc.load_gather(lv, [rows, jnp.full((_L,), e0, jnp.int32)])
                i1 = jnp.full((_L,), e0, jnp.int32)
                m2 = neg
                i2 = i1
                for e in range(e0 + 1, e0 + _E // _NC):
                    v = plsc.load_gather(lv, [rows, jnp.full((_L,), e, jnp.int32)])
                    es = jnp.full((_L,), e, jnp.int32)
                    gt1 = v > m1
                    gt2 = v > m2
                    i2 = jnp.where(gt1, i1, jnp.where(gt2, es, i2))
                    m2 = jnp.where(gt1, m1, jnp.where(gt2, v, m2))
                    i1 = jnp.where(gt1, es, i1)
                    m1 = jnp.where(gt1, v, m1)
                chains.append((m1, i1, m2, i2))
            t01 = _merge_top2(chains[0], chains[1])
            t23 = _merge_top2(chains[2], chains[3])
            m1, i1, m2, i2 = _merge_top2(t01, t23)

            denom = (m1 + m2) + 1e-6
            w1 = m1 / denom
            w2 = m2 / denom

            w1v[pl.ds(g * _L, _L)] = w1
            w2v[pl.ds(g * _L, _L)] = w2
            e1v[pl.ds(g * _L, _L)] = i1
            e2v[pl.ds(g * _L, _L)] = i2
            return 0

        lax.fori_loop(0, _NG, group_body, 0)

        pltpu.sync_copy(w1v, w1_hbm.at[pl.ds(base, _TPW)])
        pltpu.sync_copy(w2v, w2_hbm.at[pl.ds(base, _TPW)])
        pltpu.sync_copy(e1v, e1_hbm.at[pl.ds(base, _TPW)])
        pltpu.sync_copy(e2v, e2_hbm.at[pl.ds(base, _TPW)])

    return k(probs2d)


def kernel(hidden_states, W):
    b, s, h = hidden_states.shape
    x = hidden_states.reshape(b * s, h)
    logits_c, outs_c = [], []
    for c in range(_NCHUNK):
        logits, probs = _tc_logits(x, W, c)
        logits_c.append(logits)
        outs_c.append(_sc_route(probs))
    logits = jnp.concatenate(logits_c, axis=0)
    w1, w2, e1, e2 = (jnp.concatenate([o[i] for o in outs_c]) for i in range(4))
    routing_weights = jnp.stack([w1, w2], axis=-1).reshape(b, s, 2)
    selected_experts = jnp.stack([e1, e2], axis=-1).reshape(b, s, 2)
    router_logits = logits.reshape(b, s, _E)
    return routing_weights, selected_experts, router_logits

# --- scband reference (transcript-rebuilt; emitter-appended) ---
"""Pipeline reference for scband-optimized-expert-router-40089224741097 (READ-ONLY COPY).

The authoritative reference and input builder live on the scoring server;
editing this copy changes nothing except your own understanding.
"""

import jax, jax.numpy as jnp
import numpy as np

HIDDEN = 2048
NUM_EXPERTS = 64
TOP_K = 2

def setup_inputs(seed: int = 0) -> dict:
    key = jax.random.key(seed)
    k1, k2 = jax.random.split(key)
    hidden_states = jax.random.normal(k1, (4, 4096, HIDDEN), dtype=jnp.float32)
    # router linear weight, torch nn.Linear stores [out_features, in_features]
    bound = 1.0 / np.sqrt(HIDDEN)
    W = jax.random.uniform(k2, (NUM_EXPERTS, HIDDEN), dtype=jnp.float32, minval=-bound, maxval=bound)
    return {"hidden_states": hidden_states, "W": W}

def reference(hidden_states, W):
    # router_logits = Linear(hidden_states) with no bias
    router_logits = jnp.einsum('bsh,eh->bse', hidden_states, W)
    routing_probs = jax.nn.softmax(router_logits, axis=-1)
    routing_weights, selected_experts = jax.lax.top_k(routing_probs, TOP_K)
    routing_weights = routing_weights / (jnp.sum(routing_weights, axis=-1, keepdims=True) + 1e-06)
    return (routing_weights, selected_experts, router_logits)

if __name__ == "__main__":
    import jax
    _d = setup_inputs()
    print(jax.jit(kernel)(*tuple(_d.values())))

</pallas_src>

<mosaic_0001>
#map = affine_map<(d0, d1) -> (0, 0)>
#map1 = affine_map<(d0, d1) -> (0)>
module attributes {stable_mosaic.version = 14 : i64} {
  func.func @k(%arg0: i32, %arg1: i32, %arg2: memref<8192x64xf32, #tpu.memory_space<hbm>>, %arg3: memref<8192xf32, #tpu.memory_space<hbm>>, %arg4: memref<8192xf32, #tpu.memory_space<hbm>>, %arg5: memref<8192xi32, #tpu.memory_space<hbm>>, %arg6: memref<8192xi32, #tpu.memory_space<hbm>>, %arg7: memref<256x64xf32, #tpu.memory_space<vmem>>, %arg8: memref<256xf32, #tpu.memory_space<vmem>>, %arg9: memref<256xf32, #tpu.memory_space<vmem>>, %arg10: memref<256xi32, #tpu.memory_space<vmem>>, %arg11: memref<256xi32, #tpu.memory_space<vmem>>) attributes {dimension_semantics = [#tpu.dimension_semantics<core_parallel>, #tpu.dimension_semantics<subcore_parallel>], iteration_bounds = array<i64: 2, 16>, scalar_prefetch = 0 : i64, scratch_operands = 5 : i64, tpu.core_type = #tpu.core_type<sc_vector_subcore>, window_params = [{transform_indices = #map}, {transform_indices = #map1}, {transform_indices = #map1}, {transform_indices = #map1}, {transform_indices = #map1}]} {
    %mul3A = arith.constant 2 : i32
    %mul3A_0 = arith.muli %arg1, %mul3A : i32
    %add3A = arith.addi %mul3A_0, %arg0 : i32
    %mul3A_1 = arith.constant 256 : i32
    %mul3A_2 = arith.muli %add3A, %mul3A_1 : i32
    "tpu.region"() ({
      %run_scoped3A = tpu.sem_alloc : memref<!tpu.dma_semaphore, #tpu.memory_space<semaphore_mem>>
      %dma_start3A = arith.constant 0 : i32
      %dma_start3A_10 = tpu.memref_slice %arg2[%mul3A_2, %dma_start3A] : memref<8192x64xf32, #tpu.memory_space<hbm>> -> memref<256x64xf32, #tpu.memory_space<hbm>>
      %dma_start3A_11 = arith.constant 0 : i32
      %dma_start3A_12 = tpu.memref_slice %arg2[%mul3A_2, %dma_start3A_11] : memref<8192x64xf32, #tpu.memory_space<hbm>> -> memref<256x64xf32, #tpu.memory_space<hbm>>
      tpu.enqueue_dma source(%dma_start3A_12 : memref<256x64xf32, #tpu.memory_space<hbm>>) target(%arg7 : memref<256x64xf32, #tpu.memory_space<vmem>>) target_semaphore(%run_scoped3A : memref<!tpu.dma_semaphore, #tpu.memory_space<semaphore_mem>>)
      %dma_wait3A = arith.constant 0 : i32
      %dma_wait3A_13 = tpu.memref_slice %arg2[%mul3A_2, %dma_wait3A] : memref<8192x64xf32, #tpu.memory_space<hbm>> -> memref<256x64xf32, #tpu.memory_space<hbm>>
      %dma_wait3A_14 = arith.constant 0 : i32
      %dma_wait3A_15 = tpu.memref_slice %arg2[%mul3A_2, %dma_wait3A_14] : memref<8192x64xf32, #tpu.memory_space<hbm>> -> memref<256x64xf32, #tpu.memory_space<hbm>>
      tpu.wait_dma2 semaphore(%run_scoped3A : memref<!tpu.dma_semaphore, #tpu.memory_space<semaphore_mem>>) src(%dma_wait3A_15 : memref<256x64xf32, #tpu.memory_space<hbm>>) dst(%arg7 : memref<256x64xf32, #tpu.memory_space<vmem>>)
      tpu.yield
    }) : () -> ()
    %iota3A = tpu.iota {dimensions = array<i32: 0>} : vector<16xi32>
    %broadcast_in_dim3A = arith.constant -1.000000e+00 : f32
    %broadcast_in_dim3A_3 = vector.broadcast %broadcast_in_dim3A : f32 to vector<16xf32>
    %scan3A = arith.constant 0 : i32
    %scan3A_4 = arith.constant 0 : i32
    %scan3A_5 = arith.constant 16 : i32
    %scan3A_6 = arith.addi %scan3A_4, %scan3A_5 : i32
    %scan3A_7 = arith.constant 1 : i32
    %scan3A_8 = scf.for %scan3A_10 = %scan3A_4 to %scan3A_6 step %scan3A_7 iter_args(%scan3A_11 = %scan3A) -> (i32)  : i32 {
      %mul3A_12 = arith.constant 16 : i32
      %mul3A_13 = arith.muli %scan3A_10, %mul3A_12 : i32
      %add3A_14 = vector.broadcast %mul3A_13 : i32 to vector<16xi32>
      %add3A_15 = arith.addi %add3A_14, %iota3A : vector<16xi32>
      %broadcast_in_dim3A_16 = arith.constant 0 : i32
      %broadcast_in_dim3A_17 = vector.broadcast %broadcast_in_dim3A_16 : i32 to vector<16xi32>
      %gather3A = tpu.vector_load_idx %arg7[%add3A_15, %broadcast_in_dim3A_17] : memref<256x64xf32, #tpu.memory_space<vmem>>[vector<16xi32>, vector<16xi32>], vector<16xf32>,
      %broadcast_in_dim3A_18 = arith.constant 0 : i32
      %broadcast_in_dim3A_19 = vector.broadcast %broadcast_in_dim3A_18 : i32 to vector<16xi32>
      %broadcast_in_dim3A_20 = arith.constant 1 : i32
      %broadcast_in_dim3A_21 = vector.broadcast %broadcast_in_dim3A_20 : i32 to vector<16xi32>
      %gather3A_22 = tpu.vector_load_idx %arg7[%add3A_15, %broadcast_in_dim3A_21] : memref<256x64xf32, #tpu.memory_space<vmem>>[vector<16xi32>, vector<16xi32>], vector<16xf32>,
      %broadcast_in_dim3A_23 = arith.constant 1 : i32
      %broadcast_in_dim3A_24 = vector.broadcast %broadcast_in_dim3A_23 : i32 to vector<16xi32>
      %gt3A = arith.cmpf ogt, %gather3A_22, %gather3A : vector<16xf32>
      %gt3A_25 = arith.cmpf ogt, %gather3A_22, %broadcast_in_dim3A_3 : vector<16xf32>
      %select_n3A = arith.select %gt3A_25, %broadcast_in_dim3A_24, %broadcast_in_dim3A_19 : vector<16xi1>, vector<16xi32>
      %select_n3A_26 = arith.select %gt3A, %broadcast_in_dim3A_19, %select_n3A : vector<16xi1>, vector<16xi32>
      %select_n3A_27 = arith.select %gt3A_25, %gather3A_22, %broadcast_in_dim3A_3 : vector<16xi1>, vector<16xf32>
      %select_n3A_28 = arith.select %gt3A, %gather3A, %select_n3A_27 : vector<16xi1>, vector<16xf32>
      %select_n3A_29 = arith.select %gt3A, %broadcast_in_dim3A_24, %broadcast_in_dim3A_19 : vector<16xi1>, vector<16xi32>
      %select_n3A_30 = arith.select %gt3A, %gather3A_22, %gather3A : vector<16xi1>, vector<16xf32>
      %broadcast_in_dim3A_31 = arith.constant 2 : i32
      %broadcast_in_dim3A_32 = vector.broadcast %broadcast_in_dim3A_31 : i32 to vector<16xi32>
      %gather3A_33 = tpu.vector_load_idx %arg7[%add3A_15, %broadcast_in_dim3A_32] : memref<256x64xf32, #tpu.memory_space<vmem>>[vector<16xi32>, vector<16xi32>], vector<16xf32>,
      %broadcast_in_dim3A_34 = arith.constant 2 : i32
      %broadcast_in_dim3A_35 = vector.broadcast %broadcast_in_dim3A_34 : i32 to vector<16xi32>
      %gt3A_36 = arith.cmpf ogt, %gather3A_33, %select_n3A_30 : vector<16xf32>
      %gt3A_37 = arith.cmpf ogt, %gather3A_33, %select_n3A_28 : vector<16xf32>
      %select_n3A_38 = arith.select %gt3A_37, %broadcast_in_dim3A_35, %select_n3A_26 : vector<16xi1>, vector<16xi32>
      %select_n3A_39 = arith.select %gt3A_36, %select_n3A_29, %select_n3A_38 : vector<16xi1>, vector<16xi32>
      %select_n3A_40 = arith.select %gt3A_37, %gather3A_33, %select_n3A_28 : vector<16xi1>, vector<16xf32>
      %select_n3A_41 = arith.select %gt3A_36, %select_n3A_30, %select_n3A_40 : vector<16xi1>, vector<16xf32>
      %select_n3A_42 = arith.select %gt3A_36, %broadcast_in_dim3A_35, %select_n3A_29 : vector<16xi1>, vector<16xi32>
      %select_n3A_43 = arith.select %gt3A_36, %gather3A_33, %select_n3A_30 : vector<16xi1>, vector<16xf32>
      %broadcast_in_dim3A_44 = arith.constant 3 : i32
      %broadcast_in_dim3A_45 = vector.broadcast %broadcast_in_dim3A_44 : i32 to vector<16xi32>
      %gather3A_46 = tpu.vector_load_idx %arg7[%add3A_15, %broadcast_in_dim3A_45] : memref<256x64xf32, #tpu.memory_space<vmem>>[vector<16xi32>, vector<16xi32>], vector<16xf32>,
      %broadcast_in_dim3A_47 = arith.constant 3 : i32
      %broadcast_in_dim3A_48 = vector.broadcast %broadcast_in_dim3A_47 : i32 to vector<16xi32>
      %gt3A_49 = arith.cmpf ogt, %gather3A_46, %select_n3A_43 : vector<16xf32>
      %gt3A_50 = arith.cmpf ogt, %gather3A_46, %select_n3A_41 : vector<16xf32>
      %select_n3A_51 = arith.select %gt3A_50, %broadcast_in_dim3A_48, %select_n3A_39 : vector<16xi1>, vector<16xi32>
      %select_n3A_52 = arith.select %gt3A_49, %select_n3A_42, %select_n3A_51 : vector<16xi1>, vector<16xi32>
      %select_n3A_53 = arith.select %gt3A_50, %gather3A_46, %select_n3A_41 : vector<16xi1>, vector<16xf32>
      %select_n3A_54 = arith.select %gt3A_49, %select_n3A_43, %select_n3A_53 : vector<16xi1>, vector<16xf32>
      %select_n3A_55 = arith.select %gt3A_49, %broadcast_in_dim3A_48, %select_n3A_42 : vector<16xi1>, vector<16xi32>
      %select_n3A_56 = arith.select %gt3A_49, %gather3A_46, %select_n3A_43 : vector<16xi1>, vector<16xf32>
      %broadcast_in_dim3A_57 = arith.constant 4 : i32
      %broadcast_in_dim3A_58 = vector.broadcast %broadcast_in_dim3A_57 : i32 to vector<16xi32>
      %gather3A_59 = tpu.vector_load_idx %arg7[%add3A_15, %broadcast_in_dim3A_58] : memref<256x64xf32, #tpu.memory_space<vmem>>[vector<16xi32>, vector<16xi32>], vector<16xf32>,
      %broadcast_in_dim3A_60 = arith.constant 4 : i32
      %broadcast_in_dim3A_61 = vector.broadcast %broadcast_in_dim3A_60 : i32 to vector<16xi32>
      %gt3A_62 = arith.cmpf ogt, %gather3A_59, %select_n3A_56 : vector<16xf32>
      %gt3A_63 = arith.cmpf ogt, %gather3A_59, %select_n3A_54 : vector<16xf32>
      %select_n3A_64 = arith.select %gt3A_63, %broadcast_in_dim3A_61, %select_n3A_52 : vector<16xi1>, vector<16xi32>
      %select_n3A_65 = arith.select %gt3A_62, %select_n3A_55, %select_n3A_64 : vector<16xi1>, vector<16xi32>
      %select_n3A_66 = arith.select %gt3A_63, %gather3A_59, %select_n3A_54 : vector<16xi1>, vector<16xf32>
      %select_n3A_67 = arith.select %gt3A_62, %select_n3A_56, %select_n3A_66 : vector<16xi1>, vector<16xf32>
      %select_n3A_68 = arith.select %gt3A_62, %broadcast_in_dim3A_61, %select_n3A_55 : vector<16xi1>, vector<16xi32>
      %select_n3A_69 = arith.select %gt3A_62, %gather3A_59, %select_n3A_56 : vector<16xi1>, vector<16xf32>
      %broadcast_in_dim3A_70 = arith.constant 5 : i32
      %broadcast_in_dim3A_71 = vector.broadcast %broadcast_in_dim3A_70 : i32 to vector<16xi32>
      %gather3A_72 = tpu.vector_load_idx %arg7[%add3A_15, %broadcast_in_dim3A_71] : memref<256x64xf32, #tpu.memory_space<vmem>>[vector<16xi32>, vector<16xi32>], vector<16xf32>,
      %broadcast_in_dim3A_73 = arith.constant 5 : i32
      %broadcast_in_dim3A_74 = vector.broadcast %broadcast_in_dim3A_73 : i32 to vector<16xi32>
      %gt3A_75 = arith.cmpf ogt, %gather3A_72, %select_n3A_69 : vector<16xf32>
      %gt3A_76 = arith.cmpf ogt, %gather3A_72, %select_n3A_67 : vector<16xf32>
      %select_n3A_77 = arith.select %gt3A_76, %broadcast_in_dim3A_74, %select_n3A_65 : vector<16xi1>, vector<16xi32>
      %select_n3A_78 = arith.select %gt3A_75, %select_n3A_68, %select_n3A_77 : vector<16xi1>, vector<16xi32>
      %select_n3A_79 = arith.select %gt3A_76, %gather3A_72, %select_n3A_67 : vector<16xi1>, vector<16xf32>
      %select_n3A_80 = arith.select %gt3A_75, %select_n3A_69, %select_n3A_79 : vector<16xi1>, vector<16xf32>
      %select_n3A_81 = arith.select %gt3A_75, %broadcast_in_dim3A_74, %select_n3A_68 : vector<16xi1>, vector<16xi32>
      %select_n3A_82 = arith.select %gt3A_75, %gather3A_72, %select_n3A_69 : vector<16xi1>, vector<16xf32>
      %broadcast_in_dim3A_83 = arith.constant 6 : i32
      %broadcast_in_dim3A_84 = vector.broadcast %broadcast_in_dim3A_83 : i32 to vector<16xi32>
      %gather3A_85 = tpu.vector_load_idx %arg7[%add3A_15, %broadcast_in_dim3A_84] : memref<256x64xf32, #tpu.memory_space<vmem>>[vector<16xi32>, vector<16xi32>], vector<16xf32>,
      %broadcast_in_dim3A_86 = arith.constant 6 : i32
      %broadcast_in_dim3A_87 = vector.broadcast %broadcast_in_dim3A_86 : i32 to vector<16xi32>
      %gt3A_88 = arith.cmpf ogt, %gather3A_85, %select_n3A_82 : vector<16xf32>
      %gt3A_89 = arith.cmpf ogt, %gather3A_85, %select_n3A_80 : vector<16xf32>
      %select_n3A_90 = arith.select %gt3A_89, %broadcast_in_dim3A_87, %select_n3A_78 : vector<16xi1>, vector<16xi32>
      %select_n3A_91 = arith.select %gt3A_88, %select_n3A_81, %select_n3A_90 : vector<16xi1>, vector<16xi32>
      %select_n3A_92 = arith.select %gt3A_89, %gather3A_85, %select_n3A_80 : vector<16xi1>, vector<16xf32>
      %select_n3A_93 = arith.select %gt3A_88, %select_n3A_82, %select_n3A_92 : vector<16xi1>, vector<16xf32>
      %select_n3A_94 = arith.select %gt3A_88, %broadcast_in_dim3A_87, %select_n3A_81 : vector<16xi1>, vector<16xi32>
      %select_n3A_95 = arith.select %gt3A_88, %gather3A_85, %select_n3A_82 : vector<16xi1>, vector<16xf32>
      %broadcast_in_dim3A_96 = arith.constant 7 : i32
      %broadcast_in_dim3A_97 = vector.broadcast %broadcast_in_dim3A_96 : i32 to vector<16xi32>
      %gather3A_98 = tpu.vector_load_idx %arg7[%add3A_15, %broadcast_in_dim3A_97] : memref<256x64xf32, #tpu.memory_space<vmem>>[vector<16xi32>, vector<16xi32>], vector<16xf32>,
      %broadcast_in_dim3A_99 = arith.constant 7 : i32
      %broadcast_in_dim3A_100 = vector.broadcast %broadcast_in_dim3A_99 : i32 to vector<16xi32>
      %gt3A_101 = arith.cmpf ogt, %gather3A_98, %select_n3A_95 : vector<16xf32>
      %gt3A_102 = arith.cmpf ogt, %gather3A_98, %select_n3A_93 : vector<16xf32>
      %select_n3A_103 = arith.select %gt3A_102, %broadcast_in_dim3A_100, %select_n3A_91 : vector<16xi1>, vector<16xi32>
      %select_n3A_104 = arith.select %gt3A_101, %select_n3A_94, %select_n3A_103 : vector<16xi1>, vector<16xi32>
      %select_n3A_105 = arith.select %gt3A_102, %gather3A_98, %select_n3A_93 : vector<16xi1>, vector<16xf32>
      %select_n3A_106 = arith.select %gt3A_101, %select_n3A_95, %select_n3A_105 : vector<16xi1>, vector<16xf32>
      %select_n3A_107 = arith.select %gt3A_101, %broadcast_in_dim3A_100, %select_n3A_94 : vector<16xi1>, vector<16xi32>
      %select_n3A_108 = arith.select %gt3A_101, %gather3A_98, %select_n3A_95 : vector<16xi1>, vector<16xf32>
      %broadcast_in_dim3A_109 = arith.constant 8 : i32
      %broadcast_in_dim3A_110 = vector.broadcast %broadcast_in_dim3A_109 : i32 to vector<16xi32>
      %gather3A_111 = tpu.vector_load_idx %arg7[%add3A_15, %broadcast_in_dim3A_110] : memref<256x64xf32, #tpu.memory_space<vmem>>[vector<16xi32>, vector<16xi32>], vector<16xf32>,
      %broadcast_in_dim3A_112 = arith.constant 8 : i32
      %broadcast_in_dim3A_113 = vector.broadcast %broadcast_in_dim3A_112 : i32 to vector<16xi32>
      %gt3A_114 = arith.cmpf ogt, %gather3A_111, %select_n3A_108 : vector<16xf32>
      %gt3A_115 = arith.cmpf ogt, %gather3A_111, %select_n3A_106 : vector<16xf32>
      %select_n3A_116 = arith.select %gt3A_115, %broadcast_in_dim3A_113, %select_n3A_104 : vector<16xi1>, vector<16xi32>
      %select_n3A_117 = arith.select %gt3A_114, %select_n3A_107, %select_n3A_116 : vector<16xi1>, vector<16xi32>
      %select_n3A_118 = arith.select %gt3A_115, %gather3A_111, %select_n3A_106 : vector<16xi1>, vector<16xf32>
      %select_n3A_119 = arith.select %gt3A_114, %select_n3A_108, %select_n3A_118 : vector<16xi1>, vector<16xf32>
      %select_n3A_120 = arith.select %gt3A_114, %broadcast_in_dim3A_113, %select_n3A_107 : vector<16xi1>, vector<16xi32>
      %select_n3A_121 = arith.select %gt3A_114, %gather3A_111, %select_n3A_108 : vector<16xi1>, vector<16xf32>
      %broadcast_in_dim3A_122 = arith.constant 9 : i32
      %broadcast_in_dim3A_123 = vector.broadcast %broadcast_in_dim3A_122 : i32 to vector<16xi32>
      %gather3A_124 = tpu.vector_load_idx %arg7[%add3A_15, %broadcast_in_dim3A_123] : memref<256x64xf32, #tpu.memory_space<vmem>>[vector<16xi32>, vector<16xi32>], vector<16xf32>,
      %broadcast_in_dim3A_125 = arith.constant 9 : i32
      %broadcast_in_dim3A_126 = vector.broadcast %broadcast_in_dim3A_125 : i32 to vector<16xi32>
      %gt3A_127 = arith.cmpf ogt, %gather3A_124, %select_n3A_121 : vector<16xf32>
      %gt3A_128 = arith.cmpf ogt, %gather3A_124, %select_n3A_119 : vector<16xf32>
      %select_n3A_129 = arith.select %gt3A_128, %broadcast_in_dim3A_126, %select_n3A_117 : vector<16xi1>, vector<16xi32>
      %select_n3A_130 = arith.select %gt3A_127, %select_n3A_120, %select_n3A_129 : vector<16xi1>, vector<16xi32>
      %select_n3A_131 = arith.select %gt3A_128, %gather3A_124, %select_n3A_119 : vector<16xi1>, vector<16xf32>
      %select_n3A_132 = arith.select %gt3A_127, %select_n3A_121, %select_n3A_131 : vector<16xi1>, vector<16xf32>
      %select_n3A_133 = arith.select %gt3A_127, %broadcast_in_dim3A_126, %select_n3A_120 : vector<16xi1>, vector<16xi32>
      %select_n3A_134 = arith.select %gt3A_127, %gather3A_124, %select_n3A_121 : vector<16xi1>, vector<16xf32>
      %broadcast_in_dim3A_135 = arith.constant 10 : i32
      %broadcast_in_dim3A_136 = vector.broadcast %broadcast_in_dim3A_135 : i32 to vector<16xi32>
      %gather3A_137 = tpu.vector_load_idx %arg7[%add3A_15, %broadcast_in_dim3A_136] : memref<256x64xf32, #tpu.memory_space<vmem>>[vector<16xi32>, vector<16xi32>], vector<16xf32>,
      %broadcast_in_dim3A_138 = arith.constant 10 : i32
      %broadcast_in_dim3A_139 = vector.broadcast %broadcast_in_dim3A_138 : i32 to vector<16xi32>
      %gt3A_140 = arith.cmpf ogt, %gather3A_137, %select_n3A_134 : vector<16xf32>
      %gt3A_141 = arith.cmpf ogt, %gather3A_137, %select_n3A_132 : vector<16xf32>
      %select_n3A_142 = arith.select %gt3A_141, %broadcast_in_dim3A_139, %select_n3A_130 : vector<16xi1>, vector<16xi32>
      %select_n3A_143 = arith.select %gt3A_140, %select_n3A_133, %select_n3A_142 : vector<16xi1>, vector<16xi32>
      %select_n3A_144 = arith.select %gt3A_141, %gather3A_137, %select_n3A_132 : vector<16xi1>, vector<16xf32>
      %select_n3A_145 = arith.select %gt3A_140, %select_n3A_134, %select_n3A_144 : vector<16xi1>, vector<16xf32>
      %select_n3A_146 = arith.select %gt3A_140, %broadcast_in_dim3A_139, %select_n3A_133 : vector<16xi1>, vector<16xi32>
      %select_n3A_147 = arith.select %gt3A_140, %gather3A_137, %select_n3A_134 : vector<16xi1>, vector<16xf32>
      %broadcast_in_dim3A_148 = arith.constant 11 : i32
      %broadcast_in_dim3A_149 = vector.broadcast %broadcast_in_dim3A_148 : i32 to vector<16xi32>
      %gather3A_150 = tpu.vector_load_idx %arg7[%add3A_15, %broadcast_in_dim3A_149] : memref<256x64xf32, #tpu.memory_space<vmem>>[vector<16xi32>, vector<16xi32>], vector<16xf32>,
      %broadcast_in_dim3A_151 = arith.constant 11 : i32
      %broadcast_in_dim3A_152 = vector.broadcast %broadcast_in_dim3A_151 : i32 to vector<16xi32>
      %gt3A_153 = arith.cmpf ogt, %gather3A_150, %select_n3A_147 : vector<16xf32>
      %gt3A_154 = arith.cmpf ogt, %gather3A_150, %select_n3A_145 : vector<16xf32>
      %select_n3A_155 = arith.select %gt3A_154, %broadcast_in_dim3A_152, %select_n3A_143 : vector<16xi1>, vector<16xi32>
      %select_n3A_156 = arith.select %gt3A_153, %select_n3A_146, %select_n3A_155 : vector<16xi1>, vector<16xi32>
      %select_n3A_157 = arith.select %gt3A_154, %gather3A_150, %select_n3A_145 : vector<16xi1>, vector<16xf32>
      %select_n3A_158 = arith.select %gt3A_153, %select_n3A_147, %select_n3A_157 : vector<16xi1>, vector<16xf32>
      %select_n3A_159 = arith.select %gt3A_153, %broadcast_in_dim3A_152, %select_n3A_146 : vector<16xi1>, vector<16xi32>
      %select_n3A_160 = arith.select %gt3A_153, %gather3A_150, %select_n3A_147 : vector<16xi1>, vector<16xf32>
      %broadcast_in_dim3A_161 = arith.constant 12 : i32
      %broadcast_in_dim3A_162 = vector.broadcast %broadcast_in_dim3A_161 : i32 to vector<16xi32>
      %gather3A_163 = tpu.vector_load_idx %arg7[%add3A_15, %broadcast_in_dim3A_162] : memref<256x64xf32, #tpu.memory_space<vmem>>[vector<16xi32>, vector<16xi32>], vector<16xf32>,
      %broadcast_in_dim3A_164 = arith.constant 12 : i32
      %broadcast_in_dim3A_165 = vector.broadcast %broadcast_in_dim3A_164 : i32 to vector<16xi32>
      %gt3A_166 = arith.cmpf ogt, %gather3A_163, %select_n3A_160 : vector<16xf32>
      %gt3A_167 = arith.cmpf ogt, %gather3A_163, %select_n3A_158 : vector<16xf32>
      %select_n3A_168 = arith.select %gt3A_167, %broadcast_in_dim3A_165, %select_n3A_156 : vector<16xi1>, vector<16xi32>
      %select_n3A_169 = arith.select %gt3A_166, %select_n3A_159, %select_n3A_168 : vector<16xi1>, vector<16xi32>
      %select_n3A_170 = arith.select %gt3A_167, %gather3A_163, %select_n3A_158 : vector<16xi1>, vector<16xf32>
      %select_n3A_171 = arith.select %gt3A_166, %select_n3A_160, %select_n3A_170 : vector<16xi1>, vector<16xf32>
      %select_n3A_172 = arith.select %gt3A_166, %broadcast_in_dim3A_165, %select_n3A_159 : vector<16xi1>, vector<16xi32>
      %select_n3A_173 = arith.select %gt3A_166, %gather3A_163, %select_n3A_160 : vector<16xi1>, vector<16xf32>
      %broadcast_in_dim3A_174 = arith.constant 13 : i32
      %broadcast_in_dim3A_175 = vector.broadcast %broadcast_in_dim3A_174 : i32 to vector<16xi32>
      %gather3A_176 = tpu.vector_load_idx %arg7[%add3A_15, %broadcast_in_dim3A_175] : memref<256x64xf32, #tpu.memory_space<vmem>>[vector<16xi32>, vector<16xi32>], vector<16xf32>,
      %broadcast_in_dim3A_177 = arith.constant 13 : i32
      %broadcast_in_dim3A_178 = vector.broadcast %broadcast_in_dim3A_177 : i32 to vector<16xi32>
      %gt3A_179 = arith.cmpf ogt, %gather3A_176, %select_n3A_173 : vector<16xf32>
      %gt3A_180 = arith.cmpf ogt, %gather3A_176, %select_n3A_171 : vector<16xf32>
      %select_n3A_181 = arith.select %gt3A_180, %broadcast_in_dim3A_178, %select_n3A_169 : vector<16xi1>, vector<16xi32>
      %select_n3A_182 = arith.select %gt3A_179, %select_n3A_172, %select_n3A_181 : vector<16xi1>, vector<16xi32>
      %select_n3A_183 = arith.select %gt3A_180, %gather3A_176, %select_n3A_171 : vector<16xi1>, vector<16xf32>
      %select_n3A_184 = arith.select %gt3A_179, %select_n3A_173, %select_n3A_183 : vector<16xi1>, vector<16xf32>
      %select_n3A_185 = arith.select %gt3A_179, %broadcast_in_dim3A_178, %select_n3A_172 : vector<16xi1>, vector<16xi32>
      %select_n3A_186 = arith.select %gt3A_179, %gather3A_176, %select_n3A_173 : vector<16xi1>, vector<16xf32>
      %broadcast_in_dim3A_187 = arith.constant 14 : i32
      %broadcast_in_dim3A_188 = vector.broadcast %broadcast_in_dim3A_187 : i32 to vector<16xi32>
      %gather3A_189 = tpu.vector_load_idx %arg7[%add3A_15, %broadcast_in_dim3A_188] : memref<256x64xf32, #tpu.memory_space<vmem>>[vector<16xi32>, vector<16xi32>], vector<16xf32>,
      %broadcast_in_dim3A_190 = arith.constant 14 : i32
      %broadcast_in_dim3A_191 = vector.broadcast %broadcast_in_dim3A_190 : i32 to vector<16xi32>
      %gt3A_192 = arith.cmpf ogt, %gather3A_189, %select_n3A_186 : vector<16xf32>
      %gt3A_193 = arith.cmpf ogt, %gather3A_189, %select_n3A_184 : vector<16xf32>
      %select_n3A_194 = arith.select %gt3A_193, %broadcast_in_dim3A_191, %select_n3A_182 : vector<16xi1>, vector<16xi32>
      %select_n3A_195 = arith.select %gt3A_192, %select_n3A_185, %select_n3A_194 : vector<16xi1>, vector<16xi32>
      %select_n3A_196 = arith.select %gt3A_193, %gather3A_189, %select_n3A_184 : vector<16xi1>, vector<16xf32>
      %select_n3A_197 = arith.select %gt3A_192, %select_n3A_186, %select_n3A_196 : vector<16xi1>, vector<16xf32>
      %select_n3A_198 = arith.select %gt3A_192, %broadcast_in_dim3A_191, %select_n3A_185 : vector<16xi1>, vector<16xi32>
      %select_n3A_199 = arith.select %gt3A_192, %gather3A_189, %select_n3A_186 : vector<16xi1>, vector<16xf32>
      %broadcast_in_dim3A_200 = arith.constant 15 : i32
      %broadcast_in_dim3A_201 = vector.broadcast %broadcast_in_dim3A_200 : i32 to vector<16xi32>
      %gather3A_202 = tpu.vector_load_idx %arg7[%add3A_15, %broadcast_in_dim3A_201] : memref<256x64xf32, #tpu.memory_space<vmem>>[vector<16xi32>, vector<16xi32>], vector<16xf32>,
      %broadcast_in_dim3A_203 = arith.constant 15 : i32
      %broadcast_in_dim3A_204 = vector.broadcast %broadcast_in_dim3A_203 : i32 to vector<16xi32>
      %gt3A_205 = arith.cmpf ogt, %gather3A_202, %select_n3A_199 : vector<16xf32>
      %gt3A_206 = arith.cmpf ogt, %gather3A_202, %select_n3A_197 : vector<16xf32>
      %select_n3A_207 = arith.select %gt3A_206, %broadcast_in_dim3A_204, %select_n3A_195 : vector<16xi1>, vector<16xi32>
      %select_n3A_208 = arith.select %gt3A_205, %select_n3A_198, %select_n3A_207 : vector<16xi1>, vector<16xi32>
      %select_n3A_209 = arith.select %gt3A_206, %gather3A_202, %select_n3A_197 : vector<16xi1>, vector<16xf32>
      %select_n3A_210 = arith.select %gt3A_205, %select_n3A_199, %select_n3A_209 : vector<16xi1>, vector<16xf32>
      %select_n3A_211 = arith.select %gt3A_205, %broadcast_in_dim3A_204, %select_n3A_198 : vector<16xi1>, vector<16xi32>
      %select_n3A_212 = arith.select %gt3A_205, %gather3A_202, %select_n3A_199 : vector<16xi1>, vector<16xf32>
      %broadcast_in_dim3A_213 = arith.constant 16 : i32
      %broadcast_in_dim3A_214 = vector.broadcast %broadcast_in_dim3A_213 : i32 to vector<16xi32>
      %gather3A_215 = tpu.vector_load_idx %arg7[%add3A_15, %broadcast_in_dim3A_214] : memref<256x64xf32, #tpu.memory_space<vmem>>[vector<16xi32>, vector<16xi32>], vector<16xf32>,
      %broadcast_in_dim3A_216 = arith.constant 16 : i32
      %broadcast_in_dim3A_217 = vector.broadcast %broadcast_in_dim3A_216 : i32 to vector<16xi32>
      %broadcast_in_dim3A_218 = arith.constant 17 : i32
      %broadcast_in_dim3A_219 = vector.broadcast %broadcast_in_dim3A_218 : i32 to vector<16xi32>
      %gather3A_220 = tpu.vector_load_idx %arg7[%add3A_15, %broadcast_in_dim3A_219] : memref<256x64xf32, #tpu.memory_space<vmem>>[vector<16xi32>, vector<16xi32>], vector<16xf32>,
      %broadcast_in_dim3A_221 = arith.constant 17 : i32
      %broadcast_in_dim3A_222 = vector.broadcast %broadcast_in_dim3A_221 : i32 to vector<16xi32>
      %gt3A_223 = arith.cmpf ogt, %gather3A_220, %gather3A_215 : vector<16xf32>
      %gt3A_224 = arith.cmpf ogt, %gather3A_220, %broadcast_in_dim3A_3 : vector<16xf32>
      %select_n3A_225 = arith.select %gt3A_224, %broadcast_in_dim3A_222, %broadcast_in_dim3A_217 : vector<16xi1>, vector<16xi32>
      %select_n3A_226 = arith.select %gt3A_223, %broadcast_in_dim3A_217, %select_n3A_225 : vector<16xi1>, vector<16xi32>
      %select_n3A_227 = arith.select %gt3A_224, %gather3A_220, %broadcast_in_dim3A_3 : vector<16xi1>, vector<16xf32>
      %select_n3A_228 = arith.select %gt3A_223, %gather3A_215, %select_n3A_227 : vector<16xi1>, vector<16xf32>
      %select_n3A_229 = arith.select %gt3A_223, %broadcast_in_dim3A_222, %broadcast_in_dim3A_217 : vector<16xi1>, vector<16xi32>
      %select_n3A_230 = arith.select %gt3A_223, %gather3A_220, %gather3A_215 : vector<16xi1>, vector<16xf32>
      %broadcast_in_dim3A_231 = arith.constant 18 : i32
      %broadcast_in_dim3A_232 = vector.broadcast %broadcast_in_dim3A_231 : i32 to vector<16xi32>
      %gather3A_233 = tpu.vector_load_idx %arg7[%add3A_15, %broadcast_in_dim3A_232] : memref<256x64xf32, #tpu.memory_space<vmem>>[vector<16xi32>, vector<16xi32>], vector<16xf32>,
      %broadcast_in_dim3A_234 = arith.constant 18 : i32
      %broadcast_in_dim3A_235 = vector.broadcast %broadcast_in_dim3A_234 : i32 to vector<16xi32>
      %gt3A_236 = arith.cmpf ogt, %gather3A_233, %select_n3A_230 : vector<16xf32>
      %gt3A_237 = arith.cmpf ogt, %gather3A_233, %select_n3A_228 : vector<16xf32>
      %select_n3A_238 = arith.select %gt3A_237, %broadcast_in_dim3A_235, %select_n3A_226 : vector<16xi1>, vector<16xi32>
      %select_n3A_239 = arith.select %gt3A_236, %select_n3A_229, %select_n3A_238 : vector<16xi1>, vector<16xi32>
      %select_n3A_240 = arith.select %gt3A_237, %gather3A_233, %select_n3A_228 : vector<16xi1>, vector<16xf32>
      %select_n3A_241 = arith.select %gt3A_236, %select_n3A_230, %select_n3A_240 : vector<16xi1>, vector<16xf32>
      %select_n3A_242 = arith.select %gt3A_236, %broadcast_in_dim3A_235, %select_n3A_229 : vector<16xi1>, vector<16xi32>
      %select_n3A_243 = arith.select %gt3A_236, %gather3A_233, %select_n3A_230 : vector<16xi1>, vector<16xf32>
      %broadcast_in_dim3A_244 = arith.constant 19 : i32
      %broadcast_in_dim3A_245 = vector.broadcast %broadcast_in_dim3A_244 : i32 to vector<16xi32>
      %gather3A_246 = tpu.vector_load_idx %arg7[%add3A_15, %broadcast_in_dim3A_245] : memref<256x64xf32, #tpu.memory_space<vmem>>[vector<16xi32>, vector<16xi32>], vector<16xf32>,
      %broadcast_in_dim3A_247 = arith.constant 19 : i32
      %broadcast_in_dim3A_248 = vector.broadcast %broadcast_in_dim3A_247 : i32 to vector<16xi32>
      %gt3A_249 = arith.cmpf ogt, %gather3A_246, %select_n3A_243 : vector<16xf32>
      %gt3A_250 = arith.cmpf ogt, %gather3A_246, %select_n3A_241 : vector<16xf32>
      %select_n3A_251 = arith.select %gt3A_250, %broadcast_in_dim3A_248, %select_n3A_239 : vector<16xi1>, vector<16xi32>
      %select_n3A_252 = arith.select %gt3A_249, %select_n3A_242, %select_n3A_251 : vector<16xi1>, vector<16xi32>
      %select_n3A_253 = arith.select %gt3A_250, %gather3A_246, %select_n3A_241 : vector<16xi1>, vector<16xf32>
      %select_n3A_254 = arith.select %gt3A_249, %select_n3A_243, %select_n3A_253 : vector<16xi1>, vector<16xf32>
      %select_n3A_255 = arith.select %gt3A_249, %broadcast_in_dim3A_248, %select_n3A_242 : vector<16xi1>, vector<16xi32>
      %select_n3A_256 = arith.select %gt3A_249, %gather3A_246, %select_n3A_243 : vector<16xi1>, vector<16xf32>
      %broadcast_in_dim3A_257 = arith.constant 20 : i32
      %broadcast_in_dim3A_258 = vector.broadcast %broadcast_in_dim3A_257 : i32 to vector<16xi32>
      %gather3A_259 = tpu.vector_load_idx %arg7[%add3A_15, %broadcast_in_dim3A_258] : memref<256x64xf32, #tpu.memory_space<vmem>>[vector<16xi32>, vector<16xi32>], vector<16xf32>,
      %broadcast_in_dim3A_260 = arith.constant 20 : i32
      %broadcast_in_dim3A_261 = vector.broadcast %broadcast_in_dim3A_260 : i32 to vector<16xi32>
      %gt3A_262 = arith.cmpf ogt, %gather3A_259, %select_n3A_256 : vector<16xf32>
      %gt3A_263 = arith.cmpf ogt, %gather3A_259, %select_n3A_254 : vector<16xf32>
      %select_n3A_264 = arith.select %gt3A_263, %broadcast_in_dim3A_261, %select_n3A_252 : vector<16xi1>, vector<16xi32>
      %select_n3A_265 = arith.select %gt3A_262, %select_n3A_255, %select_n3A_264 : vector<16xi1>, vector<16xi32>
      %select_n3A_266 = arith.select %gt3A_263, %gather3A_259, %select_n3A_254 : vector<16xi1>, vector<16xf32>
      %select_n3A_267 = arith.select %gt3A_262, %select_n3A_256, %select_n3A_266 : vector<16xi1>, vector<16xf32>
      %select_n3A_268 = arith.select %gt3A_262, %broadcast_in_dim3A_261, %select_n3A_255 : vector<16xi1>, vector<16xi32>
      %select_n3A_269 = arith.select %gt3A_262, %gather3A_259, %select_n3A_256 : vector<16xi1>, vector<16xf32>
      %broadcast_in_dim3A_270 = arith.constant 21 : i32
      %broadcast_in_dim3A_271 = vector.broadcast %broadcast_in_dim3A_270 : i32 to vector<16xi32>
      %gather3A_272 = tpu.vector_load_idx %arg7[%add3A_15, %broadcast_in_dim3A_271] : memref<256x64xf32, #tpu.memory_space<vmem>>[vector<16xi32>, vector<16xi32>], vector<16xf32>,
      %broadcast_in_dim3A_273 = arith.constant 21 : i32
      %broadcast_in_dim3A_274 = vector.broadcast %broadcast_in_dim3A_273 : i32 to vector<16xi32>
      %gt3A_275 = arith.cmpf ogt, %gather3A_272, %select_n3A_269 : vector<16xf32>
      %gt3A_276 = arith.cmpf ogt, %gather3A_272, %select_n3A_267 : vector<16xf32>
      %select_n3A_277 = arith.select %gt3A_276, %broadcast_in_dim3A_274, %select_n3A_265 : vector<16xi1>, vector<16xi32>
      %select_n3A_278 = arith.select %gt3A_275, %select_n3A_268, %select_n3A_277 : vector<16xi1>, vector<16xi32>
      %select_n3A_279 = arith.select %gt3A_276, %gather3A_272, %select_n3A_267 : vector<16xi1>, vector<16xf32>
      %select_n3A_280 = arith.select %gt3A_275, %select_n3A_269, %select_n3A_279 : vector<16xi1>, vector<16xf32>
      %select_n3A_281 = arith.select %gt3A_275, %broadcast_in_dim3A_274, %select_n3A_268 : vector<16xi1>, vector<16xi32>
      %select_n3A_282 = arith.select %gt3A_275, %gather3A_272, %select_n3A_269 : vector<16xi1>, vector<16xf32>
      %broadcast_in_dim3A_283 = arith.constant 22 : i32
      %broadcast_in_dim3A_284 = vector.broadcast %broadcast_in_dim3A_283 : i32 to vector<16xi32>
      %gather3A_285 = tpu.vector_load_idx %arg7[%add3A_15, %broadcast_in_dim3A_284] : memref<256x64xf32, #tpu.memory_space<vmem>>[vector<16xi32>, vector<16xi32>], vector<16xf32>,
      %broadcast_in_dim3A_286 = arith.constant 22 : i32
      %broadcast_in_dim3A_287 = vector.broadcast %broadcast_in_dim3A_286 : i32 to vector<16xi32>
      %gt3A_288 = arith.cmpf ogt, %gather3A_285, %select_n3A_282 : vector<16xf32>
      %gt3A_289 = arith.cmpf ogt, %gather3A_285, %select_n3A_280 : vector<16xf32>
      %select_n3A_290 = arith.select %gt3A_289, %broadcast_in_dim3A_287, %select_n3A_278 : vector<16xi1>, vector<16xi32>
      %select_n3A_291 = arith.select %gt3A_288, %select_n3A_281, %select_n3A_290 : vector<16xi1>, vector<16xi32>
      %select_n3A_292 = arith.select %gt3A_289, %gather3A_285, %select_n3A_280 : vector<16xi1>, vector<16xf32>
      %select_n3A_293 = arith.select %gt3A_288, %select_n3A_282, %select_n3A_292 : vector<16xi1>, vector<16xf32>
      %select_n3A_294 = arith.select %gt3A_288, %broadcast_in_dim3A_287, %select_n3A_281 : vector<16xi1>, vector<16xi32>
      %select_n3A_295 = arith.select %gt3A_288, %gather3A_285, %select_n3A_282 : vector<16xi1>, vector<16xf32>
      %broadcast_in_dim3A_296 = arith.constant 23 : i32
      %broadcast_in_dim3A_297 = vector.broadcast %broadcast_in_dim3A_296 : i32 to vector<16xi32>
      %gather3A_298 = tpu.vector_load_idx %arg7[%add3A_15, %broadcast_in_dim3A_297] : memref<256x64xf32, #tpu.memory_space<vmem>>[vector<16xi32>, vector<16xi32>], vector<16xf32>,
      %broadcast_in_dim3A_299 = arith.constant 23 : i32
      %broadcast_in_dim3A_300 = vector.broadcast %broadcast_in_dim3A_299 : i32 to vector<16xi32>
      %gt3A_301 = arith.cmpf ogt, %gather3A_298, %select_n3A_295 : vector<16xf32>
      %gt3A_302 = arith.cmpf ogt, %gather3A_298, %select_n3A_293 : vector<16xf32>
      %select_n3A_303 = arith.select %gt3A_302, %broadcast_in_dim3A_300, %select_n3A_291 : vector<16xi1>, vector<16xi32>
      %select_n3A_304 = arith.select %gt3A_301, %select_n3A_294, %select_n3A_303 : vector<16xi1>, vector<16xi32>
      %select_n3A_305 = arith.select %gt3A_302, %gather3A_298, %select_n3A_293 : vector<16xi1>, vector<16xf32>
      %select_n3A_306 = arith.select %gt3A_301, %select_n3A_295, %select_n3A_305 : vector<16xi1>, vector<16xf32>
      %select_n3A_307 = arith.select %gt3A_301, %broadcast_in_dim3A_300, %select_n3A_294 : vector<16xi1>, vector<16xi32>
      %select_n3A_308 = arith.select %gt3A_301, %gather3A_298, %select_n3A_295 : vector<16xi1>, vector<16xf32>
      %broadcast_in_dim3A_309 = arith.constant 24 : i32
      %broadcast_in_dim3A_310 = vector.broadcast %broadcast_in_dim3A_309 : i32 to vector<16xi32>
      %gather3A_311 = tpu.vector_load_idx %arg7[%add3A_15, %broadcast_in_dim3A_310] : memref<256x64xf32, #tpu.memory_space<vmem>>[vector<16xi32>, vector<16xi32>], vector<16xf32>,
      %broadcast_in_dim3A_312 = arith.constant 24 : i32
      %broadcast_in_dim3A_313 = vector.broadcast %broadcast_in_dim3A_312 : i32 to vector<16xi32>
      %gt3A_314 = arith.cmpf ogt, %gather3A_311, %select_n3A_308 : vector<16xf32>
      %gt3A_315 = arith.cmpf ogt, %gather3A_311, %select_n3A_306 : vector<16xf32>
      %select_n3A_316 = arith.select %gt3A_315, %broadcast_in_dim3A_313, %select_n3A_304 : vector<16xi1>, vector<16xi32>
      %select_n3A_317 = arith.select %gt3A_314, %select_n3A_307, %select_n3A_316 : vector<16xi1>, vector<16xi32>
      %select_n3A_318 = arith.select %gt3A_315, %gather3A_311, %select_n3A_306 : vector<16xi1>, vector<16xf32>
      %select_n3A_319 = arith.select %gt3A_314, %select_n3A_308, %select_n3A_318 : vector<16xi1>, vector<16xf32>
      %select_n3A_320 = arith.select %gt3A_314, %broadcast_in_dim3A_313, %select_n3A_307 : vector<16xi1>, vector<16xi32>
      %select_n3A_321 = arith.select %gt3A_314, %gather3A_311, %select_n3A_308 : vector<16xi1>, vector<16xf32>
      %broadcast_in_dim3A_322 = arith.constant 25 : i32
      %broadcast_in_dim3A_323 = vector.broadcast %broadcast_in_dim3A_322 : i32 to vector<16xi32>
      %gather3A_324 = tpu.vector_load_idx %arg7[%add3A_15, %broadcast_in_dim3A_323] : memref<256x64xf32, #tpu.memory_space<vmem>>[vector<16xi32>, vector<16xi32>], vector<16xf32>,
      %broadcast_in_dim3A_325 = arith.constant 25 : i32
      %broadcast_in_dim3A_326 = vector.broadcast %broadcast_in_dim3A_325 : i32 to vector<16xi32>
      %gt3A_327 = arith.cmpf ogt, %gather3A_324, %select_n3A_321 : vector<16xf32>
      %gt3A_328 = arith.cmpf ogt, %gather3A_324, %select_n3A_319 : vector<16xf32>
      %select_n3A_329 = arith.select %gt3A_328, %broadcast_in_dim3A_326, %select_n3A_317 : vector<16xi1>, vector<16xi32>
      %select_n3A_330 = arith.select %gt3A_327, %select_n3A_320, %select_n3A_329 : vector<16xi1>, vector<16xi32>
      %select_n3A_331 = arith.select %gt3A_328, %gather3A_324, %select_n3A_319 : vector<16xi1>, vector<16xf32>
      %select_n3A_332 = arith.select %gt3A_327, %select_n3A_321, %select_n3A_331 : vector<16xi1>, vector<16xf32>
      %select_n3A_333 = arith.select %gt3A_327, %broadcast_in_dim3A_326, %select_n3A_320 : vector<16xi1>, vector<16xi32>
      %select_n3A_334 = arith.select %gt3A_327, %gather3A_324, %select_n3A_321 : vector<16xi1>, vector<16xf32>
      %broadcast_in_dim3A_335 = arith.constant 26 : i32
      %broadcast_in_dim3A_336 = vector.broadcast %broadcast_in_dim3A_335 : i32 to vector<16xi32>
      %gather3A_337 = tpu.vector_load_idx %arg7[%add3A_15, %broadcast_in_dim3A_336] : memref<256x64xf32, #tpu.memory_space<vmem>>[vector<16xi32>, vector<16xi32>], vector<16xf32>,
      %broadcast_in_dim3A_338 = arith.constant 26 : i32
      %broadcast_in_dim3A_339 = vector.broadcast %broadcast_in_dim3A_338 : i32 to vector<16xi32>
      %gt3A_340 = arith.cmpf ogt, %gather3A_337, %select_n3A_334 : vector<16xf32>
      %gt3A_341 = arith.cmpf ogt, %gather3A_337, %select_n3A_332 : vector<16xf32>
      %select_n3A_342 = arith.select %gt3A_341, %broadcast_in_dim3A_339, %select_n3A_330 : vector<16xi1>, vector<16xi32>
      %select_n3A_343 = arith.select %gt3A_340, %select_n3A_333, %select_n3A_342 : vector<16xi1>, vector<16xi32>
      %select_n3A_344 = arith.select %gt3A_341, %gather3A_337, %select_n3A_332 : vector<16xi1>, vector<16xf32>
      %select_n3A_345 = arith.select %gt3A_340, %select_n3A_334, %select_n3A_344 : vector<16xi1>, vector<16xf32>
      %select_n3A_346 = arith.select %gt3A_340, %broadcast_in_dim3A_339, %select_n3A_333 : vector<16xi1>, vector<16xi32>
      %select_n3A_347 = arith.select %gt3A_340, %gather3A_337, %select_n3A_334 : vector<16xi1>, vector<16xf32>
      %broadcast_in_dim3A_348 = arith.constant 27 : i32
      %broadcast_in_dim3A_349 = vector.broadcast %broadcast_in_dim3A_348 : i32 to vector<16xi32>
      %gather3A_350 = tpu.vector_load_idx %arg7[%add3A_15, %broadcast_in_dim3A_349] : memref<256x64xf32, #tpu.memory_space<vmem>>[vector<16xi32>, vector<16xi32>], vector<16xf32>,
      %broadcast_in_dim3A_351 = arith.constant 27 : i32
      %broadcast_in_dim3A_352 = vector.broadcast %broadcast_in_dim3A_351 : i32 to vector<16xi32>
      %gt3A_353 = arith.cmpf ogt, %gather3A_350, %select_n3A_347 : vector<16xf32>
      %gt3A_354 = arith.cmpf ogt, %gather3A_350, %select_n3A_345 : vector<16xf32>
      %select_n3A_355 = arith.select %gt3A_354, %broadcast_in_dim3A_352, %select_n3A_343 : vector<16xi1>, vector<16xi32>
      %select_n3A_356 = arith.select %gt3A_353, %select_n3A_346, %select_n3A_355 : vector<16xi1>, vector<16xi32>
      %select_n3A_357 = arith.select %gt3A_354, %gather3A_350, %select_n3A_345 : vector<16xi1>, vector<16xf32>
      %select_n3A_358 = arith.select %gt3A_353, %select_n3A_347, %select_n3A_357 : vector<16xi1>, vector<16xf32>
      %select_n3A_359 = arith.select %gt3A_353, %broadcast_in_dim3A_352, %select_n3A_346 : vector<16xi1>, vector<16xi32>
      %select_n3A_360 = arith.select %gt3A_353, %gather3A_350, %select_n3A_347 : vector<16xi1>, vector<16xf32>
      %broadcast_in_dim3A_361 = arith.constant 28 : i32
      %broadcast_in_dim3A_362 = vector.broadcast %broadcast_in_dim3A_361 : i32 to vector<16xi32>
      %gather3A_363 = tpu.vector_load_idx %arg7[%add3A_15, %broadcast_in_dim3A_362] : memref<256x64xf32, #tpu.memory_space<vmem>>[vector<16xi32>, vector<16xi32>], vector<16xf32>,
      %broadcast_in_dim3A_364 = arith.constant 28 : i32
      %broadcast_in_dim3A_365 = vector.broadcast %broadcast_in_dim3A_364 : i32 to vector<16xi32>
      %gt3A_366 = arith.cmpf ogt, %gather3A_363, %select_n3A_360 : vector<16xf32>
      %gt3A_367 = arith.cmpf ogt, %gather3A_363, %select_n3A_358 : vector<16xf32>
      %select_n3A_368 = arith.select %gt3A_367, %broadcast_in_dim3A_365, %select_n3A_356 : vector<16xi1>, vector<16xi32>
      %select_n3A_369 = arith.select %gt3A_366, %select_n3A_359, %select_n3A_368 : vector<16xi1>, vector<16xi32>
      %select_n3A_370 = arith.select %gt3A_367, %gather3A_363, %select_n3A_358 : vector<16xi1>, vector<16xf32>
      %select_n3A_371 = arith.select %gt3A_366, %select_n3A_360, %select_n3A_370 : vector<16xi1>, vector<16xf32>
      %select_n3A_372 = arith.select %gt3A_366, %broadcast_in_dim3A_365, %select_n3A_359 : vector<16xi1>, vector<16xi32>
      %select_n3A_373 = arith.select %gt3A_366, %gather3A_363, %select_n3A_360 : vector<16xi1>, vector<16xf32>
      %broadcast_in_dim3A_374 = arith.constant 29 : i32
      %broadcast_in_dim3A_375 = vector.broadcast %broadcast_in_dim3A_374 : i32 to vector<16xi32>
      %gather3A_376 = tpu.vector_load_idx %arg7[%add3A_15, %broadcast_in_dim3A_375] : memref<256x64xf32, #tpu.memory_space<vmem>>[vector<16xi32>, vector<16xi32>], vector<16xf32>,
      %broadcast_in_dim3A_377 = arith.constant 29 : i32
      %broadcast_in_dim3A_378 = vector.broadcast %broadcast_in_dim3A_377 : i32 to vector<16xi32>
      %gt3A_379 = arith.cmpf ogt, %gather3A_376, %select_n3A_373 : vector<16xf32>
      %gt3A_380 = arith.cmpf ogt, %gather3A_376, %select_n3A_371 : vector<16xf32>
      %select_n3A_381 = arith.select %gt3A_380, %broadcast_in_dim3A_378, %select_n3A_369 : vector<16xi1>, vector<16xi32>
      %select_n3A_382 = arith.select %gt3A_379, %select_n3A_372, %select_n3A_381 : vector<16xi1>, vector<16xi32>
      %select_n3A_383 = arith.select %gt3A_380, %gather3A_376, %select_n3A_371 : vector<16xi1>, vector<16xf32>
      %select_n3A_384 = arith.select %gt3A_379, %select_n3A_373, %select_n3A_383 : vector<16xi1>, vector<16xf32>
      %select_n3A_385 = arith.select %gt3A_379, %broadcast_in_dim3A_378, %select_n3A_372 : vector<16xi1>, vector<16xi32>
      %select_n3A_386 = arith.select %gt3A_379, %gather3A_376, %select_n3A_373 : vector<16xi1>, vector<16xf32>
      %broadcast_in_dim3A_387 = arith.constant 30 : i32
      %broadcast_in_dim3A_388 = vector.broadcast %broadcast_in_dim3A_387 : i32 to vector<16xi32>
      %gather3A_389 = tpu.vector_load_idx %arg7[%add3A_15, %broadcast_in_dim3A_388] : memref<256x64xf32, #tpu.memory_space<vmem>>[vector<16xi32>, vector<16xi32>], vector<16xf32>,
      %broadcast_in_dim3A_390 = arith.constant 30 : i32
      %broadcast_in_dim3A_391 = vector.broadcast %broadcast_in_dim3A_390 : i32 to vector<16xi32>
      %gt3A_392 = arith.cmpf ogt, %gather3A_389, %select_n3A_386 : vector<16xf32>
      %gt3A_393 = arith.cmpf ogt, %gather3A_389, %select_n3A_384 : vector<16xf32>
      %select_n3A_394 = arith.select %gt3A_393, %broadcast_in_dim3A_391, %select_n3A_382 : vector<16xi1>, vector<16xi32>
      %select_n3A_395 = arith.select %gt3A_392, %select_n3A_385, %select_n3A_394 : vector<16xi1>, vector<16xi32>
      %select_n3A_396 = arith.select %gt3A_393, %gather3A_389, %select_n3A_384 : vector<16xi1>, vector<16xf32>
      %select_n3A_397 = arith.select %gt3A_392, %select_n3A_386, %select_n3A_396 : vector<16xi1>, vector<16xf32>
      %select_n3A_398 = arith.select %gt3A_392, %broadcast_in_dim3A_391, %select_n3A_385 : vector<16xi1>, vector<16xi32>
      %select_n3A_399 = arith.select %gt3A_392, %gather3A_389, %select_n3A_386 : vector<16xi1>, vector<16xf32>
      %broadcast_in_dim3A_400 = arith.constant 31 : i32
      %broadcast_in_dim3A_401 = vector.broadcast %broadcast_in_dim3A_400 : i32 to vector<16xi32>
      %gather3A_402 = tpu.vector_load_idx %arg7[%add3A_15, %broadcast_in_dim3A_401] : memref<256x64xf32, #tpu.memory_space<vmem>>[vector<16xi32>, vector<16xi32>], vector<16xf32>,
      %broadcast_in_dim3A_403 = arith.constant 31 : i32
      %broadcast_in_dim3A_404 = vector.broadcast %broadcast_in_dim3A_403 : i32 to vector<16xi32>
      %gt3A_405 = arith.cmpf ogt, %gather3A_402, %select_n3A_399 : vector<16xf32>
      %gt3A_406 = arith.cmpf ogt, %gather3A_402, %select_n3A_397 : vector<16xf32>
      %select_n3A_407 = arith.select %gt3A_406, %broadcast_in_dim3A_404, %select_n3A_395 : vector<16xi1>, vector<16xi32>
      %select_n3A_408 = arith.select %gt3A_405, %select_n3A_398, %select_n3A_407 : vector<16xi1>, vector<16xi32>
      %select_n3A_409 = arith.select %gt3A_406, %gather3A_402, %select_n3A_397 : vector<16xi1>, vector<16xf32>
      %select_n3A_410 = arith.select %gt3A_405, %select_n3A_399, %select_n3A_409 : vector<16xi1>, vector<16xf32>
      %select_n3A_411 = arith.select %gt3A_405, %broadcast_in_dim3A_404, %select_n3A_398 : vector<16xi1>, vector<16xi32>
      %select_n3A_412 = arith.select %gt3A_405, %gather3A_402, %select_n3A_399 : vector<16xi1>, vector<16xf32>
      %broadcast_in_dim3A_413 = arith.constant 32 : i32
      %broadcast_in_dim3A_414 = vector.broadcast %broadcast_in_dim3A_413 : i32 to vector<16xi32>
      %gather3A_415 = tpu.vector_load_idx %arg7[%add3A_15, %broadcast_in_dim3A_414] : memref<256x64xf32, #tpu.memory_space<vmem>>[vector<16xi32>, vector<16xi32>], vector<16xf32>,
      %broadcast_in_dim3A_416 = arith.constant 32 : i32
      %broadcast_in_dim3A_417 = vector.broadcast %broadcast_in_dim3A_416 : i32 to vector<16xi32>
      %broadcast_in_dim3A_418 = arith.constant 33 : i32
      %broadcast_in_dim3A_419 = vector.broadcast %broadcast_in_dim3A_418 : i32 to vector<16xi32>
      %gather3A_420 = tpu.vector_load_idx %arg7[%add3A_15, %broadcast_in_dim3A_419] : memref<256x64xf32, #tpu.memory_space<vmem>>[vector<16xi32>, vector<16xi32>], vector<16xf32>,
      %broadcast_in_dim3A_421 = arith.constant 33 : i32
      %broadcast_in_dim3A_422 = vector.broadcast %broadcast_in_dim3A_421 : i32 to vector<16xi32>
      %gt3A_423 = arith.cmpf ogt, %gather3A_420, %gather3A_415 : vector<16xf32>
      %gt3A_424 = arith.cmpf ogt, %gather3A_420, %broadcast_in_dim3A_3 : vector<16xf32>
      %select_n3A_425 = arith.select %gt3A_424, %broadcast_in_dim3A_422, %broadcast_in_dim3A_417 : vector<16xi1>, vector<16xi32>
      %select_n3A_426 = arith.select %gt3A_423, %broadcast_in_dim3A_417, %select_n3A_425 : vector<16xi1>, vector<16xi32>
      %select_n3A_427 = arith.select %gt3A_424, %gather3A_420, %broadcast_in_dim3A_3 : vector<16xi1>, vector<16xf32>
      %select_n3A_428 = arith.select %gt3A_423, %gather3A_415, %select_n3A_427 : vector<16xi1>, vector<16xf32>
      %select_n3A_429 = arith.select %gt3A_423, %broadcast_in_dim3A_422, %broadcast_in_dim3A_417 : vector<16xi1>, vector<16xi32>
      %select_n3A_430 = arith.select %gt3A_423, %gather3A_420, %gather3A_415 : vector<16xi1>, vector<16xf32>
      %broadcast_in_dim3A_431 = arith.constant 34 : i32
      %broadcast_in_dim3A_432 = vector.broadcast %broadcast_in_dim3A_431 : i32 to vector<16xi32>
      %gather3A_433 = tpu.vector_load_idx %arg7[%add3A_15, %broadcast_in_dim3A_432] : memref<256x64xf32, #tpu.memory_space<vmem>>[vector<16xi32>, vector<16xi32>], vector<16xf32>,
      %broadcast_in_dim3A_434 = arith.constant 34 : i32
      %broadcast_in_dim3A_435 = vector.broadcast %broadcast_in_dim3A_434 : i32 to vector<16xi32>
      %gt3A_436 = arith.cmpf ogt, %gather3A_433, %select_n3A_430 : vector<16xf32>
      %gt3A_437 = arith.cmpf ogt, %gather3A_433, %select_n3A_428 : vector<16xf32>
      %select_n3A_438 = arith.select %gt3A_437, %broadcast_in_dim3A_435, %select_n3A_426 : vector<16xi1>, vector<16xi32>
      %select_n3A_439 = arith.select %gt3A_436, %select_n3A_429, %select_n3A_438 : vector<16xi1>, vector<16xi32>
      %select_n3A_440 = arith.select %gt3A_437, %gather3A_433, %select_n3A_428 : vector<16xi1>, vector<16xf32>
      %select_n3A_441 = arith.select %gt3A_436, %select_n3A_430, %select_n3A_440 : vector<16xi1>, vector<16xf32>
      %select_n3A_442 = arith.select %gt3A_436, %broadcast_in_dim3A_435, %select_n3A_429 : vector<16xi1>, vector<16xi32>
      %select_n3A_443 = arith.select %gt3A_436, %gather3A_433, %select_n3A_430 : vector<16xi1>, vector<16xf32>
      %broadcast_in_dim3A_444 = arith.constant 35 : i32
      %broadcast_in_dim3A_445 = vector.broadcast %broadcast_in_dim3A_444 : i32 to vector<16xi32>
      %gather3A_446 = tpu.vector_load_idx %arg7[%add3A_15, %broadcast_in_dim3A_445] : memref<256x64xf32, #tpu.memory_space<vmem>>[vector<16xi32>, vector<16xi32>], vector<16xf32>,
      %broadcast_in_dim3A_447 = arith.constant 35 : i32
      %broadcast_in_dim3A_448 = vector.broadcast %broadcast_in_dim3A_447 : i32 to vector<16xi32>
      %gt3A_449 = arith.cmpf ogt, %gather3A_446, %select_n3A_443 : vector<16xf32>
      %gt3A_450 = arith.cmpf ogt, %gather3A_446, %select_n3A_441 : vector<16xf32>
      %select_n3A_451 = arith.select %gt3A_450, %broadcast_in_dim3A_448, %select_n3A_439 : vector<16xi1>, vector<16xi32>
      %select_n3A_452 = arith.select %gt3A_449, %select_n3A_442, %select_n3A_451 : vector<16xi1>, vector<16xi32>
      %select_n3A_453 = arith.select %gt3A_450, %gather3A_446, %select_n3A_441 : vector<16xi1>, vector<16xf32>
      %select_n3A_454 = arith.select %gt3A_449, %select_n3A_443, %select_n3A_453 : vector<16xi1>, vector<16xf32>
      %select_n3A_455 = arith.select %gt3A_449, %broadcast_in_dim3A_448, %select_n3A_442 : vector<16xi1>, vector<16xi32>
      %select_n3A_456 = arith.select %gt3A_449, %gather3A_446, %select_n3A_443 : vector<16xi1>, vector<16xf32>
      %broadcast_in_dim3A_457 = arith.constant 36 : i32
      %broadcast_in_dim3A_458 = vector.broadcast %broadcast_in_dim3A_457 : i32 to vector<16xi32>
      %gather3A_459 = tpu.vector_load_idx %arg7[%add3A_15, %broadcast_in_dim3A_458] : memref<256x64xf32, #tpu.memory_space<vmem>>[vector<16xi32>, vector<16xi32>], vector<16xf32>,
      %broadcast_in_dim3A_460 = arith.constant 36 : i32
      %broadcast_in_dim3A_461 = vector.broadcast %broadcast_in_dim3A_460 : i32 to vector<16xi32>
      %gt3A_462 = arith.cmpf ogt, %gather3A_459, %select_n3A_456 : vector<16xf32>
      %gt3A_463 = arith.cmpf ogt, %gather3A_459, %select_n3A_454 : vector<16xf32>
      %select_n3A_464 = arith.select %gt3A_463, %broadcast_in_dim3A_461, %select_n3A_452 : vector<16xi1>, vector<16xi32>
      %select_n3A_465 = arith.select %gt3A_462, %select_n3A_455, %select_n3A_464 : vector<16xi1>, vector<16xi32>
      %select_n3A_466 = arith.select %gt3A_463, %gather3A_459, %select_n3A_454 : vector<16xi1>, vector<16xf32>
      %select_n3A_467 = arith.select %gt3A_462, %select_n3A_456, %select_n3A_466 : vector<16xi1>, vector<16xf32>
      %select_n3A_468 = arith.select %gt3A_462, %broadcast_in_dim3A_461, %select_n3A_455 : vector<16xi1>, vector<16xi32>
      %select_n3A_469 = arith.select %gt3A_462, %gather3A_459, %select_n3A_456 : vector<16xi1>, vector<16xf32>
      %broadcast_in_dim3A_470 = arith.constant 37 : i32
      %broadcast_in_dim3A_471 = vector.broadcast %broadcast_in_dim3A_470 : i32 to vector<16xi32>
      %gather3A_472 = tpu.vector_load_idx %arg7[%add3A_15, %broadcast_in_dim3A_471] : memref<256x64xf32, #tpu.memory_space<vmem>>[vector<16xi32>, vector<16xi32>], vector<16xf32>,
      %broadcast_in_dim3A_473 = arith.constant 37 : i32
      %broadcast_in_dim3A_474 = vector.broadcast %broadcast_in_dim3A_473 : i32 to vector<16xi32>
      %gt3A_475 = arith.cmpf ogt, %gather3A_472, %select_n3A_469 : vector<16xf32>
      %gt3A_476 = arith.cmpf ogt, %gather3A_472, %select_n3A_467 : vector<16xf32>
      %select_n3A_477 = arith.select %gt3A_476, %broadcast_in_dim3A_474, %select_n3A_465 : vector<16xi1>, vector<16xi32>
      %select_n3A_478 = arith.select %gt3A_475, %select_n3A_468, %select_n3A_477 : vector<16xi1>, vector<16xi32>
      %select_n3A_479 = arith.select %gt3A_476, %gather3A_472, %select_n3A_467 : vector<16xi1>, vector<16xf32>
      %select_n3A_480 = arith.select %gt3A_475, %select_n3A_469, %select_n3A_479 : vector<16xi1>, vector<16xf32>
      %select_n3A_481 = arith.select %gt3A_475, %broadcast_in_dim3A_474, %select_n3A_468 : vector<16xi1>, vector<16xi32>
      %select_n3A_482 = arith.select %gt3A_475, %gather3A_472, %select_n3A_469 : vector<16xi1>, vector<16xf32>
      %broadcast_in_dim3A_483 = arith.constant 38 : i32
      %broadcast_in_dim3A_484 = vector.broadcast %broadcast_in_dim3A_483 : i32 to vector<16xi32>
      %gather3A_485 = tpu.vector_load_idx %arg7[%add3A_15, %broadcast_in_dim3A_484] : memref<256x64xf32, #tpu.memory_space<vmem>>[vector<16xi32>, vector<16xi32>], vector<16xf32>,
      %broadcast_in_dim3A_486 = arith.constant 38 : i32
      %broadcast_in_dim3A_487 = vector.broadcast %broadcast_in_dim3A_486 : i32 to vector<16xi32>
      %gt3A_488 = arith.cmpf ogt, %gather3A_485, %select_n3A_482 : vector<16xf32>
      %gt3A_489 = arith.cmpf ogt, %gather3A_485, %select_n3A_480 : vector<16xf32>
      %select_n3A_490 = arith.select %gt3A_489, %broadcast_in_dim3A_487, %select_n3A_478 : vector<16xi1>, vector<16xi32>
      %select_n3A_491 = arith.select %gt3A_488, %select_n3A_481, %select_n3A_490 : vector<16xi1>, vector<16xi32>
      %select_n3A_492 = arith.select %gt3A_489, %gather3A_485, %select_n3A_480 : vector<16xi1>, vector<16xf32>
      %select_n3A_493 = arith.select %gt3A_488, %select_n3A_482, %select_n3A_492 : vector<16xi1>, vector<16xf32>
      %select_n3A_494 = arith.select %gt3A_488, %broadcast_in_dim3A_487, %select_n3A_481 : vector<16xi1>, vector<16xi32>
      %select_n3A_495 = arith.select %gt3A_488, %gather3A_485, %select_n3A_482 : vector<16xi1>, vector<16xf32>
      %broadcast_in_dim3A_496 = arith.constant 39 : i32
      %broadcast_in_dim3A_497 = vector.broadcast %broadcast_in_dim3A_496 : i32 to vector<16xi32>
      %gather3A_498 = tpu.vector_load_idx %arg7[%add3A_15, %broadcast_in_dim3A_497] : memref<256x64xf32, #tpu.memory_space<vmem>>[vector<16xi32>, vector<16xi32>], vector<16xf32>,
      %broadcast_in_dim3A_499 = arith.constant 39 : i32
      %broadcast_in_dim3A_500 = vector.broadcast %broadcast_in_dim3A_499 : i32 to vector<16xi32>
      %gt3A_501 = arith.cmpf ogt, %gather3A_498, %select_n3A_495 : vector<16xf32>
      %gt3A_502 = arith.cmpf ogt, %gather3A_498, %select_n3A_493 : vector<16xf32>
      %select_n3A_503 = arith.select %gt3A_502, %broadcast_in_dim3A_500, %select_n3A_491 : vector<16xi1>, vector<16xi32>
      %select_n3A_504 = arith.select %gt3A_501, %select_n3A_494, %select_n3A_503 : vector<16xi1>, vector<16xi32>
      %select_n3A_505 = arith.select %gt3A_502, %gather3A_498, %select_n3A_493 : vector<16xi1>, vector<16xf32>
      %select_n3A_506 = arith.select %gt3A_501, %select_n3A_495, %select_n3A_505 : vector<16xi1>, vector<16xf32>
      %select_n3A_507 = arith.select %gt3A_501, %broadcast_in_dim3A_500, %select_n3A_494 : vector<16xi1>, vector<16xi32>
      %select_n3A_508 = arith.select %gt3A_501, %gather3A_498, %select_n3A_495 : vector<16xi1>, vector<16xf32>
      %broadcast_in_dim3A_509 = arith.constant 40 : i32
      %broadcast_in_dim3A_510 = vector.broadcast %broadcast_in_dim3A_509 : i32 to vector<16xi32>
      %gather3A_511 = tpu.vector_load_idx %arg7[%add3A_15, %broadcast_in_dim3A_510] : memref<256x64xf32, #tpu.memory_space<vmem>>[vector<16xi32>, vector<16xi32>], vector<16xf32>,
      %broadcast_in_dim3A_512 = arith.constant 40 : i32
      %broadcast_in_dim3A_513 = vector.broadcast %broadcast_in_dim3A_512 : i32 to vector<16xi32>
      %gt3A_514 = arith.cmpf ogt, %gather3A_511, %select_n3A_508 : vector<16xf32>
      %gt3A_515 = arith.cmpf ogt, %gather3A_511, %select_n3A_506 : vector<16xf32>
      %select_n3A_516 = arith.select %gt3A_515, %broadcast_in_dim3A_513, %select_n3A_504 : vector<16xi1>, vector<16xi32>
      %select_n3A_517 = arith.select %gt3A_514, %select_n3A_507, %select_n3A_516 : vector<16xi1>, vector<16xi32>
      %select_n3A_518 = arith.select %gt3A_515, %gather3A_511, %select_n3A_506 : vector<16xi1>, vector<16xf32>
      %select_n3A_519 = arith.select %gt3A_514, %select_n3A_508, %select_n3A_518 : vector<16xi1>, vector<16xf32>
      %select_n3A_520 = arith.select %gt3A_514, %broadcast_in_dim3A_513, %select_n3A_507 : vector<16xi1>, vector<16xi32>
      %select_n3A_521 = arith.select %gt3A_514, %gather3A_511, %select_n3A_508 : vector<16xi1>, vector<16xf32>
      %broadcast_in_dim3A_522 = arith.constant 41 : i32
      %broadcast_in_dim3A_523 = vector.broadcast %broadcast_in_dim3A_522 : i32 to vector<16xi32>
      %gather3A_524 = tpu.vector_load_idx %arg7[%add3A_15, %broadcast_in_dim3A_523] : memref<256x64xf32, #tpu.memory_space<vmem>>[vector<16xi32>, vector<16xi32>], vector<16xf32>,
      %broadcast_in_dim3A_525 = arith.constant 41 : i32
      %broadcast_in_dim3A_526 = vector.broadcast %broadcast_in_dim3A_525 : i32 to vector<16xi32>
      %gt3A_527 = arith.cmpf ogt, %gather3A_524, %select_n3A_521 : vector<16xf32>
      %gt3A_528 = arith.cmpf ogt, %gather3A_524, %select_n3A_519 : vector<16xf32>
      %select_n3A_529 = arith.select %gt3A_528, %broadcast_in_dim3A_526, %select_n3A_517 : vector<16xi1>, vector<16xi32>
      %select_n3A_530 = arith.select %gt3A_527, %select_n3A_520, %select_n3A_529 : vector<16xi1>, vector<16xi32>
      %select_n3A_531 = arith.select %gt3A_528, %gather3A_524, %select_n3A_519 : vector<16xi1>, vector<16xf32>
      %select_n3A_532 = arith.select %gt3A_527, %select_n3A_521, %select_n3A_531 : vector<16xi1>, vector<16xf32>
      %select_n3A_533 = arith.select %gt3A_527, %broadcast_in_dim3A_526, %select_n3A_520 : vector<16xi1>, vector<16xi32>
      %select_n3A_534 = arith.select %gt3A_527, %gather3A_524, %select_n3A_521 : vector<16xi1>, vector<16xf32>
      %broadcast_in_dim3A_535 = arith.constant 42 : i32
      %broadcast_in_dim3A_536 = vector.broadcast %broadcast_in_dim3A_535 : i32 to vector<16xi32>
      %gather3A_537 = tpu.vector_load_idx %arg7[%add3A_15, %broadcast_in_dim3A_536] : memref<256x64xf32, #tpu.memory_space<vmem>>[vector<16xi32>, vector<16xi32>], vector<16xf32>,
      %broadcast_in_dim3A_538 = arith.constant 42 : i32
      %broadcast_in_dim3A_539 = vector.broadcast %broadcast_in_dim3A_538 : i32 to vector<16xi32>
      %gt3A_540 = arith.cmpf ogt, %gather3A_537, %select_n3A_534 : vector<16xf32>
      %gt3A_541 = arith.cmpf ogt, %gather3A_537, %select_n3A_532 : vector<16xf32>
      %select_n3A_542 = arith.select %gt3A_541, %broadcast_in_dim3A_539, %select_n3A_530 : vector<16xi1>, vector<16xi32>
      %select_n3A_543 = arith.select %gt3A_540, %select_n3A_533, %select_n3A_542 : vector<16xi1>, vector<16xi32>
      %select_n3A_544 = arith.select %gt3A_541, %gather3A_537, %select_n3A_532 : vector<16xi1>, vector<16xf32>
      %select_n3A_545 = arith.select %gt3A_540, %select_n3A_534, %select_n3A_544 : vector<16xi1>, vector<16xf32>
      %select_n3A_546 = arith.select %gt3A_540, %broadcast_in_dim3A_539, %select_n3A_533 : vector<16xi1>, vector<16xi32>
      %select_n3A_547 = arith.select %gt3A_540, %gather3A_537, %select_n3A_534 : vector<16xi1>, vector<16xf32>
      %broadcast_in_dim3A_548 = arith.constant 43 : i32
      %broadcast_in_dim3A_549 = vector.broadcast %broadcast_in_dim3A_548 : i32 to vector<16xi32>
      %gather3A_550 = tpu.vector_load_idx %arg7[%add3A_15, %broadcast_in_dim3A_549] : memref<256x64xf32, #tpu.memory_space<vmem>>[vector<16xi32>, vector<16xi32>], vector<16xf32>,
      %broadcast_in_dim3A_551 = arith.constant 43 : i32
      %broadcast_in_dim3A_552 = vector.broadcast %broadcast_in_dim3A_551 : i32 to vector<16xi32>
      %gt3A_553 = arith.cmpf ogt, %gather3A_550, %select_n3A_547 : vector<16xf32>
      %gt3A_554 = arith.cmpf ogt, %gather3A_550, %select_n3A_545 : vector<16xf32>
      %select_n3A_555 = arith.select %gt3A_554, %broadcast_in_dim3A_552, %select_n3A_543 : vector<16xi1>, vector<16xi32>
      %select_n3A_556 = arith.select %gt3A_553, %select_n3A_546, %select_n3A_555 : vector<16xi1>, vector<16xi32>
      %select_n3A_557 = arith.select %gt3A_554, %gather3A_550, %select_n3A_545 : vector<16xi1>, vector<16xf32>
      %select_n3A_558 = arith.select %gt3A_553, %select_n3A_547, %select_n3A_557 : vector<16xi1>, vector<16xf32>
      %select_n3A_559 = arith.select %gt3A_553, %broadcast_in_dim3A_552, %select_n3A_546 : vector<16xi1>, vector<16xi32>
      %select_n3A_560 = arith.select %gt3A_553, %gather3A_550, %select_n3A_547 : vector<16xi1>, vector<16xf32>
      %broadcast_in_dim3A_561 = arith.constant 44 : i32
      %broadcast_in_dim3A_562 = vector.broadcast %broadcast_in_dim3A_561 : i32 to vector<16xi32>
      %gather3A_563 = tpu.vector_load_idx %arg7[%add3A_15, %broadcast_in_dim3A_562] : memref<256x64xf32, #tpu.memory_space<vmem>>[vector<16xi32>, vector<16xi32>], vector<16xf32>,
      %broadcast_in_dim3A_564 = arith.constant 44 : i32
      %broadcast_in_dim3A_565 = vector.broadcast %broadcast_in_dim3A_564 : i32 to vector<16xi32>
      %gt3A_566 = arith.cmpf ogt, %gather3A_563, %select_n3A_560 : vector<16xf32>
      %gt3A_567 = arith.cmpf ogt, %gather3A_563, %select_n3A_558 : vector<16xf32>
      %select_n3A_568 = arith.select %gt3A_567, %broadcast_in_dim3A_565, %select_n3A_556 : vector<16xi1>, vector<16xi32>
      %select_n3A_569 = arith.select %gt3A_566, %select_n3A_559, %select_n3A_568 : vector<16xi1>, vector<16xi32>
      %select_n3A_570 = arith.select %gt3A_567, %gather3A_563, %select_n3A_558 : vector<16xi1>, vector<16xf32>
      %select_n3A_571 = arith.select %gt3A_566, %select_n3A_560, %select_n3A_570 : vector<16xi1>, vector<16xf32>
      %select_n3A_572 = arith.select %gt3A_566, %broadcast_in_dim3A_565, %select_n3A_559 : vector<16xi1>, vector<16xi32>
      %select_n3A_573 = arith.select %gt3A_566, %gather3A_563, %select_n3A_560 : vector<16xi1>, vector<16xf32>
      %broadcast_in_dim3A_574 = arith.constant 45 : i32
      %broadcast_in_dim3A_575 = vector.broadcast %broadcast_in_dim3A_574 : i32 to vector<16xi32>
      %gather3A_576 = tpu.vector_load_idx %arg7[%add3A_15, %broadcast_in_dim3A_575] : memref<256x64xf32, #tpu.memory_space<vmem>>[vector<16xi32>, vector<16xi32>], vector<16xf32>,
      %broadcast_in_dim3A_577 = arith.constant 45 : i32
      %broadcast_in_dim3A_578 = vector.broadcast %broadcast_in_dim3A_577 : i32 to vector<16xi32>
      %gt3A_579 = arith.cmpf ogt, %gather3A_576, %select_n3A_573 : vector<16xf32>
      %gt3A_580 = arith.cmpf ogt, %gather3A_576, %select_n3A_571 : vector<16xf32>
      %select_n3A_581 = arith.select %gt3A_580, %broadcast_in_dim3A_578, %select_n3A_569 : vector<16xi1>, vector<16xi32>
      %select_n3A_582 = arith.select %gt3A_579, %select_n3A_572, %select_n3A_581 : vector<16xi1>, vector<16xi32>
      %select_n3A_583 = arith.select %gt3A_580, %gather3A_576, %select_n3A_571 : vector<16xi1>, vector<16xf32>
      %select_n3A_584 = arith.select %gt3A_579, %select_n3A_573, %select_n3A_583 : vector<16xi1>, vector<16xf32>
      %select_n3A_585 = arith.select %gt3A_579, %broadcast_in_dim3A_578, %select_n3A_572 : vector<16xi1>, vector<16xi32>
      %select_n3A_586 = arith.select %gt3A_579, %gather3A_576, %select_n3A_573 : vector<16xi1>, vector<16xf32>
      %broadcast_in_dim3A_587 = arith.constant 46 : i32
      %broadcast_in_dim3A_588 = vector.broadcast %broadcast_in_dim3A_587 : i32 to vector<16xi32>
      %gather3A_589 = tpu.vector_load_idx %arg7[%add3A_15, %broadcast_in_dim3A_588] : memref<256x64xf32, #tpu.memory_space<vmem>>[vector<16xi32>, vector<16xi32>], vector<16xf32>,
      %broadcast_in_dim3A_590 = arith.constant 46 : i32
      %broadcast_in_dim3A_591 = vector.broadcast %broadcast_in_dim3A_590 : i32 to vector<16xi32>
      %gt3A_592 = arith.cmpf ogt, %gather3A_589, %select_n3A_586 : vector<16xf32>
      %gt3A_593 = arith.cmpf ogt, %gather3A_589, %select_n3A_584 : vector<16xf32>
      %select_n3A_594 = arith.select %gt3A_593, %broadcast_in_dim3A_591, %select_n3A_582 : vector<16xi1>, vector<16xi32>
      %select_n3A_595 = arith.select %gt3A_592, %select_n3A_585, %select_n3A_594 : vector<16xi1>, vector<16xi32>
      %select_n3A_596 = arith.select %gt3A_593, %gather3A_589, %select_n3A_584 : vector<16xi1>, vector<16xf32>
      %select_n3A_597 = arith.select %gt3A_592, %select_n3A_586, %select_n3A_596 : vector<16xi1>, vector<16xf32>
      %select_n3A_598 = arith.select %gt3A_592, %broadcast_in_dim3A_591, %select_n3A_585 : vector<16xi1>, vector<16xi32>
      %select_n3A_599 = arith.select %gt3A_592, %gather3A_589, %select_n3A_586 : vector<16xi1>, vector<16xf32>
      %broadcast_in_dim3A_600 = arith.constant 47 : i32
      %broadcast_in_dim3A_601 = vector.broadcast %broadcast_in_dim3A_600 : i32 to vector<16xi32>
      %gather3A_602 = tpu.vector_load_idx %arg7[%add3A_15, %broadcast_in_dim3A_601] : memref<256x64xf32, #tpu.memory_space<vmem>>[vector<16xi32>, vector<16xi32>], vector<16xf32>,
      %broadcast_in_dim3A_603 = arith.constant 47 : i32
      %broadcast_in_dim3A_604 = vector.broadcast %broadcast_in_dim3A_603 : i32 to vector<16xi32>
      %gt3A_605 = arith.cmpf ogt, %gather3A_602, %select_n3A_599 : vector<16xf32>
      %gt3A_606 = arith.cmpf ogt, %gather3A_602, %select_n3A_597 : vector<16xf32>
      %select_n3A_607 = arith.select %gt3A_606, %broadcast_in_dim3A_604, %select_n3A_595 : vector<16xi1>, vector<16xi32>
      %select_n3A_608 = arith.select %gt3A_605, %select_n3A_598, %select_n3A_607 : vector<16xi1>, vector<16xi32>
      %select_n3A_609 = arith.select %gt3A_606, %gather3A_602, %select_n3A_597 : vector<16xi1>, vector<16xf32>
      %select_n3A_610 = arith.select %gt3A_605, %select_n3A_599, %select_n3A_609 : vector<16xi1>, vector<16xf32>
      %select_n3A_611 = arith.select %gt3A_605, %broadcast_in_dim3A_604, %select_n3A_598 : vector<16xi1>, vector<16xi32>
      %select_n3A_612 = arith.select %gt3A_605, %gather3A_602, %select_n3A_599 : vector<16xi1>, vector<16xf32>
      %broadcast_in_dim3A_613 = arith.constant 48 : i32
      %broadcast_in_dim3A_614 = vector.broadcast %broadcast_in_dim3A_613 : i32 to vector<16xi32>
      %gather3A_615 = tpu.vector_load_idx %arg7[%add3A_15, %broadcast_in_dim3A_614] : memref<256x64xf32, #tpu.memory_space<vmem>>[vector<16xi32>, vector<16xi32>], vector<16xf32>,
      %broadcast_in_dim3A_616 = arith.constant 48 : i32
      %broadcast_in_dim3A_617 = vector.broadcast %broadcast_in_dim3A_616 : i32 to vector<16xi32>
      %broadcast_in_dim3A_618 = arith.constant 49 : i32
      %broadcast_in_dim3A_619 = vector.broadcast %broadcast_in_dim3A_618 : i32 to vector<16xi32>
      %gather3A_620 = tpu.vector_load_idx %arg7[%add3A_15, %broadcast_in_dim3A_619] : memref<256x64xf32, #tpu.memory_space<vmem>>[vector<16xi32>, vector<16xi32>], vector<16xf32>,
      %broadcast_in_dim3A_621 = arith.constant 49 : i32
      %broadcast_in_dim3A_622 = vector.broadcast %broadcast_in_dim3A_621 : i32 to vector<16xi32>
      %gt3A_623 = arith.cmpf ogt, %gather3A_620, %gather3A_615 : vector<16xf32>
      %gt3A_624 = arith.cmpf ogt, %gather3A_620, %broadcast_in_dim3A_3 : vector<16xf32>
      %select_n3A_625 = arith.select %gt3A_624, %broadcast_in_dim3A_622, %broadcast_in_dim3A_617 : vector<16xi1>, vector<16xi32>
      %select_n3A_626 = arith.select %gt3A_623, %broadcast_in_dim3A_617, %select_n3A_625 : vector<16xi1>, vector<16xi32>
      %select_n3A_627 = arith.select %gt3A_624, %gather3A_620, %broadcast_in_dim3A_3 : vector<16xi1>, vector<16xf32>
      %select_n3A_628 = arith.select %gt3A_623, %gather3A_615, %select_n3A_627 : vector<16xi1>, vector<16xf32>
      %select_n3A_629 = arith.select %gt3A_623, %broadcast_in_dim3A_622, %broadcast_in_dim3A_617 : vector<16xi1>, vector<16xi32>
      %select_n3A_630 = arith.select %gt3A_623, %gather3A_620, %gather3A_615 : vector<16xi1>, vector<16xf32>
      %broadcast_in_dim3A_631 = arith.constant 50 : i32
      %broadcast_in_dim3A_632 = vector.broadcast %broadcast_in_dim3A_631 : i32 to vector<16xi32>
      %gather3A_633 = tpu.vector_load_idx %arg7[%add3A_15, %broadcast_in_dim3A_632] : memref<256x64xf32, #tpu.memory_space<vmem>>[vector<16xi32>, vector<16xi32>], vector<16xf32>,
      %broadcast_in_dim3A_634 = arith.constant 50 : i32
      %broadcast_in_dim3A_635 = vector.broadcast %broadcast_in_dim3A_634 : i32 to vector<16xi32>
      %gt3A_636 = arith.cmpf ogt, %gather3A_633, %select_n3A_630 : vector<16xf32>
      %gt3A_637 = arith.cmpf ogt, %gather3A_633, %select_n3A_628 : vector<16xf32>
      %select_n3A_638 = arith.select %gt3A_637, %broadcast_in_dim3A_635, %select_n3A_626 : vector<16xi1>, vector<16xi32>
      %select_n3A_639 = arith.select %gt3A_636, %select_n3A_629, %select_n3A_638 : vector<16xi1>, vector<16xi32>
      %select_n3A_640 = arith.select %gt3A_637, %gather3A_633, %select_n3A_628 : vector<16xi1>, vector<16xf32>
      %select_n3A_641 = arith.select %gt3A_636, %select_n3A_630, %select_n3A_640 : vector<16xi1>, vector<16xf32>
      %select_n3A_642 = arith.select %gt3A_636, %broadcast_in_dim3A_635, %select_n3A_629 : vector<16xi1>, vector<16xi32>
      %select_n3A_643 = arith.select %gt3A_636, %gather3A_633, %select_n3A_630 : vector<16xi1>, vector<16xf32>
      %broadcast_in_dim3A_644 = arith.constant 51 : i32
      %broadcast_in_dim3A_645 = vector.broadcast %broadcast_in_dim3A_644 : i32 to vector<16xi32>
      %gather3A_646 = tpu.vector_load_idx %arg7[%add3A_15, %broadcast_in_dim3A_645] : memref<256x64xf32, #tpu.memory_space<vmem>>[vector<16xi32>, vector<16xi32>], vector<16xf32>,
      %broadcast_in_dim3A_647 = arith.constant 51 : i32
      %broadcast_in_dim3A_648 = vector.broadcast %broadcast_in_dim3A_647 : i32 to vector<16xi32>
      %gt3A_649 = arith.cmpf ogt, %gather3A_646, %select_n3A_643 : vector<16xf32>
      %gt3A_650 = arith.cmpf ogt, %gather3A_646, %select_n3A_641 : vector<16xf32>
      %select_n3A_651 = arith.select %gt3A_650, %broadcast_in_dim3A_648, %select_n3A_639 : vector<16xi1>, vector<16xi32>
      %select_n3A_652 = arith.select %gt3A_649, %select_n3A_642, %select_n3A_651 : vector<16xi1>, vector<16xi32>
      %select_n3A_653 = arith.select %gt3A_650, %gather3A_646, %select_n3A_641 : vector<16xi1>, vector<16xf32>
      %select_n3A_654 = arith.select %gt3A_649, %select_n3A_643, %select_n3A_653 : vector<16xi1>, vector<16xf32>
      %select_n3A_655 = arith.select %gt3A_649, %broadcast_in_dim3A_648, %select_n3A_642 : vector<16xi1>, vector<16xi32>
      %select_n3A_656 = arith.select %gt3A_649, %gather3A_646, %select_n3A_643 : vector<16xi1>, vector<16xf32>
      %broadcast_in_dim3A_657 = arith.constant 52 : i32
      %broadcast_in_dim3A_658 = vector.broadcast %broadcast_in_dim3A_657 : i32 to vector<16xi32>
      %gather3A_659 = tpu.vector_load_idx %arg7[%add3A_15, %broadcast_in_dim3A_658] : memref<256x64xf32, #tpu.memory_space<vmem>>[vector<16xi32>, vector<16xi32>], vector<16xf32>,
      %broadcast_in_dim3A_660 = arith.constant 52 : i32
      %broadcast_in_dim3A_661 = vector.broadcast %broadcast_in_dim3A_660 : i32 to vector<16xi32>
      %gt3A_662 = arith.cmpf ogt, %gather3A_659, %select_n3A_656 : vector<16xf32>
      %gt3A_663 = arith.cmpf ogt, %gather3A_659, %select_n3A_654 : vector<16xf32>
      %select_n3A_664 = arith.select %gt3A_663, %broadcast_in_dim3A_661, %select_n3A_652 : vector<16xi1>, vector<16xi32>
      %select_n3A_665 = arith.select %gt3A_662, %select_n3A_655, %select_n3A_664 : vector<16xi1>, vector<16xi32>
      %select_n3A_666 = arith.select %gt3A_663, %gather3A_659, %select_n3A_654 : vector<16xi1>, vector<16xf32>
      %select_n3A_667 = arith.select %gt3A_662, %select_n3A_656, %select_n3A_666 : vector<16xi1>, vector<16xf32>
      %select_n3A_668 = arith.select %gt3A_662, %broadcast_in_dim3A_661, %select_n3A_655 : vector<16xi1>, vector<16xi32>
      %select_n3A_669 = arith.select %gt3A_662, %gather3A_659, %select_n3A_656 : vector<16xi1>, vector<16xf32>
      %broadcast_in_dim3A_670 = arith.constant 53 : i32
      %broadcast_in_dim3A_671 = vector.broadcast %broadcast_in_dim3A_670 : i32 to vector<16xi32>
      %gather3A_672 = tpu.vector_load_idx %arg7[%add3A_15, %broadcast_in_dim3A_671] : memref<256x64xf32, #tpu.memory_space<vmem>>[vector<16xi32>, vector<16xi32>], vector<16xf32>,
      %broadcast_in_dim3A_673 = arith.constant 53 : i32
      %broadcast_in_dim3A_674 = vector.broadcast %broadcast_in_dim3A_673 : i32 to vector<16xi32>
      %gt3A_675 = arith.cmpf ogt, %gather3A_672, %select_n3A_669 : vector<16xf32>
      %gt3A_676 = arith.cmpf ogt, %gather3A_672, %select_n3A_667 : vector<16xf32>
      %select_n3A_677 = arith.select %gt3A_676, %broadcast_in_dim3A_674, %select_n3A_665 : vector<16xi1>, vector<16xi32>
      %select_n3A_678 = arith.select %gt3A_675, %select_n3A_668, %select_n3A_677 : vector<16xi1>, vector<16xi32>
      %select_n3A_679 = arith.select %gt3A_676, %gather3A_672, %select_n3A_667 : vector<16xi1>, vector<16xf32>
      %select_n3A_680 = arith.select %gt3A_675, %select_n3A_669, %select_n3A_679 : vector<16xi1>, vector<16xf32>
      %select_n3A_681 = arith.select %gt3A_675, %broadcast_in_dim3A_674, %select_n3A_668 : vector<16xi1>, vector<16xi32>
      %select_n3A_682 = arith.select %gt3A_675, %gather3A_672, %select_n3A_669 : vector<16xi1>, vector<16xf32>
      %broadcast_in_dim3A_683 = arith.constant 54 : i32
      %broadcast_in_dim3A_684 = vector.broadcast %broadcast_in_dim3A_683 : i32 to vector<16xi32>
      %gather3A_685 = tpu.vector_load_idx %arg7[%add3A_15, %broadcast_in_dim3A_684] : memref<256x64xf32, #tpu.memory_space<vmem>>[vector<16xi32>, vector<16xi32>], vector<16xf32>,
      %broadcast_in_dim3A_686 = arith.constant 54 : i32
      %broadcast_in_dim3A_687 = vector.broadcast %broadcast_in_dim3A_686 : i32 to vector<16xi32>
      %gt3A_688 = arith.cmpf ogt, %gather3A_685, %select_n3A_682 : vector<16xf32>
      %gt3A_689 = arith.cmpf ogt, %gather3A_685, %select_n3A_680 : vector<16xf32>
      %select_n3A_690 = arith.select %gt3A_689, %broadcast_in_dim3A_687, %select_n3A_678 : vector<16xi1>, vector<16xi32>
      %select_n3A_691 = arith.select %gt3A_688, %select_n3A_681, %select_n3A_690 : vector<16xi1>, vector<16xi32>
      %select_n3A_692 = arith.select %gt3A_689, %gather3A_685, %select_n3A_680 : vector<16xi1>, vector<16xf32>
      %select_n3A_693 = arith.select %gt3A_688, %select_n3A_682, %select_n3A_692 : vector<16xi1>, vector<16xf32>
      %select_n3A_694 = arith.select %gt3A_688, %broadcast_in_dim3A_687, %select_n3A_681 : vector<16xi1>, vector<16xi32>
      %select_n3A_695 = arith.select %gt3A_688, %gather3A_685, %select_n3A_682 : vector<16xi1>, vector<16xf32>
      %broadcast_in_dim3A_696 = arith.constant 55 : i32
      %broadcast_in_dim3A_697 = vector.broadcast %broadcast_in_dim3A_696 : i32 to vector<16xi32>
      %gather3A_698 = tpu.vector_load_idx %arg7[%add3A_15, %broadcast_in_dim3A_697] : memref<256x64xf32, #tpu.memory_space<vmem>>[vector<16xi32>, vector<16xi32>], vector<16xf32>,
      %broadcast_in_dim3A_699 = arith.constant 55 : i32
      %broadcast_in_dim3A_700 = vector.broadcast %broadcast_in_dim3A_699 : i32 to vector<16xi32>
      %gt3A_701 = arith.cmpf ogt, %gather3A_698, %select_n3A_695 : vector<16xf32>
      %gt3A_702 = arith.cmpf ogt, %gather3A_698, %select_n3A_693 : vector<16xf32>
      %select_n3A_703 = arith.select %gt3A_702, %broadcast_in_dim3A_700, %select_n3A_691 : vector<16xi1>, vector<16xi32>
      %select_n3A_704 = arith.select %gt3A_701, %select_n3A_694, %select_n3A_703 : vector<16xi1>, vector<16xi32>
      %select_n3A_705 = arith.select %gt3A_702, %gather3A_698, %select_n3A_693 : vector<16xi1>, vector<16xf32>
      %select_n3A_706 = arith.select %gt3A_701, %select_n3A_695, %select_n3A_705 : vector<16xi1>, vector<16xf32>
      %select_n3A_707 = arith.select %gt3A_701, %broadcast_in_dim3A_700, %select_n3A_694 : vector<16xi1>, vector<16xi32>
      %select_n3A_708 = arith.select %gt3A_701, %gather3A_698, %select_n3A_695 : vector<16xi1>, vector<16xf32>
      %broadcast_in_dim3A_709 = arith.constant 56 : i32
      %broadcast_in_dim3A_710 = vector.broadcast %broadcast_in_dim3A_709 : i32 to vector<16xi32>
      %gather3A_711 = tpu.vector_load_idx %arg7[%add3A_15, %broadcast_in_dim3A_710] : memref<256x64xf32, #tpu.memory_space<vmem>>[vector<16xi32>, vector<16xi32>], vector<16xf32>,
      %broadcast_in_dim3A_712 = arith.constant 56 : i32
      %broadcast_in_dim3A_713 = vector.broadcast %broadcast_in_dim3A_712 : i32 to vector<16xi32>
      %gt3A_714 = arith.cmpf ogt, %gather3A_711, %select_n3A_708 : vector<16xf32>
      %gt3A_715 = arith.cmpf ogt, %gather3A_711, %select_n3A_706 : vector<16xf32>
      %select_n3A_716 = arith.select %gt3A_715, %broadcast_in_dim3A_713, %select_n3A_704 : vector<16xi1>, vector<16xi32>
      %select_n3A_717 = arith.select %gt3A_714, %select_n3A_707, %select_n3A_716 : vector<16xi1>, vector<16xi32>
      %select_n3A_718 = arith.select %gt3A_715, %gather3A_711, %select_n3A_706 : vector<16xi1>, vector<16xf32>
      %select_n3A_719 = arith.select %gt3A_714, %select_n3A_708, %select_n3A_718 : vector<16xi1>, vector<16xf32>
      %select_n3A_720 = arith.select %gt3A_714, %broadcast_in_dim3A_713, %select_n3A_707 : vector<16xi1>, vector<16xi32>
      %select_n3A_721 = arith.select %gt3A_714, %gather3A_711, %select_n3A_708 : vector<16xi1>, vector<16xf32>
      %broadcast_in_dim3A_722 = arith.constant 57 : i32
      %broadcast_in_dim3A_723 = vector.broadcast %broadcast_in_dim3A_722 : i32 to vector<16xi32>
      %gather3A_724 = tpu.vector_load_idx %arg7[%add3A_15, %broadcast_in_dim3A_723] : memref<256x64xf32, #tpu.memory_space<vmem>>[vector<16xi32>, vector<16xi32>], vector<16xf32>,
      %broadcast_in_dim3A_725 = arith.constant 57 : i32
      %broadcast_in_dim3A_726 = vector.broadcast %broadcast_in_dim3A_725 : i32 to vector<16xi32>
      %gt3A_727 = arith.cmpf ogt, %gather3A_724, %select_n3A_721 : vector<16xf32>
      %gt3A_728 = arith.cmpf ogt, %gather3A_724, %select_n3A_719 : vector<16xf32>
      %select_n3A_729 = arith.select %gt3A_728, %broadcast_in_dim3A_726, %select_n3A_717 : vector<16xi1>, vector<16xi32>
      %select_n3A_730 = arith.select %gt3A_727, %select_n3A_720, %select_n3A_729 : vector<16xi1>, vector<16xi32>
      %select_n3A_731 = arith.select %gt3A_728, %gather3A_724, %select_n3A_719 : vector<16xi1>, vector<16xf32>
      %select_n3A_732 = arith.select %gt3A_727, %select_n3A_721, %select_n3A_731 : vector<16xi1>, vector<16xf32>
      %select_n3A_733 = arith.select %gt3A_727, %broadcast_in_dim3A_726, %select_n3A_720 : vector<16xi1>, vector<16xi32>
      %select_n3A_734 = arith.select %gt3A_727, %gather3A_724, %select_n3A_721 : vector<16xi1>, vector<16xf32>
      %broadcast_in_dim3A_735 = arith.constant 58 : i32
      %broadcast_in_dim3A_736 = vector.broadcast %broadcast_in_dim3A_735 : i32 to vector<16xi32>
      %gather3A_737 = tpu.vector_load_idx %arg7[%add3A_15, %broadcast_in_dim3A_736] : memref<256x64xf32, #tpu.memory_space<vmem>>[vector<16xi32>, vector<16xi32>], vector<16xf32>,
      %broadcast_in_dim3A_738 = arith.constant 58 : i32
      %broadcast_in_dim3A_739 = vector.broadcast %broadcast_in_dim3A_738 : i32 to vector<16xi32>
      %gt3A_740 = arith.cmpf ogt, %gather3A_737, %select_n3A_734 : vector<16xf32>
      %gt3A_741 = arith.cmpf ogt, %gather3A_737, %select_n3A_732 : vector<16xf32>
      %select_n3A_742 = arith.select %gt3A_741, %broadcast_in_dim3A_739, %select_n3A_730 : vector<16xi1>, vector<16xi32>
      %select_n3A_743 = arith.select %gt3A_740, %select_n3A_733, %select_n3A_742 : vector<16xi1>, vector<16xi32>
      %select_n3A_744 = arith.select %gt3A_741, %gather3A_737, %select_n3A_732 : vector<16xi1>, vector<16xf32>
      %select_n3A_745 = arith.select %gt3A_740, %select_n3A_734, %select_n3A_744 : vector<16xi1>, vector<16xf32>
      %select_n3A_746 = arith.select %gt3A_740, %broadcast_in_dim3A_739, %select_n3A_733 : vector<16xi1>, vector<16xi32>
      %select_n3A_747 = arith.select %gt3A_740, %gather3A_737, %select_n3A_734 : vector<16xi1>, vector<16xf32>
      %broadcast_in_dim3A_748 = arith.constant 59 : i32
      %broadcast_in_dim3A_749 = vector.broadcast %broadcast_in_dim3A_748 : i32 to vector<16xi32>
      %gather3A_750 = tpu.vector_load_idx %arg7[%add3A_15, %broadcast_in_dim3A_749] : memref<256x64xf32, #tpu.memory_space<vmem>>[vector<16xi32>, vector<16xi32>], vector<16xf32>,
      %broadcast_in_dim3A_751 = arith.constant 59 : i32
      %broadcast_in_dim3A_752 = vector.broadcast %broadcast_in_dim3A_751 : i32 to vector<16xi32>
      %gt3A_753 = arith.cmpf ogt, %gather3A_750, %select_n3A_747 : vector<16xf32>
      %gt3A_754 = arith.cmpf ogt, %gather3A_750, %select_n3A_745 : vector<16xf32>
      %select_n3A_755 = arith.select %gt3A_754, %broadcast_in_dim3A_752, %select_n3A_743 : vector<16xi1>, vector<16xi32>
      %select_n3A_756 = arith.select %gt3A_753, %select_n3A_746, %select_n3A_755 : vector<16xi1>, vector<16xi32>
      %select_n3A_757 = arith.select %gt3A_754, %gather3A_750, %select_n3A_745 : vector<16xi1>, vector<16xf32>
      %select_n3A_758 = arith.select %gt3A_753, %select_n3A_747, %select_n3A_757 : vector<16xi1>, vector<16xf32>
      %select_n3A_759 = arith.select %gt3A_753, %broadcast_in_dim3A_752, %select_n3A_746 : vector<16xi1>, vector<16xi32>
      %select_n3A_760 = arith.select %gt3A_753, %gather3A_750, %select_n3A_747 : vector<16xi1>, vector<16xf32>
      %broadcast_in_dim3A_761 = arith.constant 60 : i32
      %broadcast_in_dim3A_762 = vector.broadcast %broadcast_in_dim3A_761 : i32 to vector<16xi32>
      %gather3A_763 = tpu.vector_load_idx %arg7[%add3A_15, %broadcast_in_dim3A_762] : memref<256x64xf32, #tpu.memory_space<vmem>>[vector<16xi32>, vector<16xi32>], vector<16xf32>,
      %broadcast_in_dim3A_764 = arith.constant 60 : i32
      %broadcast_in_dim3A_765 = vector.broadcast %broadcast_in_dim3A_764 : i32 to vector<16xi32>
      %gt3A_766 = arith.cmpf ogt, %gather3A_763, %select_n3A_760 : vector<16xf32>
      %gt3A_767 = arith.cmpf ogt, %gather3A_763, %select_n3A_758 : vector<16xf32>
      %select_n3A_768 = arith.select %gt3A_767, %broadcast_in_dim3A_765, %select_n3A_756 : vector<16xi1>, vector<16xi32>
      %select_n3A_769 = arith.select %gt3A_766, %select_n3A_759, %select_n3A_768 : vector<16xi1>, vector<16xi32>
      %select_n3A_770 = arith.select %gt3A_767, %gather3A_763, %select_n3A_758 : vector<16xi1>, vector<16xf32>
      %select_n3A_771 = arith.select %gt3A_766, %select_n3A_760, %select_n3A_770 : vector<16xi1>, vector<16xf32>
      %select_n3A_772 = arith.select %gt3A_766, %broadcast_in_dim3A_765, %select_n3A_759 : vector<16xi1>, vector<16xi32>
      %select_n3A_773 = arith.select %gt3A_766, %gather3A_763, %select_n3A_760 : vector<16xi1>, vector<16xf32>
      %broadcast_in_dim3A_774 = arith.constant 61 : i32
      %broadcast_in_dim3A_775 = vector.broadcast %broadcast_in_dim3A_774 : i32 to vector<16xi32>
      %gather3A_776 = tpu.vector_load_idx %arg7[%add3A_15, %broadcast_in_dim3A_775] : memref<256x64xf32, #tpu.memory_space<vmem>>[vector<16xi32>, vector<16xi32>], vector<16xf32>,
      %broadcast_in_dim3A_777 = arith.constant 61 : i32
      %broadcast_in_dim3A_778 = vector.broadcast %broadcast_in_dim3A_777 : i32 to vector<16xi32>
      %gt3A_779 = arith.cmpf ogt, %gather3A_776, %select_n3A_773 : vector<16xf32>
      %gt3A_780 = arith.cmpf ogt, %gather3A_776, %select_n3A_771 : vector<16xf32>
      %select_n3A_781 = arith.select %gt3A_780, %broadcast_in_dim3A_778, %select_n3A_769 : vector<16xi1>, vector<16xi32>
      %select_n3A_782 = arith.select %gt3A_779, %select_n3A_772, %select_n3A_781 : vector<16xi1>, vector<16xi32>
      %select_n3A_783 = arith.select %gt3A_780, %gather3A_776, %select_n3A_771 : vector<16xi1>, vector<16xf32>
      %select_n3A_784 = arith.select %gt3A_779, %select_n3A_773, %select_n3A_783 : vector<16xi1>, vector<16xf32>
      %select_n3A_785 = arith.select %gt3A_779, %broadcast_in_dim3A_778, %select_n3A_772 : vector<16xi1>, vector<16xi32>
      %select_n3A_786 = arith.select %gt3A_779, %gather3A_776, %select_n3A_773 : vector<16xi1>, vector<16xf32>
      %broadcast_in_dim3A_787 = arith.constant 62 : i32
      %broadcast_in_dim3A_788 = vector.broadcast %broadcast_in_dim3A_787 : i32 to vector<16xi32>
      %gather3A_789 = tpu.vector_load_idx %arg7[%add3A_15, %broadcast_in_dim3A_788] : memref<256x64xf32, #tpu.memory_space<vmem>>[vector<16xi32>, vector<16xi32>], vector<16xf32>,
      %broadcast_in_dim3A_790 = arith.constant 62 : i32
      %broadcast_in_dim3A_791 = vector.broadcast %broadcast_in_dim3A_790 : i32 to vector<16xi32>
      %gt3A_792 = arith.cmpf ogt, %gather3A_789, %select_n3A_786 : vector<16xf32>
      %gt3A_793 = arith.cmpf ogt, %gather3A_789, %select_n3A_784 : vector<16xf32>
      %select_n3A_794 = arith.select %gt3A_793, %broadcast_in_dim3A_791, %select_n3A_782 : vector<16xi1>, vector<16xi32>
      %select_n3A_795 = arith.select %gt3A_792, %select_n3A_785, %select_n3A_794 : vector<16xi1>, vector<16xi32>
      %select_n3A_796 = arith.select %gt3A_793, %gather3A_789, %select_n3A_784 : vector<16xi1>, vector<16xf32>
      %select_n3A_797 = arith.select %gt3A_792, %select_n3A_786, %select_n3A_796 : vector<16xi1>, vector<16xf32>
      %select_n3A_798 = arith.select %gt3A_792, %broadcast_in_dim3A_791, %select_n3A_785 : vector<16xi1>, vector<16xi32>
      %select_n3A_799 = arith.select %gt3A_792, %gather3A_789, %select_n3A_786 : vector<16xi1>, vector<16xf32>
      %broadcast_in_dim3A_800 = arith.constant 63 : i32
      %broadcast_in_dim3A_801 = vector.broadcast %broadcast_in_dim3A_800 : i32 to vector<16xi32>
      %gather3A_802 = tpu.vector_load_idx %arg7[%add3A_15, %broadcast_in_dim3A_801] : memref<256x64xf32, #tpu.memory_space<vmem>>[vector<16xi32>, vector<16xi32>], vector<16xf32>,
      %broadcast_in_dim3A_803 = arith.constant 63 : i32
      %broadcast_in_dim3A_804 = vector.broadcast %broadcast_in_dim3A_803 : i32 to vector<16xi32>
      %gt3A_805 = arith.cmpf ogt, %gather3A_802, %select_n3A_799 : vector<16xf32>
      %gt3A_806 = arith.cmpf ogt, %gather3A_802, %select_n3A_797 : vector<16xf32>
      %select_n3A_807 = arith.select %gt3A_806, %broadcast_in_dim3A_804, %select_n3A_795 : vector<16xi1>, vector<16xi32>
      %select_n3A_808 = arith.select %gt3A_805, %select_n3A_798, %select_n3A_807 : vector<16xi1>, vector<16xi32>
      %select_n3A_809 = arith.select %gt3A_806, %gather3A_802, %select_n3A_797 : vector<16xi1>, vector<16xf32>
      %select_n3A_810 = arith.select %gt3A_805, %select_n3A_799, %select_n3A_809 : vector<16xi1>, vector<16xf32>
      %select_n3A_811 = arith.select %gt3A_805, %broadcast_in_dim3A_804, %select_n3A_798 : vector<16xi1>, vector<16xi32>
      %select_n3A_812 = arith.select %gt3A_805, %gather3A_802, %select_n3A_799 : vector<16xi1>, vector<16xf32>
      %gt3A_813 = arith.cmpf ogt, %select_n3A_212, %select_n3A_412 : vector<16xf32>
      %eq3A = arith.cmpf oeq, %select_n3A_212, %select_n3A_412 : vector<16xf32>
      %lt3A = arith.cmpi slt, %select_n3A_211, %select_n3A_411 : vector<16xi32>
      %and3A = arith.andi %eq3A, %lt3A : vector<16xi1>
      %or3A = arith.ori %gt3A_813, %and3A : vector<16xi1>
      %select_n3A_814 = arith.select %or3A, %select_n3A_212, %select_n3A_412 : vector<16xi1>, vector<16xf32>
      %select_n3A_815 = arith.select %or3A, %select_n3A_211, %select_n3A_411 : vector<16xi1>, vector<16xi32>
      %gt3A_816 = arith.cmpf ogt, %select_n3A_212, %select_n3A_412 : vector<16xf32>
      %eq3A_817 = arith.cmpf oeq, %select_n3A_212, %select_n3A_412 : vector<16xf32>
      %lt3A_818 = arith.cmpi slt, %select_n3A_211, %select_n3A_411 : vector<16xi32>
      %and3A_819 = arith.andi %eq3A_817, %lt3A_818 : vector<16xi1>
      %or3A_820 = arith.ori %gt3A_816, %and3A_819 : vector<16xi1>
      %select_n3A_821 = arith.select %or3A_820, %select_n3A_210, %select_n3A_212 : vector<16xi1>, vector<16xf32>
      %select_n3A_822 = arith.select %or3A_820, %select_n3A_208, %select_n3A_211 : vector<16xi1>, vector<16xi32>
      %select_n3A_823 = arith.select %or3A_820, %select_n3A_412, %select_n3A_410 : vector<16xi1>, vector<16xf32>
      %select_n3A_824 = arith.select %or3A_820, %select_n3A_411, %select_n3A_408 : vector<16xi1>, vector<16xi32>
      %gt3A_825 = arith.cmpf ogt, %select_n3A_821, %select_n3A_823 : vector<16xf32>
      %eq3A_826 = arith.cmpf oeq, %select_n3A_821, %select_n3A_823 : vector<16xf32>
      %lt3A_827 = arith.cmpi slt, %select_n3A_822, %select_n3A_824 : vector<16xi32>
      %and3A_828 = arith.andi %eq3A_826, %lt3A_827 : vector<16xi1>
      %or3A_829 = arith.ori %gt3A_825, %and3A_828 : vector<16xi1>
      %select_n3A_830 = arith.select %or3A_829, %select_n3A_821, %select_n3A_823 : vector<16xi1>, vector<16xf32>
      %select_n3A_831 = arith.select %or3A_829, %select_n3A_822, %select_n3A_824 : vector<16xi1>, vector<16xi32>
      %gt3A_832 = arith.cmpf ogt, %select_n3A_612, %select_n3A_812 : vector<16xf32>
      %eq3A_833 = arith.cmpf oeq, %select_n3A_612, %select_n3A_812 : vector<16xf32>
      %lt3A_834 = arith.cmpi slt, %select_n3A_611, %select_n3A_811 : vector<16xi32>
      %and3A_835 = arith.andi %eq3A_833, %lt3A_834 : vector<16xi1>
      %or3A_836 = arith.ori %gt3A_832, %and3A_835 : vector<16xi1>
      %select_n3A_837 = arith.select %or3A_836, %select_n3A_612, %select_n3A_812 : vector<16xi1>, vector<16xf32>
      %select_n3A_838 = arith.select %or3A_836, %select_n3A_611, %select_n3A_811 : vector<16xi1>, vector<16xi32>
      %gt3A_839 = arith.cmpf ogt, %select_n3A_612, %select_n3A_812 : vector<16xf32>
      %eq3A_840 = arith.cmpf oeq, %select_n3A_612, %select_n3A_812 : vector<16xf32>
      %lt3A_841 = arith.cmpi slt, %select_n3A_611, %select_n3A_811 : vector<16xi32>
      %and3A_842 = arith.andi %eq3A_840, %lt3A_841 : vector<16xi1>
      %or3A_843 = arith.ori %gt3A_839, %and3A_842 : vector<16xi1>
      %select_n3A_844 = arith.select %or3A_843, %select_n3A_610, %select_n3A_612 : vector<16xi1>, vector<16xf32>
      %select_n3A_845 = arith.select %or3A_843, %select_n3A_608, %select_n3A_611 : vector<16xi1>, vector<16xi32>
      %select_n3A_846 = arith.select %or3A_843, %select_n3A_812, %select_n3A_810 : vector<16xi1>, vector<16xf32>
      %select_n3A_847 = arith.select %or3A_843, %select_n3A_811, %select_n3A_808 : vector<16xi1>, vector<16xi32>
      %gt3A_848 = arith.cmpf ogt, %select_n3A_844, %select_n3A_846 : vector<16xf32>
      %eq3A_849 = arith.cmpf oeq, %select_n3A_844, %select_n3A_846 : vector<16xf32>
      %lt3A_850 = arith.cmpi slt, %select_n3A_845, %select_n3A_847 : vector<16xi32>
      %and3A_851 = arith.andi %eq3A_849, %lt3A_850 : vector<16xi1>
      %or3A_852 = arith.ori %gt3A_848, %and3A_851 : vector<16xi1>
      %select_n3A_853 = arith.select %or3A_852, %select_n3A_844, %select_n3A_846 : vector<16xi1>, vector<16xf32>
      %select_n3A_854 = arith.select %or3A_852, %select_n3A_845, %select_n3A_847 : vector<16xi1>, vector<16xi32>
      %gt3A_855 = arith.cmpf ogt, %select_n3A_814, %select_n3A_837 : vector<16xf32>
      %eq3A_856 = arith.cmpf oeq, %select_n3A_814, %select_n3A_837 : vector<16xf32>
      %lt3A_857 = arith.cmpi slt, %select_n3A_815, %select_n3A_838 : vector<16xi32>
      %and3A_858 = arith.andi %eq3A_856, %lt3A_857 : vector<16xi1>
      %or3A_859 = arith.ori %gt3A_855, %and3A_858 : vector<16xi1>
      %select_n3A_860 = arith.select %or3A_859, %select_n3A_814, %select_n3A_837 : vector<16xi1>, vector<16xf32>
      %select_n3A_861 = arith.select %or3A_859, %select_n3A_815, %select_n3A_838 : vector<16xi1>, vector<16xi32>
      %gt3A_862 = arith.cmpf ogt, %select_n3A_814, %select_n3A_837 : vector<16xf32>
      %eq3A_863 = arith.cmpf oeq, %select_n3A_814, %select_n3A_837 : vector<16xf32>
      %lt3A_864 = arith.cmpi slt, %select_n3A_815, %select_n3A_838 : vector<16xi32>
      %and3A_865 = arith.andi %eq3A_863, %lt3A_864 : vector<16xi1>
      %or3A_866 = arith.ori %gt3A_862, %and3A_865 : vector<16xi1>
      %select_n3A_867 = arith.select %or3A_866, %select_n3A_830, %select_n3A_814 : vector<16xi1>, vector<16xf32>
      %select_n3A_868 = arith.select %or3A_866, %select_n3A_831, %select_n3A_815 : vector<16xi1>, vector<16xi32>
      %select_n3A_869 = arith.select %or3A_866, %select_n3A_837, %select_n3A_853 : vector<16xi1>, vector<16xf32>
      %select_n3A_870 = arith.select %or3A_866, %select_n3A_838, %select_n3A_854 : vector<16xi1>, vector<16xi32>
      %gt3A_871 = arith.cmpf ogt, %select_n3A_867, %select_n3A_869 : vector<16xf32>
      %eq3A_872 = arith.cmpf oeq, %select_n3A_867, %select_n3A_869 : vector<16xf32>
      %lt3A_873 = arith.cmpi slt, %select_n3A_868, %select_n3A_870 : vector<16xi32>
      %and3A_874 = arith.andi %eq3A_872, %lt3A_873 : vector<16xi1>
      %or3A_875 = arith.ori %gt3A_871, %and3A_874 : vector<16xi1>
      %select_n3A_876 = arith.select %or3A_875, %select_n3A_867, %select_n3A_869 : vector<16xi1>, vector<16xf32>
      %select_n3A_877 = arith.select %or3A_875, %select_n3A_868, %select_n3A_870 : vector<16xi1>, vector<16xi32>
      %add3A_878 = arith.addf %select_n3A_860, %select_n3A_876 : vector<16xf32>
      %add3A_879 = arith.constant 9.99999997E-7 : f32
      %add3A_880 = vector.broadcast %add3A_879 : f32 to vector<16xf32>
      %add3A_881 = arith.addf %add3A_878, %add3A_880 : vector<16xf32>
      %div3A = arith.divf %select_n3A_860, %add3A_881 : vector<16xf32>
      %div3A_882 = arith.divf %select_n3A_876, %add3A_881 : vector<16xf32>
      %mul3A_883 = arith.constant 16 : i32
      %mul3A_884 = arith.muli %scan3A_10, %mul3A_883 : i32
      %swap3A = arith.index_cast %mul3A_884 : i32 to index
      %swap3A_885 = tpu.vector_load %arg8[%swap3A] {strides = array<i32>} : memref<256xf32, #tpu.memory_space<vmem>>, vector<16xf32>,
      tpu.vector_store %arg8[%swap3A], %div3A {strides = array<i32>} : memref<256xf32, #tpu.memory_space<vmem>>, vector<16xf32>,
      %mul3A_886 = arith.constant 16 : i32
      %mul3A_887 = arith.muli %scan3A_10, %mul3A_886 : i32
      %swap3A_888 = arith.index_cast %mul3A_887 : i32 to index
      %swap3A_889 = tpu.vector_load %arg9[%swap3A_888] {strides = array<i32>} : memref<256xf32, #tpu.memory_space<vmem>>, vector<16xf32>,
      tpu.vector_store %arg9[%swap3A_888], %div3A_882 {strides = array<i32>} : memref<256xf32, #tpu.memory_space<vmem>>, vector<16xf32>,
      %mul3A_890 = arith.constant 16 : i32
      %mul3A_891 = arith.muli %scan3A_10, %mul3A_890 : i32
      %swap3A_892 = arith.index_cast %mul3A_891 : i32 to index
      %swap3A_893 = tpu.vector_load %arg10[%swap3A_892] {strides = array<i32>} : memref<256xi32, #tpu.memory_space<vmem>>, vector<16xi32>,
      tpu.vector_store %arg10[%swap3A_892], %select_n3A_861 {strides = array<i32>} : memref<256xi32, #tpu.memory_space<vmem>>, vector<16xi32>,
      %mul3A_894 = arith.constant 16 : i32
      %mul3A_895 = arith.muli %scan3A_10, %mul3A_894 : i32
      %swap3A_896 = arith.index_cast %mul3A_895 : i32 to index
      %swap3A_897 = tpu.vector_load %arg11[%swap3A_896] {strides = array<i32>} : memref<256xi32, #tpu.memory_space<vmem>>, vector<16xi32>,
      tpu.vector_store %arg11[%swap3A_896], %select_n3A_877 {strides = array<i32>} : memref<256xi32, #tpu.memory_space<vmem>>, vector<16xi32>,
      %scan3A_898 = arith.constant 0 : i32
      scf.yield %scan3A_898 : i32
    }
    %scan3A_9 = arith.constant 16 : i32
    "tpu.region"() ({
      %run_scoped3A = tpu.sem_alloc : memref<!tpu.dma_semaphore, #tpu.memory_space<semaphore_mem>>
      %dma_start3A = tpu.memref_slice %arg3[%mul3A_2] : memref<8192xf32, #tpu.memory_space<hbm>> -> memref<256xf32, #tpu.memory_space<hbm>>
      %dma_start3A_10 = tpu.memref_slice %arg3[%mul3A_2] : memref<8192xf32, #tpu.memory_space<hbm>> -> memref<256xf32, #tpu.memory_space<hbm>>
      tpu.enqueue_dma source(%arg8 : memref<256xf32, #tpu.memory_space<vmem>>) target(%dma_start3A_10 : memref<256xf32, #tpu.memory_space<hbm>>) target_semaphore(%run_scoped3A : memref<!tpu.dma_semaphore, #tpu.memory_space<semaphore_mem>>)
      %dma_wait3A = tpu.memref_slice %arg3[%mul3A_2] : memref<8192xf32, #tpu.memory_space<hbm>> -> memref<256xf32, #tpu.memory_space<hbm>>
      %dma_wait3A_11 = tpu.memref_slice %arg3[%mul3A_2] : memref<8192xf32, #tpu.memory_space<hbm>> -> memref<256xf32, #tpu.memory_space<hbm>>
      tpu.wait_dma2 semaphore(%run_scoped3A : memref<!tpu.dma_semaphore, #tpu.memory_space<semaphore_mem>>) src(%arg8 : memref<256xf32, #tpu.memory_space<vmem>>) dst(%dma_wait3A_11 : memref<256xf32, #tpu.memory_space<hbm>>)
      tpu.yield
    }) : () -> ()
    "tpu.region"() ({
      %run_scoped3A = tpu.sem_alloc : memref<!tpu.dma_semaphore, #tpu.memory_space<semaphore_mem>>
      %dma_start3A = tpu.memref_slice %arg4[%mul3A_2] : memref<8192xf32, #tpu.memory_space<hbm>> -> memref<256xf32, #tpu.memory_space<hbm>>
      %dma_start3A_10 = tpu.memref_slice %arg4[%mul3A_2] : memref<8192xf32, #tpu.memory_space<hbm>> -> memref<256xf32, #tpu.memory_space<hbm>>
      tpu.enqueue_dma source(%arg9 : memref<256xf32, #tpu.memory_space<vmem>>) target(%dma_start3A_10 : memref<256xf32, #tpu.memory_space<hbm>>) target_semaphore(%run_scoped3A : memref<!tpu.dma_semaphore, #tpu.memory_space<semaphore_mem>>)
      %dma_wait3A = tpu.memref_slice %arg4[%mul3A_2] : memref<8192xf32, #tpu.memory_space<hbm>> -> memref<256xf32, #tpu.memory_space<hbm>>
      %dma_wait3A_11 = tpu.memref_slice %arg4[%mul3A_2] : memref<8192xf32, #tpu.memory_space<hbm>> -> memref<256xf32, #tpu.memory_space<hbm>>
      tpu.wait_dma2 semaphore(%run_scoped3A : memref<!tpu.dma_semaphore, #tpu.memory_space<semaphore_mem>>) src(%arg9 : memref<256xf32, #tpu.memory_space<vmem>>) dst(%dma_wait3A_11 : memref<256xf32, #tpu.memory_space<hbm>>)
      tpu.yield
    }) : () -> ()
    "tpu.region"() ({
      %run_scoped3A = tpu.sem_alloc : memref<!tpu.dma_semaphore, #tpu.memory_space<semaphore_mem>>
      %dma_start3A = tpu.memref_slice %arg5[%mul3A_2] : memref<8192xi32, #tpu.memory_space<hbm>> -> memref<256xi32, #tpu.memory_space<hbm>>
      %dma_start3A_10 = tpu.memref_slice %arg5[%mul3A_2] : memref<8192xi32, #tpu.memory_space<hbm>> -> memref<256xi32, #tpu.memory_space<hbm>>
      tpu.enqueue_dma source(%arg10 : memref<256xi32, #tpu.memory_space<vmem>>) target(%dma_start3A_10 : memref<256xi32, #tpu.memory_space<hbm>>) target_semaphore(%run_scoped3A : memref<!tpu.dma_semaphore, #tpu.memory_space<semaphore_mem>>)
      %dma_wait3A = tpu.memref_slice %arg5[%mul3A_2] : memref<8192xi32, #tpu.memory_space<hbm>> -> memref<256xi32, #tpu.memory_space<hbm>>
      %dma_wait3A_11 = tpu.memref_slice %arg5[%mul3A_2] : memref<8192xi32, #tpu.memory_space<hbm>> -> memref<256xi32, #tpu.memory_space<hbm>>
      tpu.wait_dma2 semaphore(%run_scoped3A : memref<!tpu.dma_semaphore, #tpu.memory_space<semaphore_mem>>) src(%arg10 : memref<256xi32, #tpu.memory_space<vmem>>) dst(%dma_wait3A_11 : memref<256xi32, #tpu.memory_space<hbm>>)
      tpu.yield
    }) : () -> ()
    "tpu.region"() ({
      %run_scoped3A = tpu.sem_alloc : memref<!tpu.dma_semaphore, #tpu.memory_space<semaphore_mem>>
      %dma_start3A = tpu.memref_slice %arg6[%mul3A_2] : memref<8192xi32, #tpu.memory_space<hbm>> -> memref<256xi32, #tpu.memory_space<hbm>>
      %dma_start3A_10 = tpu.memref_slice %arg6[%mul3A_2] : memref<8192xi32, #tpu.memory_space<hbm>> -> memref<256xi32, #tpu.memory_space<hbm>>
      tpu.enqueue_dma source(%arg11 : memref<256xi32, #tpu.memory_space<vmem>>) target(%dma_start3A_10 : memref<256xi32, #tpu.memory_space<hbm>>) target_semaphore(%run_scoped3A : memref<!tpu.dma_semaphore, #tpu.memory_space<semaphore_mem>>)
      %dma_wait3A = tpu.memref_slice %arg6[%mul3A_2] : memref<8192xi32, #tpu.memory_space<hbm>> -> memref<256xi32, #tpu.memory_space<hbm>>
      %dma_wait3A_11 = tpu.memref_slice %arg6[%mul3A_2] : memref<8192xi32, #tpu.memory_space<hbm>> -> memref<256xi32, #tpu.memory_space<hbm>>
      tpu.wait_dma2 semaphore(%run_scoped3A : memref<!tpu.dma_semaphore, #tpu.memory_space<semaphore_mem>>) src(%arg11 : memref<256xi32, #tpu.memory_space<vmem>>) dst(%dma_wait3A_11 : memref<256xi32, #tpu.memory_space<hbm>>)
      tpu.yield
    }) : () -> ()
    return
  }
}

#map = affine_map<(d0, d1) -> (0, 0)>
#map1 = affine_map<(d0, d1) -> (0)>
module attributes {stable_mosaic.version = 14 : i64} {
  func.func @k(%arg0: i32, %arg1: i32, %arg2: memref<8192x64xf32, #tpu.memory_space<hbm>>, %arg3: memref<8192xf32, #tpu.memory_space<hbm>>, %arg4: memref<8192xf32, #tpu.memory_space<hbm>>, %arg5: memref<8192xi32, #tpu.memory_space<hbm>>, %arg6: memref<8192xi32, #tpu.memory_space<hbm>>, %arg7: memref<256x64xf32, #tpu.memory_space<vmem>>, %arg8: memref<256xf32, #tpu.memory_space<vmem>>, %arg9: memref<256xf32, #tpu.memory_space<vmem>>, %arg10: memref<256xi32, #tpu.memory_space<vmem>>, %arg11: memref<256xi32, #tpu.memory_space<vmem>>) attributes {dimension_semantics = [#tpu.dimension_semantics<core_parallel>, #tpu.dimension_semantics<subcore_parallel>], iteration_bounds = array<i64: 2, 16>, scalar_prefetch = 0 : i64, scratch_operands = 5 : i64, tpu.core_type = #tpu.core_type<sc_vector_subcore>, window_params = [{transform_indices = #map}, {transform_indices = #map1}, {transform_indices = #map1}, {transform_indices = #map1}, {transform_indices = #map1}]} {
    %mul3A = arith.constant 2 : i32
    %mul3A_0 = arith.muli %arg1, %mul3A : i32
    %add3A = arith.addi %mul3A_0, %arg0 : i32
    %mul3A_1 = arith.constant 256 : i32
    %mul3A_2 = arith.muli %add3A, %mul3A_1 : i32
    "tpu.region"() ({
      %run_scoped3A = tpu.sem_alloc : memref<!tpu.dma_semaphore, #tpu.memory_space<semaphore_mem>>
      %dma_start3A = arith.constant 0 : i32
      %dma_start3A_10 = tpu.memref_slice %arg2[%mul3A_2, %dma_start3A] : memref<8192x64xf32, #tpu.memory_space<hbm>> -> memref<256x64xf32, #tpu.memory_space<hbm>>
      %dma_start3A_11 = arith.constant 0 : i32
      %dma_start3A_12 = tpu.memref_slice %arg2[%mul3A_2, %dma_start3A_11] : memref<8192x64xf32, #tpu.memory_space<hbm>> -> memref<256x64xf32, #tpu.memory_space<hbm>>
      tpu.enqueue_dma source(%dma_start3A_12 : memref<256x64xf32, #tpu.memory_space<hbm>>) target(%arg7 : memref<256x64xf32, #tpu.memory_space<vmem>>) target_semaphore(%run_scoped3A : memref<!tpu.dma_semaphore, #tpu.memory_space<semaphore_mem>>)
      %dma_wait3A = arith.constant 0 : i32
      %dma_wait3A_13 = tpu.memref_slice %arg2[%mul3A_2, %dma_wait3A] : memref<8192x64xf32, #tpu.memory_space<hbm>> -> memref<256x64xf32, #tpu.memory_space<hbm>>
      %dma_wait3A_14 = arith.constant 0 : i32
      %dma_wait3A_15 = tpu.memref_slice %arg2[%mul3A_2, %dma_wait3A_14] : memref<8192x64xf32, #tpu.memory_space<hbm>> -> memref<256x64xf32, #tpu.memory_space<hbm>>
      tpu.wait_dma2 semaphore(%run_scoped3A : memref<!tpu.dma_semaphore, #tpu.memory_space<semaphore_mem>>) src(%dma_wait3A_15 : memref<256x64xf32, #tpu.memory_space<hbm>>) dst(%arg7 : memref<256x64xf32, #tpu.memory_space<vmem>>)
      tpu.yield
    }) : () -> ()
    %iota3A = tpu.iota {dimensions = array<i32: 0>} : vector<16xi32>
    %broadcast_in_dim3A = arith.constant -1.000000e+00 : f32
    %broadcast_in_dim3A_3 = vector.broadcast %broadcast_in_dim3A : f32 to vector<16xf32>
    %scan3A = arith.constant 0 : i32
    %scan3A_4 = arith.constant 0 : i32
    %scan3A_5 = arith.constant 16 : i32
    %scan3A_6 = arith.addi %scan3A_4, %scan3A_5 : i32
    %scan3A_7 = arith.constant 1 : i32
    %scan3A_8 = scf.for %scan3A_10 = %scan3A_4 to %scan3A_6 step %scan3A_7 iter_args(%scan3A_11 = %scan3A) -> (i32)  : i32 {
      %mul3A_12 = arith.constant 16 : i32
      %mul3A_13 = arith.muli %scan3A_10, %mul3A_12 : i32
      %add3A_14 = vector.broadcast %mul3A_13 : i32 to vector<16xi32>
      %add3A_15 = arith.addi %add3A_14, %iota3A : vector<16xi32>
      %broadcast_in_dim3A_16 = arith.constant 0 : i32
      %broadcast_in_dim3A_17 = vector.broadcast %broadcast_in_dim3A_16 : i32 to vector<16xi32>
      %gather3A = tpu.vector_load_idx %arg7[%add3A_15, %broadcast_in_dim3A_17] : memref<256x64xf32, #tpu.memory_space<vmem>>[vector<16xi32>, vector<16xi32>], vector<16xf32>,
      %broadcast_in_dim3A_18 = arith.constant 0 : i32
      %broadcast_in_dim3A_19 = vector.broadcast %broadcast_in_dim3A_18 : i32 to vector<16xi32>
      %broadcast_in_dim3A_20 = arith.constant 1 : i32
      %broadcast_in_dim3A_21 = vector.broadcast %broadcast_in_dim3A_20 : i32 to vector<16xi32>
      %gather3A_22 = tpu.vector_load_idx %arg7[%add3A_15, %broadcast_in_dim3A_21] : memref<256x64xf32, #tpu.memory_space<vmem>>[vector<16xi32>, vector<16xi32>], vector<16xf32>,
      %broadcast_in_dim3A_23 = arith.constant 1 : i32
      %broadcast_in_dim3A_24 = vector.broadcast %broadcast_in_dim3A_23 : i32 to vector<16xi32>
      %gt3A = arith.cmpf ogt, %gather3A_22, %gather3A : vector<16xf32>
      %gt3A_25 = arith.cmpf ogt, %gather3A_22, %broadcast_in_dim3A_3 : vector<16xf32>
      %select_n3A = arith.select %gt3A_25, %broadcast_in_dim3A_24, %broadcast_in_dim3A_19 : vector<16xi1>, vector<16xi32>
      %select_n3A_26 = arith.select %gt3A, %broadcast_in_dim3A_19, %select_n3A : vector<16xi1>, vector<16xi32>
      %select_n3A_27 = arith.select %gt3A_25, %gather3A_22, %broadcast_in_dim3A_3 : vector<16xi1>, vector<16xf32>
      %select_n3A_28 = arith.select %gt3A, %gather3A, %select_n3A_27 : vector<16xi1>, vector<16xf32>
      %select_n3A_29 = arith.select %gt3A, %broadcast_in_dim3A_24, %broadcast_in_dim3A_19 : vector<16xi1>, vector<16xi32>
      %select_n3A_30 = arith.select %gt3A, %gather3A_22, %gather3A : vector<16xi1>, vector<16xf32>
      %broadcast_in_dim3A_31 = arith.constant 2 : i32
      %broadcast_in_dim3A_32 = vector.broadcast %broadcast_in_dim3A_31 : i32 to vector<16xi32>
      %gather3A_33 = tpu.vector_load_idx %arg7[%add3A_15, %broadcast_in_dim3A_32] : memref<256x64xf32, #tpu.memory_space<vmem>>[vector<16xi32>, vector<16xi32>], vector<16xf32>,
      %broadcast_in_dim3A_34 = arith.constant 2 : i32
      %broadcast_in_dim3A_35 = vector.broadcast %broadcast_in_dim3A_34 : i32 to vector<16xi32>
      %gt3A_36 = arith.cmpf ogt, %gather3A_33, %select_n3A_30 : vector<16xf32>
      %gt3A_37 = arith.cmpf ogt, %gather3A_33, %select_n3A_28 : vector<16xf32>
      %select_n3A_38 = arith.select %gt3A_37, %broadcast_in_dim3A_35, %select_n3A_26 : vector<16xi1>, vector<16xi32>
      %select_n3A_39 = arith.select %gt3A_36, %select_n3A_29, %select_n3A_38 : vector<16xi1>, vector<16xi32>
      %select_n3A_40 = arith.select %gt3A_37, %gather3A_33, %select_n3A_28 : vector<16xi1>, vector<16xf32>
      %select_n3A_41 = arith.select %gt3A_36, %select_n3A_30, %select_n3A_40 : vector<16xi1>, vector<16xf32>
      %select_n3A_42 = arith.select %gt3A_36, %broadcast_in_dim3A_35, %select_n3A_29 : vector<16xi1>, vector<16xi32>
      %select_n3A_43 = arith.select %gt3A_36, %gather3A_33, %select_n3A_30 : vector<16xi1>, vector<16xf32>
      %broadcast_in_dim3A_44 = arith.constant 3 : i32
      %broadcast_in_dim3A_45 = vector.broadcast %broadcast_in_dim3A_44 : i32 to vector<16xi32>
      %gather3A_46 = tpu.vector_load_idx %arg7[%add3A_15, %broadcast_in_dim3A_45] : memref<256x64xf32, #tpu.memory_space<vmem>>[vector<16xi32>, vector<16xi32>], vector<16xf32>,
      %broadcast_in_dim3A_47 = arith.constant 3 : i32
      %broadcast_in_dim3A_48 = vector.broadcast %broadcast_in_dim3A_47 : i32 to vector<16xi32>
      %gt3A_49 = arith.cmpf ogt, %gather3A_46, %select_n3A_43 : vector<16xf32>
      %gt3A_50 = arith.cmpf ogt, %gather3A_46, %select_n3A_41 : vector<16xf32>
      %select_n3A_51 = arith.select %gt3A_50, %broadcast_in_dim3A_48, %select_n3A_39 : vector<16xi1>, vector<16xi32>
      %select_n3A_52 = arith.select %gt3A_49, %select_n3A_42, %select_n3A_51 : vector<16xi1>, vector<16xi32>
      %select_n3A_53 = arith.select %gt3A_50, %gather3A_46, %select_n3A_41 : vector<16xi1>, vector<16xf32>
      %select_n3A_54 = arith.select %gt3A_49, %select_n3A_43, %select_n3A_53 : vector<16xi1>, vector<16xf32>
      %select_n3A_55 = arith.select %gt3A_49, %broadcast_in_dim3A_48, %select_n3A_42 : vector<16xi1>, vector<16xi32>
      %select_n3A_56 = arith.select %gt3A_49, %gather3A_46, %select_n3A_43 : vector<16xi1>, vector<16xf32>
      %broadcast_in_dim3A_57 = arith.constant 4 : i32
      %broadcast_in_dim3A_58 = vector.broadcast %broadcast_in_dim3A_57 : i32 to vector<16xi32>
      %gather3A_59 = tpu.vector_load_idx %arg7[%add3A_15, %broadcast_in_dim3A_58] : memref<256x64xf32, #tpu.memory_space<vmem>>[vector<16xi32>, vector<16xi32>], vector<16xf32>,
      %broadcast_in_dim3A_60 = arith.constant 4 : i32
      %broadcast_in_dim3A_61 = vector.broadcast %broadcast_in_dim3A_60 : i32 to vector<16xi32>
      %gt3A_62 = arith.cmpf ogt, %gather3A_59, %select_n3A_56 : vector<16xf32>
      %gt3A_63 = arith.cmpf ogt, %gather3A_59, %select_n3A_54 : vector<16xf32>
      %select_n3A_64 = arith.select %gt3A_63, %broadcast_in_dim3A_61, %select_n3A_52 : vector<16xi1>, vector<16xi32>
      %select_n3A_65 = arith.select %gt3A_62, %select_n3A_55, %select_n3A_64 : vector<16xi1>, vector<16xi32>
      %select_n3A_66 = arith.select %gt3A_63, %gather3A_59, %select_n3A_54 : vector<16xi1>, vector<16xf32>
      %select_n3A_67 = arith.select %gt3A_62, %select_n3A_56, %select_n3A_66 : vector<16xi1>, vector<16xf32>
      %select_n3A_68 = arith.select %gt3A_62, %broadcast_in_dim3A_61, %select_n3A_55 : vector<16xi1>, vector<16xi32>
      %select_n3A_69 = arith.select %gt3A_62, %gather3A_59, %select_n3A_56 : vector<16xi1>, vector<16xf32>
      %broadcast_in_dim3A_70 = arith.constant 5 : i32
      %broadcast_in_dim3A_71 = vector.broadcast %broadcast_in_dim3A_70 : i32 to vector<16xi32>
      %gather3A_72 = tpu.vector_load_idx %arg7[%add3A_15, %broadcast_in_dim3A_71] : memref<256x64xf32, #tpu.memory_space<vmem>>[vector<16xi32>, vector<16xi32>], vector<16xf32>,
      %broadcast_in_dim3A_73 = arith.constant 5 : i32
      %broadcast_in_dim3A_74 = vector.broadcast %broadcast_in_dim3A_73 : i32 to vector<16xi32>
      %gt3A_75 = arith.cmpf ogt, %gather3A_72, %select_n3A_69 : vector<16xf32>
      %gt3A_76 = arith.cmpf ogt, %gather3A_72, %select_n3A_67 : vector<16xf32>
      %select_n3A_77 = arith.select %gt3A_76, %broadcast_in_dim3A_74, %select_n3A_65 : vector<16xi1>, vector<16xi32>
      %select_n3A_78 = arith.select %gt3A_75, %select_n3A_68, %select_n3A_77 : vector<16xi1>, vector<16xi32>
      %select_n3A_79 = arith.select %gt3A_76, %gather3A_72, %select_n3A_67 : vector<16xi1>, vector<16xf32>
      %select_n3A_80 = arith.select %gt3A_75, %select_n3A_69, %select_n3A_79 : vector<16xi1>, vector<16xf32>
      %select_n3A_81 = arith.select %gt3A_75, %broadcast_in_dim3A_74, %select_n3A_68 : vector<16xi1>, vector<16xi32>
      %select_n3A_82 = arith.select %gt3A_75, %gather3A_72, %select_n3A_69 : vector<16xi1>, vector<16xf32>
      %broadcast_in_dim3A_83 = arith.constant 6 : i32
      %broadcast_in_dim3A_84 = vector.broadcast %broadcast_in_dim3A_83 : i32 to vector<16xi32>
      %gather3A_85 = tpu.vector_load_idx %arg7[%add3A_15, %broadcast_in_dim3A_84] : memref<256x64xf32, #tpu.memory_space<vmem>>[vector<16xi32>, vector<16xi32>], vector<16xf32>,
      %broadcast_in_dim3A_86 = arith.constant 6 : i32
      %broadcast_in_dim3A_87 = vector.broadcast %broadcast_in_dim3A_86 : i32 to vector<16xi32>
      %gt3A_88 = arith.cmpf ogt, %gather3A_85, %select_n3A_82 : vector<16xf32>
      %gt3A_89 = arith.cmpf ogt, %gather3A_85, %select_n3A_80 : vector<16xf32>
      %select_n3A_90 = arith.select %gt3A_89, %broadcast_in_dim3A_87, %select_n3A_78 : vector<16xi1>, vector<16xi32>
      %select_n3A_91 = arith.select %gt3A_88, %select_n3A_81, %select_n3A_90 : vector<16xi1>, vector<16xi32>
      %select_n3A_92 = arith.select %gt3A_89, %gather3A_85, %select_n3A_80 : vector<16xi1>, vector<16xf32>
      %select_n3A_93 = arith.select %gt3A_88, %select_n3A_82, %select_n3A_92 : vector<16xi1>, vector<16xf32>
      %select_n3A_94 = arith.select %gt3A_88, %broadcast_in_dim3A_87, %select_n3A_81 : vector<16xi1>, vector<16xi32>
      %select_n3A_95 = arith.select %gt3A_88, %gather3A_85, %select_n3A_82 : vector<16xi1>, vector<16xf32>
      %broadcast_in_dim3A_96 = arith.constant 7 : i32
      %broadcast_in_dim3A_97 = vector.broadcast %broadcast_in_dim3A_96 : i32 to vector<16xi32>
      %gather3A_98 = tpu.vector_load_idx %arg7[%add3A_15, %broadcast_in_dim3A_97] : memref<256x64xf32, #tpu.memory_space<vmem>>[vector<16xi32>, vector<16xi32>], vector<16xf32>,
      %broadcast_in_dim3A_99 = arith.constant 7 : i32
      %broadcast_in_dim3A_100 = vector.broadcast %broadcast_in_dim3A_99 : i32 to vector<16xi32>
      %gt3A_101 = arith.cmpf ogt, %gather3A_98, %select_n3A_95 : vector<16xf32>
      %gt3A_102 = arith.cmpf ogt, %gather3A_98, %select_n3A_93 : vector<16xf32>
      %select_n3A_103 = arith.select %gt3A_102, %broadcast_in_dim3A_100, %select_n3A_91 : vector<16xi1>, vector<16xi32>
      %select_n3A_104 = arith.select %gt3A_101, %select_n3A_94, %select_n3A_103 : vector<16xi1>, vector<16xi32>
      %select_n3A_105 = arith.select %gt3A_102, %gather3A_98, %select_n3A_93 : vector<16xi1>, vector<16xf32>
      %select_n3A_106 = arith.select %gt3A_101, %select_n3A_95, %select_n3A_105 : vector<16xi1>, vector<16xf32>
      %select_n3A_107 = arith.select %gt3A_101, %broadcast_in_dim3A_100, %select_n3A_94 : vector<16xi1>, vector<16xi32>
      %select_n3A_108 = arith.select %gt3A_101, %gather3A_98, %select_n3A_95 : vector<16xi1>, vector<16xf32>
      %broadcast_in_dim3A_109 = arith.constant 8 : i32
      %broadcast_in_dim3A_110 = vector.broadcast %broadcast_in_dim3A_109 : i32 to vector<16xi32>
      %gather3A_111 = tpu.vector_load_idx %arg7[%add3A_15, %broadcast_in_dim3A_110] : memref<256x64xf32, #tpu.memory_space<vmem>>[vector<16xi32>, vector<16xi32>], vector<16xf32>,
      %broadcast_in_dim3A_112 = arith.constant 8 : i32
      %broadcast_in_dim3A_113 = vector.broadcast %broadcast_in_dim3A_112 : i32 to vector<16xi32>
      %gt3A_114 = arith.cmpf ogt, %gather3A_111, %select_n3A_108 : vector<16xf32>
      %gt3A_115 = arith.cmpf ogt, %gather3A_111, %select_n3A_106 : vector<16xf32>
      %select_n3A_116 = arith.select %gt3A_115, %broadcast_in_dim3A_113, %select_n3A_104 : vector<16xi1>, vector<16xi32>
      %select_n3A_117 = arith.select %gt3A_114, %select_n3A_107, %select_n3A_116 : vector<16xi1>, vector<16xi32>
      %select_n3A_118 = arith.select %gt3A_115, %gather3A_111, %select_n3A_106 : vector<16xi1>, vector<16xf32>
      %select_n3A_119 = arith.select %gt3A_114, %select_n3A_108, %select_n3A_118 : vector<16xi1>, vector<16xf32>
      %select_n3A_120 = arith.select %gt3A_114, %broadcast_in_dim3A_113, %select_n3A_107 : vector<16xi1>, vector<16xi32>
      %select_n3A_121 = arith.select %gt3A_114, %gather3A_111, %select_n3A_108 : vector<16xi1>, vector<16xf32>
      %broadcast_in_dim3A_122 = arith.constant 9 : i32
      %broadcast_in_dim3A_123 = vector.broadcast %broadcast_in_dim3A_122 : i32 to vector<16xi32>
      %gather3A_124 = tpu.vector_load_idx %arg7[%add3A_15, %broadcast_in_dim3A_123] : memref<256x64xf32, #tpu.memory_space<vmem>>[vector<16xi32>, vector<16xi32>], vector<16xf32>,
      %broadcast_in_dim3A_125 = arith.constant 9 : i32
      %broadcast_in_dim3A_126 = vector.broadcast %broadcast_in_dim3A_125 : i32 to vector<16xi32>
      %gt3A_127 = arith.cmpf ogt, %gather3A_124, %select_n3A_121 : vector<16xf32>
      %gt3A_128 = arith.cmpf ogt, %gather3A_124, %select_n3A_119 : vector<16xf32>
      %select_n3A_129 = arith.select %gt3A_128, %broadcast_in_dim3A_126, %select_n3A_117 : vector<16xi1>, vector<16xi32>
      %select_n3A_130 = arith.select %gt3A_127, %select_n3A_120, %select_n3A_129 : vector<16xi1>, vector<16xi32>
      %select_n3A_131 = arith.select %gt3A_128, %gather3A_124, %select_n3A_119 : vector<16xi1>, vector<16xf32>
      %select_n3A_132 = arith.select %gt3A_127, %select_n3A_121, %select_n3A_131 : vector<16xi1>, vector<16xf32>
      %select_n3A_133 = arith.select %gt3A_127, %broadcast_in_dim3A_126, %select_n3A_120 : vector<16xi1>, vector<16xi32>
      %select_n3A_134 = arith.select %gt3A_127, %gather3A_124, %select_n3A_121 : vector<16xi1>, vector<16xf32>
      %broadcast_in_dim3A_135 = arith.constant 10 : i32
      %broadcast_in_dim3A_136 = vector.broadcast %broadcast_in_dim3A_135 : i32 to vector<16xi32>
      %gather3A_137 = tpu.vector_load_idx %arg7[%add3A_15, %broadcast_in_dim3A_136] : memref<256x64xf32, #tpu.memory_space<vmem>>[vector<16xi32>, vector<16xi32>], vector<16xf32>,
      %broadcast_in_dim3A_138 = arith.constant 10 : i32
      %broadcast_in_dim3A_139 = vector.broadcast %broadcast_in_dim3A_138 : i32 to vector<16xi32>
      %gt3A_140 = arith.cmpf ogt, %gather3A_137, %select_n3A_134 : vector<16xf32>
      %gt3A_141 = arith.cmpf ogt, %gather3A_137, %select_n3A_132 : vector<16xf32>
      %select_n3A_142 = arith.select %gt3A_141, %broadcast_in_dim3A_139, %select_n3A_130 : vector<16xi1>, vector<16xi32>
      %select_n3A_143 = arith.select %gt3A_140, %select_n3A_133, %select_n3A_142 : vector<16xi1>, vector<16xi32>
      %select_n3A_144 = arith.select %gt3A_141, %gather3A_137, %select_n3A_132 : vector<16xi1>, vector<16xf32>
      %select_n3A_145 = arith.select %gt3A_140, %select_n3A_134, %select_n3A_144 : vector<16xi1>, vector<16xf32>
      %select_n3A_146 = arith.select %gt3A_140, %broadcast_in_dim3A_139, %select_n3A_133 : vector<16xi1>, vector<16xi32>
      %select_n3A_147 = arith.select %gt3A_140, %gather3A_137, %select_n3A_134 : vector<16xi1>, vector<16xf32>
      %broadcast_in_dim3A_148 = arith.constant 11 : i32
      %broadcast_in_dim3A_149 = vector.broadcast %broadcast_in_dim3A_148 : i32 to vector<16xi32>
      %gather3A_150 = tpu.vector_load_idx %arg7[%add3A_15, %broadcast_in_dim3A_149] : memref<256x64xf32, #tpu.memory_space<vmem>>[vector<16xi32>, vector<16xi32>], vector<16xf32>,
      %broadcast_in_dim3A_151 = arith.constant 11 : i32
      %broadcast_in_dim3A_152 = vector.broadcast %broadcast_in_dim3A_151 : i32 to vector<16xi32>
      %gt3A_153 = arith.cmpf ogt, %gather3A_150, %select_n3A_147 : vector<16xf32>
      %gt3A_154 = arith.cmpf ogt, %gather3A_150, %select_n3A_145 : vector<16xf32>
      %select_n3A_155 = arith.select %gt3A_154, %broadcast_in_dim3A_152, %select_n3A_143 : vector<16xi1>, vector<16xi32>
      %select_n3A_156 = arith.select %gt3A_153, %select_n3A_146, %select_n3A_155 : vector<16xi1>, vector<16xi32>
      %select_n3A_157 = arith.select %gt3A_154, %gather3A_150, %select_n3A_145 : vector<16xi1>, vector<16xf32>
      %select_n3A_158 = arith.select %gt3A_153, %select_n3A_147, %select_n3A_157 : vector<16xi1>, vector<16xf32>
      %select_n3A_159 = arith.select %gt3A_153, %broadcast_in_dim3A_152, %select_n3A_146 : vector<16xi1>, vector<16xi32>
      %select_n3A_160 = arith.select %gt3A_153, %gather3A_150, %select_n3A_147 : vector<16xi1>, vector<16xf32>
      %broadcast_in_dim3A_161 = arith.constant 12 : i32
      %broadcast_in_dim3A_162 = vector.broadcast %broadcast_in_dim3A_161 : i32 to vector<16xi32>
      %gather3A_163 = tpu.vector_load_idx %arg7[%add3A_15, %broadcast_in_dim3A_162] : memref<256x64xf32, #tpu.memory_space<vmem>>[vector<16xi32>, vector<16xi32>], vector<16xf32>,
      %broadcast_in_dim3A_164 = arith.constant 12 : i32
      %broadcast_in_dim3A_165 = vector.broadcast %broadcast_in_dim3A_164 : i32 to vector<16xi32>
      %gt3A_166 = arith.cmpf ogt, %gather3A_163, %select_n3A_160 : vector<16xf32>
      %gt3A_167 = arith.cmpf ogt, %gather3A_163, %select_n3A_158 : vector<16xf32>
      %select_n3A_168 = arith.select %gt3A_167, %broadcast_in_dim3A_165, %select_n3A_156 : vector<16xi1>, vector<16xi32>
      %select_n3A_169 = arith.select %gt3A_166, %select_n3A_159, %select_n3A_168 : vector<16xi1>, vector<16xi32>
      %select_n3A_170 = arith.select %gt3A_167, %gather3A_163, %select_n3A_158 : vector<16xi1>, vector<16xf32>
      %select_n3A_171 = arith.select %gt3A_166, %select_n3A_160, %select_n3A_170 : vector<16xi1>, vector<16xf32>
      %select_n3A_172 = arith.select %gt3A_166, %broadcast_in_dim3A_165, %select_n3A_159 : vector<16xi1>, vector<16xi32>
      %select_n3A_173 = arith.select %gt3A_166, %gather3A_163, %select_n3A_160 : vector<16xi1>, vector<16xf32>
      %broadcast_in_dim3A_174 = arith.constant 13 : i32
      %broadcast_in_dim3A_175 = vector.broadcast %broadcast_in_dim3A_174 : i32 to vector<16xi32>
      %gather3A_176 = tpu.vector_load_idx %arg7[%add3A_15, %broadcast_in_dim3A_175] : memref<256x64xf32, #tpu.memory_space<vmem>>[vector<16xi32>, vector<16xi32>], vector<16xf32>,
      %broadcast_in_dim3A_177 = arith.constant 13 : i32
      %broadcast_in_dim3A_178 = vector.broadcast %broadcast_in_dim3A_177 : i32 to vector<16xi32>
      %gt3A_179 = arith.cmpf ogt, %gather3A_176, %select_n3A_173 : vector<16xf32>
      %gt3A_180 = arith.cmpf ogt, %gather3A_176, %select_n3A_171 : vector<16xf32>
      %select_n3A_181 = arith.select %gt3A_180, %broadcast_in_dim3A_178, %select_n3A_169 : vector<16xi1>, vector<16xi32>
      %select_n3A_182 = arith.select %gt3A_179, %select_n3A_172, %select_n3A_181 : vector<16xi1>, vector<16xi32>
      %select_n3A_183 = arith.select %gt3A_180, %gather3A_176, %select_n3A_171 : vector<16xi1>, vector<16xf32>
      %select_n3A_184 = arith.select %gt3A_179, %select_n3A_173, %select_n3A_183 : vector<16xi1>, vector<16xf32>
      %select_n3A_185 = arith.select %gt3A_179, %broadcast_in_dim3A_178, %select_n3A_172 : vector<16xi1>, vector<16xi32>
      %select_n3A_186 = arith.select %gt3A_179, %gather3A_176, %select_n3A_173 : vector<16xi1>, vector<16xf32>
      %broadcast_in_dim3A_187 = arith.constant 14 : i32
      %broadcast_in_dim3A_188 = vector.broadcast %broadcast_in_dim3A_187 : i32 to vector<16xi32>
      %gather3A_189 = tpu.vector_load_idx %arg7[%add3A_15, %broadcast_in_dim3A_188] : memref<256x64xf32, #tpu.memory_space<vmem>>[vector<16xi32>, vector<16xi32>], vector<16xf32>,
      %broadcast_in_dim3A_190 = arith.constant 14 : i32
      %broadcast_in_dim3A_191 = vector.broadcast %broadcast_in_dim3A_190 : i32 to vector<16xi32>
      %gt3A_192 = arith.cmpf ogt, %gather3A_189, %select_n3A_186 : vector<16xf32>
      %gt3A_193 = arith.cmpf ogt, %gather3A_189, %select_n3A_184 : vector<16xf32>
      %select_n3A_194 = arith.select %gt3A_193, %broadcast_in_dim3A_191, %select_n3A_182 : vector<16xi1>, vector<16xi32>
      %select_n3A_195 = arith.select %gt3A_192, %select_n3A_185, %select_n3A_194 : vector<16xi1>, vector<16xi32>
      %select_n3A_196 = arith.select %gt3A_193, %gather3A_189, %select_n3A_184 : vector<16xi1>, vector<16xf32>
      %select_n3A_197 = arith.select %gt3A_192, %select_n3A_186, %select_n3A_196 : vector<16xi1>, vector<16xf32>
      %select_n3A_198 = arith.select %gt3A_192, %broadcast_in_dim3A_191, %select_n3A_185 : vector<16xi1>, vector<16xi32>
      %select_n3A_199 = arith.select %gt3A_192, %gather3A_189, %select_n3A_186 : vector<16xi1>, vector<16xf32>
      %broadcast_in_dim3A_200 = arith.constant 15 : i32
      %broadcast_in_dim3A_201 = vector.broadcast %broadcast_in_dim3A_200 : i32 to vector<16xi32>
      %gather3A_202 = tpu.vector_load_idx %arg7[%add3A_15, %broadcast_in_dim3A_201] : memref<256x64xf32, #tpu.memory_space<vmem>>[vector<16xi32>, vector<16xi32>], vector<16xf32>,
      %broadcast_in_dim3A_203 = arith.constant 15 : i32
      %broadcast_in_dim3A_204 = vector.broadcast %broadcast_in_dim3A_203 : i32 to vector<16xi32>
      %gt3A_205 = arith.cmpf ogt, %gather3A_202, %select_n3A_199 : vector<16xf32>
      %gt3A_206 = arith.cmpf ogt, %gather3A_202, %select_n3A_197 : vector<16xf32>
      %select_n3A_207 = arith.select %gt3A_206, %broadcast_in_dim3A_204, %select_n3A_195 : vector<16xi1>, vector<16xi32>
      %select_n3A_208 = arith.select %gt3A_205, %select_n3A_198, %select_n3A_207 : vector<16xi1>, vector<16xi32>
      %select_n3A_209 = arith.select %gt3A_206, %gather3A_202, %select_n3A_197 : vector<16xi1>, vector<16xf32>
      %select_n3A_210 = arith.select %gt3A_205, %select_n3A_199, %select_n3A_209 : vector<16xi1>, vector<16xf32>
      %select_n3A_211 = arith.select %gt3A_205, %broadcast_in_dim3A_204, %select_n3A_198 : vector<16xi1>, vector<16xi32>
      %select_n3A_212 = arith.select %gt3A_205, %gather3A_202, %select_n3A_199 : vector<16xi1>, vector<16xf32>
      %broadcast_in_dim3A_213 = arith.constant 16 : i32
      %broadcast_in_dim3A_214 = vector.broadcast %broadcast_in_dim3A_213 : i32 to vector<16xi32>
      %gather3A_215 = tpu.vector_load_idx %arg7[%add3A_15, %broadcast_in_dim3A_214] : memref<256x64xf32, #tpu.memory_space<vmem>>[vector<16xi32>, vector<16xi32>], vector<16xf32>,
      %broadcast_in_dim3A_216 = arith.constant 16 : i32
      %broadcast_in_dim3A_217 = vector.broadcast %broadcast_in_dim3A_216 : i32 to vector<16xi32>
      %broadcast_in_dim3A_218 = arith.constant 17 : i32
      %broadcast_in_dim3A_219 = vector.broadcast %broadcast_in_dim3A_218 : i32 to vector<16xi32>
      %gather3A_220 = tpu.vector_load_idx %arg7[%add3A_15, %broadcast_in_dim3A_219] : memref<256x64xf32, #tpu.memory_space<vmem>>[vector<16xi32>, vector<16xi32>], vector<16xf32>,
      %broadcast_in_dim3A_221 = arith.constant 17 : i32
      %broadcast_in_dim3A_222 = vector.broadcast %broadcast_in_dim3A_221 : i32 to vector<16xi32>
      %gt3A_223 = arith.cmpf ogt, %gather3A_220, %gather3A_215 : vector<16xf32>
      %gt3A_224 = arith.cmpf ogt, %gather3A_220, %broadcast_in_dim3A_3 : vector<16xf32>
      %select_n3A_225 = arith.select %gt3A_224, %broadcast_in_dim3A_222, %broadcast_in_dim3A_217 : vector<16xi1>, vector<16xi32>
      %select_n3A_226 = arith.select %gt3A_223, %broadcast_in_dim3A_217, %select_n3A_225 : vector<16xi1>, vector<16xi32>
      %select_n3A_227 = arith.select %gt3A_224, %gather3A_220, %broadcast_in_dim3A_3 : vector<16xi1>, vector<16xf32>
      %select_n3A_228 = arith.select %gt3A_223, %gather3A_215, %select_n3A_227 : vector<16xi1>, vector<16xf32>
      %select_n3A_229 = arith.select %gt3A_223, %broadcast_in_dim3A_222, %broadcast_in_dim3A_217 : vector<16xi1>, vector<16xi32>
      %select_n3A_230 = arith.select %gt3A_223, %gather3A_220, %gather3A_215 : vector<16xi1>, vector<16xf32>
      %broadcast_in_dim3A_231 = arith.constant 18 : i32
      %broadcast_in_dim3A_232 = vector.broadcast %broadcast_in_dim3A_231 : i32 to vector<16xi32>
      %gather3A_233 = tpu.vector_load_idx %arg7[%add3A_15, %broadcast_in_dim3A_232] : memref<256x64xf32, #tpu.memory_space<vmem>>[vector<16xi32>, vector<16xi32>], vector<16xf32>,
      %broadcast_in_dim3A_234 = arith.constant 18 : i32
      %broadcast_in_dim3A_235 = vector.broadcast %broadcast_in_dim3A_234 : i32 to vector<16xi32>
      %gt3A_236 = arith.cmpf ogt, %gather3A_233, %select_n3A_230 : vector<16xf32>
      %gt3A_237 = arith.cmpf ogt, %gather3A_233, %select_n3A_228 : vector<16xf32>
      %select_n3A_238 = arith.select %gt3A_237, %broadcast_in_dim3A_235, %select_n3A_226 : vector<16xi1>, vector<16xi32>
      %select_n3A_239 = arith.select %gt3A_236, %select_n3A_229, %select_n3A_238 : vector<16xi1>, vector<16xi32>
      %select_n3A_240 = arith.select %gt3A_237, %gather3A_233, %select_n3A_228 : vector<16xi1>, vector<16xf32>
      %select_n3A_241 = arith.select %gt3A_236, %select_n3A_230, %select_n3A_240 : vector<16xi1>, vector<16xf32>
      %select_n3A_242 = arith.select %gt3A_236, %broadcast_in_dim3A_235, %select_n3A_229 : vector<16xi1>, vector<16xi32>
      %select_n3A_243 = arith.select %gt3A_236, %gather3A_233, %select_n3A_230 : vector<16xi1>, vector<16xf32>
      %broadcast_in_dim3A_244 = arith.constant 19 : i32
      %broadcast_in_dim3A_245 = vector.broadcast %broadcast_in_dim3A_244 : i32 to vector<16xi32>
      %gather3A_246 = tpu.vector_load_idx %arg7[%add3A_15, %broadcast_in_dim3A_245] : memref<256x64xf32, #tpu.memory_space<vmem>>[vector<16xi32>, vector<16xi32>], vector<16xf32>,
      %broadcast_in_dim3A_247 = arith.constant 19 : i32
      %broadcast_in_dim3A_248 = vector.broadcast %broadcast_in_dim3A_247 : i32 to vector<16xi32>
      %gt3A_249 = arith.cmpf ogt, %gather3A_246, %select_n3A_243 : vector<16xf32>
      %gt3A_250 = arith.cmpf ogt, %gather3A_246, %select_n3A_241 : vector<16xf32>
      %select_n3A_251 = arith.select %gt3A_250, %broadcast_in_dim3A_248, %select_n3A_239 : vector<16xi1>, vector<16xi32>
      %select_n3A_252 = arith.select %gt3A_249, %select_n3A_242, %select_n3A_251 : vector<16xi1>, vector<16xi32>
      %select_n3A_253 = arith.select %gt3A_250, %gather3A_246, %select_n3A_241 : vector<16xi1>, vector<16xf32>
      %select_n3A_254 = arith.select %gt3A_249, %select_n3A_243, %select_n3A_253 : vector<16xi1>, vector<16xf32>
      %select_n3A_255 = arith.select %gt3A_249, %broadcast_in_dim3A_248, %select_n3A_242 : vector<16xi1>, vector<16xi32>
      %select_n3A_256 = arith.select %gt3A_249, %gather3A_246, %select_n3A_243 : vector<16xi1>, vector<16xf32>
      %broadcast_in_dim3A_257 = arith.constant 20 : i32
      %broadcast_in_dim3A_258 = vector.broadcast %broadcast_in_dim3A_257 : i32 to vector<16xi32>
      %gather3A_259 = tpu.vector_load_idx %arg7[%add3A_15, %broadcast_in_dim3A_258] : memref<256x64xf32, #tpu.memory_space<vmem>>[vector<16xi32>, vector<16xi32>], vector<16xf32>,
      %broadcast_in_dim3A_260 = arith.constant 20 : i32
      %broadcast_in_dim3A_261 = vector.broadcast %broadcast_in_dim3A_260 : i32 to vector<16xi32>
      %gt3A_262 = arith.cmpf ogt, %gather3A_259, %select_n3A_256 : vector<16xf32>
      %gt3A_263 = arith.cmpf ogt, %gather3A_259, %select_n3A_254 : vector<16xf32>
      %select_n3A_264 = arith.select %gt3A_263, %broadcast_in_dim3A_261, %select_n3A_252 : vector<16xi1>, vector<16xi32>
      %select_n3A_265 = arith.select %gt3A_262, %select_n3A_255, %select_n3A_264 : vector<16xi1>, vector<16xi32>
      %select_n3A_266 = arith.select %gt3A_263, %gather3A_259, %select_n3A_254 : vector<16xi1>, vector<16xf32>
      %select_n3A_267 = arith.select %gt3A_262, %select_n3A_256, %select_n3A_266 : vector<16xi1>, vector<16xf32>
      %select_n3A_268 = arith.select %gt3A_262, %broadcast_in_dim3A_261, %select_n3A_255 : vector<16xi1>, vector<16xi32>
      %select_n3A_269 = arith.select %gt3A_262, %gather3A_259, %select_n3A_256 : vector<16xi1>, vector<16xf32>
      %broadcast_in_dim3A_270 = arith.constant 21 : i32
      %broadcast_in_dim3A_271 = vector.broadcast %broadcast_in_dim3A_270 : i32 to vector<16xi32>
      %gather3A_272 = tpu.vector_load_idx %arg7[%add3A_15, %broadcast_in_dim3A_271] : memref<256x64xf32, #tpu.memory_space<vmem>>[vector<16xi32>, vector<16xi32>], vector<16xf32>,
      %broadcast_in_dim3A_273 = arith.constant 21 : i32
      %broadcast_in_dim3A_274 = vector.broadcast %broadcast_in_dim3A_273 : i32 to vector<16xi32>
      %gt3A_275 = arith.cmpf ogt, %gather3A_272, %select_n3A_269 : vector<16xf32>
      %gt3A_276 = arith.cmpf ogt, %gather3A_272, %select_n3A_267 : vector<16xf32>
      %select_n3A_277 = arith.select %gt3A_276, %broadcast_in_dim3A_274, %select_n3A_265 : vector<16xi1>, vector<16xi32>
      %select_n3A_278 = arith.select %gt3A_275, %select_n3A_268, %select_n3A_277 : vector<16xi1>, vector<16xi32>
      %select_n3A_279 = arith.select %gt3A_276, %gather3A_272, %select_n3A_267 : vector<16xi1>, vector<16xf32>
      %select_n3A_280 = arith.select %gt3A_275, %select_n3A_269, %select_n3A_279 : vector<16xi1>, vector<16xf32>
      %select_n3A_281 = arith.select %gt3A_275, %broadcast_in_dim3A_274, %select_n3A_268 : vector<16xi1>, vector<16xi32>
      %select_n3A_282 = arith.select %gt3A_275, %gather3A_272, %select_n3A_269 : vector<16xi1>, vector<16xf32>
      %broadcast_in_dim3A_283 = arith.constant 22 : i32
      %broadcast_in_dim3A_284 = vector.broadcast %broadcast_in_dim3A_283 : i32 to vector<16xi32>
      %gather3A_285 = tpu.vector_load_idx %arg7[%add3A_15, %broadcast_in_dim3A_284] : memref<256x64xf32, #tpu.memory_space<vmem>>[vector<16xi32>, vector<16xi32>], vector<16xf32>,
      %broadcast_in_dim3A_286 = arith.constant 22 : i32
      %broadcast_in_dim3A_287 = vector.broadcast %broadcast_in_dim3A_286 : i32 to vector<16xi32>
      %gt3A_288 = arith.cmpf ogt, %gather3A_285, %select_n3A_282 : vector<16xf32>
      %gt3A_289 = arith.cmpf ogt, %gather3A_285, %select_n3A_280 : vector<16xf32>
      %select_n3A_290 = arith.select %gt3A_289, %broadcast_in_dim3A_287, %select_n3A_278 : vector<16xi1>, vector<16xi32>
      %select_n3A_291 = arith.select %gt3A_288, %select_n3A_281, %select_n3A_290 : vector<16xi1>, vector<16xi32>
      %select_n3A_292 = arith.select %gt3A_289, %gather3A_285, %select_n3A_280 : vector<16xi1>, vector<16xf32>
      %select_n3A_293 = arith.select %gt3A_288, %select_n3A_282, %select_n3A_292 : vector<16xi1>, vector<16xf32>
      %select_n3A_294 = arith.select %gt3A_288, %broadcast_in_dim3A_287, %select_n3A_281 : vector<16xi1>, vector<16xi32>
      %select_n3A_295 = arith.select %gt3A_288, %gather3A_285, %select_n3A_282 : vector<16xi1>, vector<16xf32>
      %broadcast_in_dim3A_296 = arith.constant 23 : i32
      %broadcast_in_dim3A_297 = vector.broadcast %broadcast_in_dim3A_296 : i32 to vector<16xi32>
      %gather3A_298 = tpu.vector_load_idx %arg7[%add3A_15, %broadcast_in_dim3A_297] : memref<256x64xf32, #tpu.memory_space<vmem>>[vector<16xi32>, vector<16xi32>], vector<16xf32>,
      %broadcast_in_dim3A_299 = arith.constant 23 : i32
      %broadcast_in_dim3A_300 = vector.broadcast %broadcast_in_dim3A_299 : i32 to vector<16xi32>
      %gt3A_301 = arith.cmpf ogt, %gather3A_298, %select_n3A_295 : vector<16xf32>
      %gt3A_302 = arith.cmpf ogt, %gather3A_298, %select_n3A_293 : vector<16xf32>
      %select_n3A_303 = arith.select %gt3A_302, %broadcast_in_dim3A_300, %select_n3A_291 : vector<16xi1>, vector<16xi32>
      %select_n3A_304 = arith.select %gt3A_301, %select_n3A_294, %select_n3A_303 : vector<16xi1>, vector<16xi32>
      %select_n3A_305 = arith.select %gt3A_302, %gather3A_298, %select_n3A_293 : vector<16xi1>, vector<16xf32>
      %select_n3A_306 = arith.select %gt3A_301, %select_n3A_295, %select_n3A_305 : vector<16xi1>, vector<16xf32>
      %select_n3A_307 = arith.select %gt3A_301, %broadcast_in_dim3A_300, %select_n3A_294 : vector<16xi1>, vector<16xi32>
      %select_n3A_308 = arith.select %gt3A_301, %gather3A_298, %select_n3A_295 : vector<16xi1>, vector<16xf32>
      %broadcast_in_dim3A_309 = arith.constant 24 : i32
      %broadcast_in_dim3A_310 = vector.broadcast %broadcast_in_dim3A_309 : i32 to vector<16xi32>
      %gather3A_311 = tpu.vector_load_idx %arg7[%add3A_15, %broadcast_in_dim3A_310] : memref<256x64xf32, #tpu.memory_space<vmem>>[vector<16xi32>, vector<16xi32>], vector<16xf32>,
      %broadcast_in_dim3A_312 = arith.constant 24 : i32
      %broadcast_in_dim3A_313 = vector.broadcast %broadcast_in_dim3A_312 : i32 to vector<16xi32>
      %gt3A_314 = arith.cmpf ogt, %gather3A_311, %select_n3A_308 : vector<16xf32>
      %gt3A_315 = arith.cmpf ogt, %gather3A_311, %select_n3A_306 : vector<16xf32>
      %select_n3A_316 = arith.select %gt3A_315, %broadcast_in_dim3A_313, %select_n3A_304 : vector<16xi1>, vector<16xi32>
      %select_n3A_317 = arith.select %gt3A_314, %select_n3A_307, %select_n3A_316 : vector<16xi1>, vector<16xi32>
      %select_n3A_318 = arith.select %gt3A_315, %gather3A_311, %select_n3A_306 : vector<16xi1>, vector<16xf32>
      %select_n3A_319 = arith.select %gt3A_314, %select_n3A_308, %select_n3A_318 : vector<16xi1>, vector<16xf32>
      %select_n3A_320 = arith.select %gt3A_314, %broadcast_in_dim3A_313, %select_n3A_307 : vector<16xi1>, vector<16xi32>
      %select_n3A_321 = arith.select %gt3A_314, %gather3A_311, %select_n3A_308 : vector<16xi1>, vector<16xf32>
      %broadcast_in_dim3A_322 = arith.constant 25 : i32
      %broadcast_in_dim3A_323 = vector.broadcast %broadcast_in_dim3A_322 : i32 to vector<16xi32>
      %gather3A_324 = tpu.vector_load_idx %arg7[%add3A_15, %broadcast_in_dim3A_323] : memref<256x64xf32, #tpu.memory_space<vmem>>[vector<16xi32>, vector<16xi32>], vector<16xf32>,
      %broadcast_in_dim3A_325 = arith.constant 25 : i32
      %broadcast_in_dim3A_326 = vector.broadcast %broadcast_in_dim3A_325 : i32 to vector<16xi32>
      %gt3A_327 = arith.cmpf ogt, %gather3A_324, %select_n3A_321 : vector<16xf32>
      %gt3A_328 = arith.cmpf ogt, %gather3A_324, %select_n3A_319 : vector<16xf32>
      %select_n3A_329 = arith.select %gt3A_328, %broadcast_in_dim3A_326, %select_n3A_317 : vector<16xi1>, vector<16xi32>
      %select_n3A_330 = arith.select %gt3A_327, %select_n3A_320, %select_n3A_329 : vector<16xi1>, vector<16xi32>
      %select_n3A_331 = arith.select %gt3A_328, %gather3A_324, %select_n3A_319 : vector<16xi1>, vector<16xf32>
      %select_n3A_332 = arith.select %gt3A_327, %select_n3A_321, %select_n3A_331 : vector<16xi1>, vector<16xf32>
      %select_n3A_333 = arith.select %gt3A_327, %broadcast_in_dim3A_326, %select_n3A_320 : vector<16xi1>, vector<16xi32>
      %select_n3A_334 = arith.select %gt3A_327, %gather3A_324, %select_n3A_321 : vector<16xi1>, vector<16xf32>
      %broadcast_in_dim3A_335 = arith.constant 26 : i32
      %broadcast_in_dim3A_336 = vector.broadcast %broadcast_in_dim3A_335 : i32 to vector<16xi32>
      %gather3A_337 = tpu.vector_load_idx %arg7[%add3A_15, %broadcast_in_dim3A_336] : memref<256x64xf32, #tpu.memory_space<vmem>>[vector<16xi32>, vector<16xi32>], vector<16xf32>,
      %broadcast_in_dim3A_338 = arith.constant 26 : i32
      %broadcast_in_dim3A_339 = vector.broadcast %broadcast_in_dim3A_338 : i32 to vector<16xi32>
      %gt3A_340 = arith.cmpf ogt, %gather3A_337, %select_n3A_334 : vector<16xf32>
      %gt3A_341 = arith.cmpf ogt, %gather3A_337, %select_n3A_332 : vector<16xf32>
      %select_n3A_342 = arith.select %gt3A_341, %broadcast_in_dim3A_339, %select_n3A_330 : vector<16xi1>, vector<16xi32>
      %select_n3A_343 = arith.select %gt3A_340, %select_n3A_333, %select_n3A_342 : vector<16xi1>, vector<16xi32>
      %select_n3A_344 = arith.select %gt3A_341, %gather3A_337, %select_n3A_332 : vector<16xi1>, vector<16xf32>
      %select_n3A_345 = arith.select %gt3A_340, %select_n3A_334, %select_n3A_344 : vector<16xi1>, vector<16xf32>
      %select_n3A_346 = arith.select %gt3A_340, %broadcast_in_dim3A_339, %select_n3A_333 : vector<16xi1>, vector<16xi32>
      %select_n3A_347 = arith.select %gt3A_340, %gather3A_337, %select_n3A_334 : vector<16xi1>, vector<16xf32>
      %broadcast_in_dim3A_348 = arith.constant 27 : i32
      %broadcast_in_dim3A_349 = vector.broadcast %broadcast_in_dim3A_348 : i32 to vector<16xi32>
      %gather3A_350 = tpu.vector_load_idx %arg7[%add3A_15, %broadcast_in_dim3A_349] : memref<256x64xf32, #tpu.memory_space<vmem>>[vector<16xi32>, vector<16xi32>], vector<16xf32>,
      %broadcast_in_dim3A_351 = arith.constant 27 : i32
      %broadcast_in_dim3A_352 = vector.broadcast %broadcast_in_dim3A_351 : i32 to vector<16xi32>
      %gt3A_353 = arith.cmpf ogt, %gather3A_350, %select_n3A_347 : vector<16xf32>
      %gt3A_354 = arith.cmpf ogt, %gather3A_350, %select_n3A_345 : vector<16xf32>
      %select_n3A_355 = arith.select %gt3A_354, %broadcast_in_dim3A_352, %select_n3A_343 : vector<16xi1>, vector<16xi32>
      %select_n3A_356 = arith.select %gt3A_353, %select_n3A_346, %select_n3A_355 : vector<16xi1>, vector<16xi32>
      %select_n3A_357 = arith.select %gt3A_354, %gather3A_350, %select_n3A_345 : vector<16xi1>, vector<16xf32>
      %select_n3A_358 = arith.select %gt3A_353, %select_n3A_347, %select_n3A_357 : vector<16xi1>, vector<16xf32>
      %select_n3A_359 = arith.select %gt3A_353, %broadcast_in_dim3A_352, %select_n3A_346 : vector<16xi1>, vector<16xi32>
      %select_n3A_360 = arith.select %gt3A_353, %gather3A_350, %select_n3A_347 : vector<16xi1>, vector<16xf32>
      %broadcast_in_dim3A_361 = arith.constant 28 : i32
      %broadcast_in_dim3A_362 = vector.broadcast %broadcast_in_dim3A_361 : i32 to vector<16xi32>
      %gather3A_363 = tpu.vector_load_idx %arg7[%add3A_15, %broadcast_in_dim3A_362] : memref<256x64xf32, #tpu.memory_space<vmem>>[vector<16xi32>, vector<16xi32>], vector<16xf32>,
      %broadcast_in_dim3A_364 = arith.constant 28 : i32
      %broadcast_in_dim3A_365 = vector.broadcast %broadcast_in_dim3A_364 : i32 to vector<16xi32>
      %gt3A_366 = arith.cmpf ogt, %gather3A_363, %select_n3A_360 : vector<16xf32>
      %gt3A_367 = arith.cmpf ogt, %gather3A_363, %select_n3A_358 : vector<16xf32>
      %select_n3A_368 = arith.select %gt3A_367, %broadcast_in_dim3A_365, %select_n3A_356 : vector<16xi1>, vector<16xi32>
      %select_n3A_369 = arith.select %gt3A_366, %select_n3A_359, %select_n3A_368 : vector<16xi1>, vector<16xi32>
      %select_n3A_370 = arith.select %gt3A_367, %gather3A_363, %select_n3A_358 : vector<16xi1>, vector<16xf32>
      %select_n3A_371 = arith.select %gt3A_366, %select_n3A_360, %select_n3A_370 : vector<16xi1>, vector<16xf32>
      %select_n3A_372 = arith.select %gt3A_366, %broadcast_in_dim3A_365, %select_n3A_359 : vector<16xi1>, vector<16xi32>
      %select_n3A_373 = arith.select %gt3A_366, %gather3A_363, %select_n3A_360 : vector<16xi1>, vector<16xf32>
      %broadcast_in_dim3A_374 = arith.constant 29 : i32
      %broadcast_in_dim3A_375 = vector.broadcast %broadcast_in_dim3A_374 : i32 to vector<16xi32>
      %gather3A_376 = tpu.vector_load_idx %arg7[%add3A_15, %broadcast_in_dim3A_375] : memref<256x64xf32, #tpu.memory_space<vmem>>[vector<16xi32>, vector<16xi32>], vector<16xf32>,
      %broadcast_in_dim3A_377 = arith.constant 29 : i32
      %broadcast_in_dim3A_378 = vector.broadcast %broadcast_in_dim3A_377 : i32 to vector<16xi32>
      %gt3A_379 = arith.cmpf ogt, %gather3A_376, %select_n3A_373 : vector<16xf32>
      %gt3A_380 = arith.cmpf ogt, %gather3A_376, %select_n3A_371 : vector<16xf32>
      %select_n3A_381 = arith.select %gt3A_380, %broadcast_in_dim3A_378, %select_n3A_369 : vector<16xi1>, vector<16xi32>
      %select_n3A_382 = arith.select %gt3A_379, %select_n3A_372, %select_n3A_381 : vector<16xi1>, vector<16xi32>
      %select_n3A_383 = arith.select %gt3A_380, %gather3A_376, %select_n3A_371 : vector<16xi1>, vector<16xf32>
      %select_n3A_384 = arith.select %gt3A_379, %select_n3A_373, %select_n3A_383 : vector<16xi1>, vector<16xf32>
      %select_n3A_385 = arith.select %gt3A_379, %broadcast_in_dim3A_378, %select_n3A_372 : vector<16xi1>, vector<16xi32>
      %select_n3A_386 = arith.select %gt3A_379, %gather3A_376, %select_n3A_373 : vector<16xi1>, vector<16xf32>
      %broadcast_in_dim3A_387 = arith.constant 30 : i32
      %broadcast_in_dim3A_388 = vector.broadcast %broadcast_in_dim3A_387 : i32 to vector<16xi32>
      %gather3A_389 = tpu.vector_load_idx %arg7[%add3A_15, %broadcast_in_dim3A_388] : memref<256x64xf32, #tpu.memory_space<vmem>>[vector<16xi32>, vector<16xi32>], vector<16xf32>,
      %broadcast_in_dim3A_390 = arith.constant 30 : i32
      %broadcast_in_dim3A_391 = vector.broadcast %broadcast_in_dim3A_390 : i32 to vector<16xi32>
      %gt3A_392 = arith.cmpf ogt, %gather3A_389, %select_n3A_386 : vector<16xf32>
      %gt3A_393 = arith.cmpf ogt, %gather3A_389, %select_n3A_384 : vector<16xf32>
      %select_n3A_394 = arith.select %gt3A_393, %broadcast_in_dim3A_391, %select_n3A_382 : vector<16xi1>, vector<16xi32>
      %select_n3A_395 = arith.select %gt3A_392, %select_n3A_385, %select_n3A_394 : vector<16xi1>, vector<16xi32>
      %select_n3A_396 = arith.select %gt3A_393, %gather3A_389, %select_n3A_384 : vector<16xi1>, vector<16xf32>
      %select_n3A_397 = arith.select %gt3A_392, %select_n3A_386, %select_n3A_396 : vector<16xi1>, vector<16xf32>
      %select_n3A_398 = arith.select %gt3A_392, %broadcast_in_dim3A_391, %select_n3A_385 : vector<16xi1>, vector<16xi32>
      %select_n3A_399 = arith.select %gt3A_392, %gather3A_389, %select_n3A_386 : vector<16xi1>, vector<16xf32>
      %broadcast_in_dim3A_400 = arith.constant 31 : i32
      %broadcast_in_dim3A_401 = vector.broadcast %broadcast_in_dim3A_400 : i32 to vector<16xi32>
      %gather3A_402 = tpu.vector_load_idx %arg7[%add3A_15, %broadcast_in_dim3A_401] : memref<256x64xf32, #tpu.memory_space<vmem>>[vector<16xi32>, vector<16xi32>], vector<16xf32>,
      %broadcast_in_dim3A_403 = arith.constant 31 : i32
      %broadcast_in_dim3A_404 = vector.broadcast %broadcast_in_dim3A_403 : i32 to vector<16xi32>
      %gt3A_405 = arith.cmpf ogt, %gather3A_402, %select_n3A_399 : vector<16xf32>
      %gt3A_406 = arith.cmpf ogt, %gather3A_402, %select_n3A_397 : vector<16xf32>
      %select_n3A_407 = arith.select %gt3A_406, %broadcast_in_dim3A_404, %select_n3A_395 : vector<16xi1>, vector<16xi32>
      %select_n3A_408 = arith.select %gt3A_405, %select_n3A_398, %select_n3A_407 : vector<16xi1>, vector<16xi32>
      %select_n3A_409 = arith.select %gt3A_406, %gather3A_402, %select_n3A_397 : vector<16xi1>, vector<16xf32>
      %select_n3A_410 = arith.select %gt3A_405, %select_n3A_399, %select_n3A_409 : vector<16xi1>, vector<16xf32>
      %select_n3A_411 = arith.select %gt3A_405, %broadcast_in_dim3A_404, %select_n3A_398 : vector<16xi1>, vector<16xi32>
      %select_n3A_412 = arith.select %gt3A_405, %gather3A_402, %select_n3A_399 : vector<16xi1>, vector<16xf32>
      %broadcast_in_dim3A_413 = arith.constant 32 : i32
      %broadcast_in_dim3A_414 = vector.broadcast %broadcast_in_dim3A_413 : i32 to vector<16xi32>
      %gather3A_415 = tpu.vector_load_idx %arg7[%add3A_15, %broadcast_in_dim3A_414] : memref<256x64xf32, #tpu.memory_space<vmem>>[vector<16xi32>, vector<16xi32>], vector<16xf32>,
      %broadcast_in_dim3A_416 = arith.constant 32 : i32
      %broadcast_in_dim3A_417 = vector.broadcast %broadcast_in_dim3A_416 : i32 to vector<16xi32>
      %broadcast_in_dim3A_418 = arith.constant 33 : i32
      %broadcast_in_dim3A_419 = vector.broadcast %broadcast_in_dim3A_418 : i32 to vector<16xi32>
      %gather3A_420 = tpu.vector_load_idx %arg7[%add3A_15, %broadcast_in_dim3A_419] : memref<256x64xf32, #tpu.memory_space<vmem>>[vector<16xi32>, vector<16xi32>], vector<16xf32>,
      %broadcast_in_dim3A_421 = arith.constant 33 : i32
      %broadcast_in_dim3A_422 = vector.broadcast %broadcast_in_dim3A_421 : i32 to vector<16xi32>
      %gt3A_423 = arith.cmpf ogt, %gather3A_420, %gather3A_415 : vector<16xf32>
      %gt3A_424 = arith.cmpf ogt, %gather3A_420, %broadcast_in_dim3A_3 : vector<16xf32>
      %select_n3A_425 = arith.select %gt3A_424, %broadcast_in_dim3A_422, %broadcast_in_dim3A_417 : vector<16xi1>, vector<16xi32>
      %select_n3A_426 = arith.select %gt3A_423, %broadcast_in_dim3A_417, %select_n3A_425 : vector<16xi1>, vector<16xi32>
      %select_n3A_427 = arith.select %gt3A_424, %gather3A_420, %broadcast_in_dim3A_3 : vector<16xi1>, vector<16xf32>
      %select_n3A_428 = arith.select %gt3A_423, %gather3A_415, %select_n3A_427 : vector<16xi1>, vector<16xf32>
      %select_n3A_429 = arith.select %gt3A_423, %broadcast_in_dim3A_422, %broadcast_in_dim3A_417 : vector<16xi1>, vector<16xi32>
      %select_n3A_430 = arith.select %gt3A_423, %gather3A_420, %gather3A_415 : vector<16xi1>, vector<16xf32>
      %broadcast_in_dim3A_431 = arith.constant 34 : i32
      %broadcast_in_dim3A_432 = vector.broadcast %broadcast_in_dim3A_431 : i32 to vector<16xi32>
      %gather3A_433 = tpu.vector_load_idx %arg7[%add3A_15, %broadcast_in_dim3A_432] : memref<256x64xf32, #tpu.memory_space<vmem>>[vector<16xi32>, vector<16xi32>], vector<16xf32>,
      %broadcast_in_dim3A_434 = arith.constant 34 : i32
      %broadcast_in_dim3A_435 = vector.broadcast %broadcast_in_dim3A_434 : i32 to vector<16xi32>
      %gt3A_436 = arith.cmpf ogt, %gather3A_433, %select_n3A_430 : vector<16xf32>
      %gt3A_437 = arith.cmpf ogt, %gather3A_433, %select_n3A_428 : vector<16xf32>
      %select_n3A_438 = arith.select %gt3A_437, %broadcast_in_dim3A_435, %select_n3A_426 : vector<16xi1>, vector<16xi32>
      %select_n3A_439 = arith.select %gt3A_436, %select_n3A_429, %select_n3A_438 : vector<16xi1>, vector<16xi32>
      %select_n3A_440 = arith.select %gt3A_437, %gather3A_433, %select_n3A_428 : vector<16xi1>, vector<16xf32>
      %select_n3A_441 = arith.select %gt3A_436, %select_n3A_430, %select_n3A_440 : vector<16xi1>, vector<16xf32>
      %select_n3A_442 = arith.select %gt3A_436, %broadcast_in_dim3A_435, %select_n3A_429 : vector<16xi1>, vector<16xi32>
      %select_n3A_443 = arith.select %gt3A_436, %gather3A_433, %select_n3A_430 : vector<16xi1>, vector<16xf32>
      %broadcast_in_dim3A_444 = arith.constant 35 : i32
      %broadcast_in_dim3A_445 = vector.broadcast %broadcast_in_dim3A_444 : i32 to vector<16xi32>
      %gather3A_446 = tpu.vector_load_idx %arg7[%add3A_15, %broadcast_in_dim3A_445] : memref<256x64xf32, #tpu.memory_space<vmem>>[vector<16xi32>, vector<16xi32>], vector<16xf32>,
      %broadcast_in_dim3A_447 = arith.constant 35 : i32
      %broadcast_in_dim3A_448 = vector.broadcast %broadcast_in_dim3A_447 : i32 to vector<16xi32>
      %gt3A_449 = arith.cmpf ogt, %gather3A_446, %select_n3A_443 : vector<16xf32>
      %gt3A_450 = arith.cmpf ogt, %gather3A_446, %select_n3A_441 : vector<16xf32>
      %select_n3A_451 = arith.select %gt3A_450, %broadcast_in_dim3A_448, %select_n3A_439 : vector<16xi1>, vector<16xi32>
      %select_n3A_452 = arith.select %gt3A_449, %select_n3A_442, %select_n3A_451 : vector<16xi1>, vector<16xi32>
      %select_n3A_453 = arith.select %gt3A_450, %gather3A_446, %select_n3A_441 : vector<16xi1>, vector<16xf32>
      %select_n3A_454 = arith.select %gt3A_449, %select_n3A_443, %select_n3A_453 : vector<16xi1>, vector<16xf32>
      %select_n3A_455 = arith.select %gt3A_449, %broadcast_in_dim3A_448, %select_n3A_442 : vector<16xi1>, vector<16xi32>
      %select_n3A_456 = arith.select %gt3A_449, %gather3A_446, %select_n3A_443 : vector<16xi1>, vector<16xf32>
      %broadcast_in_dim3A_457 = arith.constant 36 : i32
      %broadcast_in_dim3A_458 = vector.broadcast %broadcast_in_dim3A_457 : i32 to vector<16xi32>
      %gather3A_459 = tpu.vector_load_idx %arg7[%add3A_15, %broadcast_in_dim3A_458] : memref<256x64xf32, #tpu.memory_space<vmem>>[vector<16xi32>, vector<16xi32>], vector<16xf32>,
      %broadcast_in_dim3A_460 = arith.constant 36 : i32
      %broadcast_in_dim3A_461 = vector.broadcast %broadcast_in_dim3A_460 : i32 to vector<16xi32>
      %gt3A_462 = arith.cmpf ogt, %gather3A_459, %select_n3A_456 : vector<16xf32>
      %gt3A_463 = arith.cmpf ogt, %gather3A_459, %select_n3A_454 : vector<16xf32>
      %select_n3A_464 = arith.select %gt3A_463, %broadcast_in_dim3A_461, %select_n3A_452 : vector<16xi1>, vector<16xi32>
      %select_n3A_465 = arith.select %gt3A_462, %select_n3A_455, %select_n3A_464 : vector<16xi1>, vector<16xi32>
      %select_n3A_466 = arith.select %gt3A_463, %gather3A_459, %select_n3A_454 : vector<16xi1>, vector<16xf32>
      %select_n3A_467 = arith.select %gt3A_462, %select_n3A_456, %select_n3A_466 : vector<16xi1>, vector<16xf32>
      %select_n3A_468 = arith.select %gt3A_462, %broadcast_in_dim3A_461, %select_n3A_455 : vector<16xi1>, vector<16xi32>
      %select_n3A_469 = arith.select %gt3A_462, %gather3A_459, %select_n3A_456 : vector<16xi1>, vector<16xf32>
      %broadcast_in_dim3A_470 = arith.constant 37 : i32
      %broadcast_in_dim3A_471 = vector.broadcast %broadcast_in_dim3A_470 : i32 to vector<16xi32>
      %gather3A_472 = tpu.vector_load_idx %arg7[%add3A_15, %broadcast_in_dim3A_471] : memref<256x64xf32, #tpu.memory_space<vmem>>[vector<16xi32>, vector<16xi32>], vector<16xf32>,
      %broadcast_in_dim3A_473 = arith.constant 37 : i32
      %broadcast_in_dim3A_474 = vector.broadcast %broadcast_in_dim3A_473 : i32 to vector<16xi32>
      %gt3A_475 = arith.cmpf ogt, %gather3A_472, %select_n3A_469 : vector<16xf32>
      %gt3A_476 = arith.cmpf ogt, %gather3A_472, %select_n3A_467 : vector<16xf32>
      %select_n3A_477 = arith.select %gt3A_476, %broadcast_in_dim3A_474, %select_n3A_465 : vector<16xi1>, vector<16xi32>
      %select_n3A_478 = arith.select %gt3A_475, %select_n3A_468, %select_n3A_477 : vector<16xi1>, vector<16xi32>
      %select_n3A_479 = arith.select %gt3A_476, %gather3A_472, %select_n3A_467 : vector<16xi1>, vector<16xf32>
      %select_n3A_480 = arith.select %gt3A_475, %select_n3A_469, %select_n3A_479 : vector<16xi1>, vector<16xf32>
      %select_n3A_481 = arith.select %gt3A_475, %broadcast_in_dim3A_474, %select_n3A_468 : vector<16xi1>, vector<16xi32>
      %select_n3A_482 = arith.select %gt3A_475, %gather3A_472, %select_n3A_469 : vector<16xi1>, vector<16xf32>
      %broadcast_in_dim3A_483 = arith.constant 38 : i32
      %broadcast_in_dim3A_484 = vector.broadcast %broadcast_in_dim3A_483 : i32 to vector<16xi32>
      %gather3A_485 = tpu.vector_load_idx %arg7[%add3A_15, %broadcast_in_dim3A_484] : memref<256x64xf32, #tpu.memory_space<vmem>>[vector<16xi32>, vector<16xi32>], vector<16xf32>,
      %broadcast_in_dim3A_486 = arith.constant 38 : i32
      %broadcast_in_dim3A_487 = vector.broadcast %broadcast_in_dim3A_486 : i32 to vector<16xi32>
      %gt3A_488 = arith.cmpf ogt, %gather3A_485, %select_n3A_482 : vector<16xf32>
      %gt3A_489 = arith.cmpf ogt, %gather3A_485, %select_n3A_480 : vector<16xf32>
      %select_n3A_490 = arith.select %gt3A_489, %broadcast_in_dim3A_487, %select_n3A_478 : vector<16xi1>, vector<16xi32>
      %select_n3A_491 = arith.select %gt3A_488, %select_n3A_481, %select_n3A_490 : vector<16xi1>, vector<16xi32>
      %select_n3A_492 = arith.select %gt3A_489, %gather3A_485, %select_n3A_480 : vector<16xi1>, vector<16xf32>
      %select_n3A_493 = arith.select %gt3A_488, %select_n3A_482, %select_n3A_492 : vector<16xi1>, vector<16xf32>
      %select_n3A_494 = arith.select %gt3A_488, %broadcast_in_dim3A_487, %select_n3A_481 : vector<16xi1>, vector<16xi32>
      %select_n3A_495 = arith.select %gt3A_488, %gather3A_485, %select_n3A_482 : vector<16xi1>, vector<16xf32>
      %broadcast_in_dim3A_496 = arith.constant 39 : i32
      %broadcast_in_dim3A_497 = vector.broadcast %broadcast_in_dim3A_496 : i32 to vector<16xi32>
      %gather3A_498 = tpu.vector_load_idx %arg7[%add3A_15, %broadcast_in_dim3A_497] : memref<256x64xf32, #tpu.memory_space<vmem>>[vector<16xi32>, vector<16xi32>], vector<16xf32>,
      %broadcast_in_dim3A_499 = arith.constant 39 : i32
      %broadcast_in_dim3A_500 = vector.broadcast %broadcast_in_dim3A_499 : i32 to vector<16xi32>
      %gt3A_501 = arith.cmpf ogt, %gather3A_498, %select_n3A_495 : vector<16xf32>
      %gt3A_502 = arith.cmpf ogt, %gather3A_498, %select_n3A_493 : vector<16xf32>
      %select_n3A_503 = arith.select %gt3A_502, %broadcast_in_dim3A_500, %select_n3A_491 : vector<16xi1>, vector<16xi32>
      %select_n3A_504 = arith.select %gt3A_501, %select_n3A_494, %select_n3A_503 : vector<16xi1>, vector<16xi32>
      %select_n3A_505 = arith.select %gt3A_502, %gather3A_498, %select_n3A_493 : vector<16xi1>, vector<16xf32>
      %select_n3A_506 = arith.select %gt3A_501, %select_n3A_495, %select_n3A_505 : vector<16xi1>, vector<16xf32>
      %select_n3A_507 = arith.select %gt3A_501, %broadcast_in_dim3A_500, %select_n3A_494 : vector<16xi1>, vector<16xi32>
      %select_n3A_508 = arith.select %gt3A_501, %gather3A_498, %select_n3A_495 : vector<16xi1>, vector<16xf32>
      %broadcast_in_dim3A_509 = arith.constant 40 : i32
      %broadcast_in_dim3A_510 = vector.broadcast %broadcast_in_dim3A_509 : i32 to vector<16xi32>
      %gather3A_511 = tpu.vector_load_idx %arg7[%add3A_15, %broadcast_in_dim3A_510] : memref<256x64xf32, #tpu.memory_space<vmem>>[vector<16xi32>, vector<16xi32>], vector<16xf32>,
      %broadcast_in_dim3A_512 = arith.constant 40 : i32
      %broadcast_in_dim3A_513 = vector.broadcast %broadcast_in_dim3A_512 : i32 to vector<16xi32>
      %gt3A_514 = arith.cmpf ogt, %gather3A_511, %select_n3A_508 : vector<16xf32>
      %gt3A_515 = arith.cmpf ogt, %gather3A_511, %select_n3A_506 : vector<16xf32>
      %select_n3A_516 = arith.select %gt3A_515, %broadcast_in_dim3A_513, %select_n3A_504 : vector<16xi1>, vector<16xi32>
      %select_n3A_517 = arith.select %gt3A_514, %select_n3A_507, %select_n3A_516 : vector<16xi1>, vector<16xi32>
      %select_n3A_518 = arith.select %gt3A_515, %gather3A_511, %select_n3A_506 : vector<16xi1>, vector<16xf32>
      %select_n3A_519 = arith.select %gt3A_514, %select_n3A_508, %select_n3A_518 : vector<16xi1>, vector<16xf32>
      %select_n3A_520 = arith.select %gt3A_514, %broadcast_in_dim3A_513, %select_n3A_507 : vector<16xi1>, vector<16xi32>
      %select_n3A_521 = arith.select %gt3A_514, %gather3A_511, %select_n3A_508 : vector<16xi1>, vector<16xf32>
      %broadcast_in_dim3A_522 = arith.constant 41 : i32
      %broadcast_in_dim3A_523 = vector.broadcast %broadcast_in_dim3A_522 : i32 to vector<16xi32>
      %gather3A_524 = tpu.vector_load_idx %arg7[%add3A_15, %broadcast_in_dim3A_523] : memref<256x64xf32, #tpu.memory_space<vmem>>[vector<16xi32>, vector<16xi32>], vector<16xf32>,
      %broadcast_in_dim3A_525 = arith.constant 41 : i32
      %broadcast_in_dim3A_526 = vector.broadcast %broadcast_in_dim3A_525 : i32 to vector<16xi32>
      %gt3A_527 = arith.cmpf ogt, %gather3A_524, %select_n3A_521 : vector<16xf32>
      %gt3A_528 = arith.cmpf ogt, %gather3A_524, %select_n3A_519 : vector<16xf32>
      %select_n3A_529 = arith.select %gt3A_528, %broadcast_in_dim3A_526, %select_n3A_517 : vector<16xi1>, vector<16xi32>
      %select_n3A_530 = arith.select %gt3A_527, %select_n3A_520, %select_n3A_529 : vector<16xi1>, vector<16xi32>
      %select_n3A_531 = arith.select %gt3A_528, %gather3A_524, %select_n3A_519 : vector<16xi1>, vector<16xf32>
      %select_n3A_532 = arith.select %gt3A_527, %select_n3A_521, %select_n3A_531 : vector<16xi1>, vector<16xf32>
      %select_n3A_533 = arith.select %gt3A_527, %broadcast_in_dim3A_526, %select_n3A_520 : vector<16xi1>, vector<16xi32>
      %select_n3A_534 = arith.select %gt3A_527, %gather3A_524, %select_n3A_521 : vector<16xi1>, vector<16xf32>
      %broadcast_in_dim3A_535 = arith.constant 42 : i32
      %broadcast_in_dim3A_536 = vector.broadcast %broadcast_in_dim3A_535 : i32 to vector<16xi32>
      %gather3A_537 = tpu.vector_load_idx %arg7[%add3A_15, %broadcast_in_dim3A_536] : memref<256x64xf32, #tpu.memory_space<vmem>>[vector<16xi32>, vector<16xi32>], vector<16xf32>,
      %broadcast_in_dim3A_538 = arith.constant 42 : i32
      %broadcast_in_dim3A_539 = vector.broadcast %broadcast_in_dim3A_538 : i32 to vector<16xi32>
      %gt3A_540 = arith.cmpf ogt, %gather3A_537, %select_n3A_534 : vector<16xf32>
      %gt3A_541 = arith.cmpf ogt, %gather3A_537, %select_n3A_532 : vector<16xf32>
      %select_n3A_542 = arith.select %gt3A_541, %broadcast_in_dim3A_539, %select_n3A_530 : vector<16xi1>, vector<16xi32>
      %select_n3A_543 = arith.select %gt3A_540, %select_n3A_533, %select_n3A_542 : vector<16xi1>, vector<16xi32>
      %select_n3A_544 = arith.select %gt3A_541, %gather3A_537, %select_n3A_532 : vector<16xi1>, vector<16xf32>
      %select_n3A_545 = arith.select %gt3A_540, %select_n3A_534, %select_n3A_544 : vector<16xi1>, vector<16xf32>
      %select_n3A_546 = arith.select %gt3A_540, %broadcast_in_dim3A_539, %select_n3A_533 : vector<16xi1>, vector<16xi32>
      %select_n3A_547 = arith.select %gt3A_540, %gather3A_537, %select_n3A_534 : vector<16xi1>, vector<16xf32>
      %broadcast_in_dim3A_548 = arith.constant 43 : i32
      %broadcast_in_dim3A_549 = vector.broadcast %broadcast_in_dim3A_548 : i32 to vector<16xi32>
      %gather3A_550 = tpu.vector_load_idx %arg7[%add3A_15, %broadcast_in_dim3A_549] : memref<256x64xf32, #tpu.memory_space<vmem>>[vector<16xi32>, vector<16xi32>], vector<16xf32>,
      %broadcast_in_dim3A_551 = arith.constant 43 : i32
      %broadcast_in_dim3A_552 = vector.broadcast %broadcast_in_dim3A_551 : i32 to vector<16xi32>
      %gt3A_553 = arith.cmpf ogt, %gather3A_550, %select_n3A_547 : vector<16xf32>
      %gt3A_554 = arith.cmpf ogt, %gather3A_550, %select_n3A_545 : vector<16xf32>
      %select_n3A_555 = arith.select %gt3A_554, %broadcast_in_dim3A_552, %select_n3A_543 : vector<16xi1>, vector<16xi32>
      %select_n3A_556 = arith.select %gt3A_553, %select_n3A_546, %select_n3A_555 : vector<16xi1>, vector<16xi32>
      %select_n3A_557 = arith.select %gt3A_554, %gather3A_550, %select_n3A_545 : vector<16xi1>, vector<16xf32>
      %select_n3A_558 = arith.select %gt3A_553, %select_n3A_547, %select_n3A_557 : vector<16xi1>, vector<16xf32>
      %select_n3A_559 = arith.select %gt3A_553, %broadcast_in_dim3A_552, %select_n3A_546 : vector<16xi1>, vector<16xi32>
      %select_n3A_560 = arith.select %gt3A_553, %gather3A_550, %select_n3A_547 : vector<16xi1>, vector<16xf32>
      %broadcast_in_dim3A_561 = arith.constant 44 : i32
      %broadcast_in_dim3A_562 = vector.broadcast %broadcast_in_dim3A_561 : i32 to vector<16xi32>
      %gather3A_563 = tpu.vector_load_idx %arg7[%add3A_15, %broadcast_in_dim3A_562] : memref<256x64xf32, #tpu.memory_space<vmem>>[vector<16xi32>, vector<16xi32>], vector<16xf32>,
      %broadcast_in_dim3A_564 = arith.constant 44 : i32
      %broadcast_in_dim3A_565 = vector.broadcast %broadcast_in_dim3A_564 : i32 to vector<16xi32>
      %gt3A_566 = arith.cmpf ogt, %gather3A_563, %select_n3A_560 : vector<16xf32>
      %gt3A_567 = arith.cmpf ogt, %gather3A_563, %select_n3A_558 : vector<16xf32>
      %select_n3A_568 = arith.select %gt3A_567, %broadcast_in_dim3A_565, %select_n3A_556 : vector<16xi1>, vector<16xi32>
      %select_n3A_569 = arith.select %gt3A_566, %select_n3A_559, %select_n3A_568 : vector<16xi1>, vector<16xi32>
      %select_n3A_570 = arith.select %gt3A_567, %gather3A_563, %select_n3A_558 : vector<16xi1>, vector<16xf32>
      %select_n3A_571 = arith.select %gt3A_566, %select_n3A_560, %select_n3A_570 : vector<16xi1>, vector<16xf32>
      %select_n3A_572 = arith.select %gt3A_566, %broadcast_in_dim3A_565, %select_n3A_559 : vector<16xi1>, vector<16xi32>
      %select_n3A_573 = arith.select %gt3A_566, %gather3A_563, %select_n3A_560 : vector<16xi1>, vector<16xf32>
      %broadcast_in_dim3A_574 = arith.constant 45 : i32
      %broadcast_in_dim3A_575 = vector.broadcast %broadcast_in_dim3A_574 : i32 to vector<16xi32>
      %gather3A_576 = tpu.vector_load_idx %arg7[%add3A_15, %broadcast_in_dim3A_575] : memref<256x64xf32, #tpu.memory_space<vmem>>[vector<16xi32>, vector<16xi32>], vector<16xf32>,
      %broadcast_in_dim3A_577 = arith.constant 45 : i32
      %broadcast_in_dim3A_578 = vector.broadcast %broadcast_in_dim3A_577 : i32 to vector<16xi32>
      %gt3A_579 = arith.cmpf ogt, %gather3A_576, %select_n3A_573 : vector<16xf32>
      %gt3A_580 = arith.cmpf ogt, %gather3A_576, %select_n3A_571 : vector<16xf32>
      %select_n3A_581 = arith.select %gt3A_580, %broadcast_in_dim3A_578, %select_n3A_569 : vector<16xi1>, vector<16xi32>
      %select_n3A_582 = arith.select %gt3A_579, %select_n3A_572, %select_n3A_581 : vector<16xi1>, vector<16xi32>
      %select_n3A_583 = arith.select %gt3A_580, %gather3A_576, %select_n3A_571 : vector<16xi1>, vector<16xf32>
      %select_n3A_584 = arith.select %gt3A_579, %select_n3A_573, %select_n3A_583 : vector<16xi1>, vector<16xf32>
      %select_n3A_585 = arith.select %gt3A_579, %broadcast_in_dim3A_578, %select_n3A_572 : vector<16xi1>, vector<16xi32>
      %select_n3A_586 = arith.select %gt3A_579, %gather3A_576, %select_n3A_573 : vector<16xi1>, vector<16xf32>
      %broadcast_in_dim3A_587 = arith.constant 46 : i32
      %broadcast_in_dim3A_588 = vector.broadcast %broadcast_in_dim3A_587 : i32 to vector<16xi32>
      %gather3A_589 = tpu.vector_load_idx %arg7[%add3A_15, %broadcast_in_dim3A_588] : memref<256x64xf32, #tpu.memory_space<vmem>>[vector<16xi32>, vector<16xi32>], vector<16xf32>,
      %broadcast_in_dim3A_590 = arith.constant 46 : i32
      %broadcast_in_dim3A_591 = vector.broadcast %broadcast_in_dim3A_590 : i32 to vector<16xi32>
      %gt3A_592 = arith.cmpf ogt, %gather3A_589, %select_n3A_586 : vector<16xf32>
      %gt3A_593 = arith.cmpf ogt, %gather3A_589, %select_n3A_584 : vector<16xf32>
      %select_n3A_594 = arith.select %gt3A_593, %broadcast_in_dim3A_591, %select_n3A_582 : vector<16xi1>, vector<16xi32>
      %select_n3A_595 = arith.select %gt3A_592, %select_n3A_585, %select_n3A_594 : vector<16xi1>, vector<16xi32>
      %select_n3A_596 = arith.select %gt3A_593, %gather3A_589, %select_n3A_584 : vector<16xi1>, vector<16xf32>
      %select_n3A_597 = arith.select %gt3A_592, %select_n3A_586, %select_n3A_596 : vector<16xi1>, vector<16xf32>
      %select_n3A_598 = arith.select %gt3A_592, %broadcast_in_dim3A_591, %select_n3A_585 : vector<16xi1>, vector<16xi32>
      %select_n3A_599 = arith.select %gt3A_592, %gather3A_589, %select_n3A_586 : vector<16xi1>, vector<16xf32>
      %broadcast_in_dim3A_600 = arith.constant 47 : i32
      %broadcast_in_dim3A_601 = vector.broadcast %broadcast_in_dim3A_600 : i32 to vector<16xi32>
      %gather3A_602 = tpu.vector_load_idx %arg7[%add3A_15, %broadcast_in_dim3A_601] : memref<256x64xf32, #tpu.memory_space<vmem>>[vector<16xi32>, vector<16xi32>], vector<16xf32>,
      %broadcast_in_dim3A_603 = arith.constant 47 : i32
      %broadcast_in_dim3A_604 = vector.broadcast %broadcast_in_dim3A_603 : i32 to vector<16xi32>
      %gt3A_605 = arith.cmpf ogt, %gather3A_602, %select_n3A_599 : vector<16xf32>
      %gt3A_606 = arith.cmpf ogt, %gather3A_602, %select_n3A_597 : vector<16xf32>
      %select_n3A_607 = arith.select %gt3A_606, %broadcast_in_dim3A_604, %select_n3A_595 : vector<16xi1>, vector<16xi32>
      %select_n3A_608 = arith.select %gt3A_605, %select_n3A_598, %select_n3A_607 : vector<16xi1>, vector<16xi32>
      %select_n3A_609 = arith.select %gt3A_606, %gather3A_602, %select_n3A_597 : vector<16xi1>, vector<16xf32>
      %select_n3A_610 = arith.select %gt3A_605, %select_n3A_599, %select_n3A_609 : vector<16xi1>, vector<16xf32>
      %select_n3A_611 = arith.select %gt3A_605, %broadcast_in_dim3A_604, %select_n3A_598 : vector<16xi1>, vector<16xi32>
      %select_n3A_612 = arith.select %gt3A_605, %gather3A_602, %select_n3A_599 : vector<16xi1>, vector<16xf32>
      %broadcast_in_dim3A_613 = arith.constant 48 : i32
      %broadcast_in_dim3A_614 = vector.broadcast %broadcast_in_dim3A_613 : i32 to vector<16xi32>
      %gather3A_615 = tpu.vector_load_idx %arg7[%add3A_15, %broadcast_in_dim3A_614] : memref<256x64xf32, #tpu.memory_space<vmem>>[vector<16xi32>, vector<16xi32>], vector<16xf32>,
      %broadcast_in_dim3A_616 = arith.constant 48 : i32
      %broadcast_in_dim3A_617 = vector.broadcast %broadcast_in_dim3A_616 : i32 to vector<16xi32>
      %broadcast_in_dim3A_618 = arith.constant 49 : i32
      %broadcast_in_dim3A_619 = vector.broadcast %broadcast_in_dim3A_618 : i32 to vector<16xi32>
      %gather3A_620 = tpu.vector_load_idx %arg7[%add3A_15, %broadcast_in_dim3A_619] : memref<256x64xf32, #tpu.memory_space<vmem>>[vector<16xi32>, vector<16xi32>], vector<16xf32>,
      %broadcast_in_dim3A_621 = arith.constant 49 : i32
      %broadcast_in_dim3A_622 = vector.broadcast %broadcast_in_dim3A_621 : i32 to vector<16xi32>
      %gt3A_623 = arith.cmpf ogt, %gather3A_620, %gather3A_615 : vector<16xf32>
      %gt3A_624 = arith.cmpf ogt, %gather3A_620, %broadcast_in_dim3A_3 : vector<16xf32>
      %select_n3A_625 = arith.select %gt3A_624, %broadcast_in_dim3A_622, %broadcast_in_dim3A_617 : vector<16xi1>, vector<16xi32>
      %select_n3A_626 = arith.select %gt3A_623, %broadcast_in_dim3A_617, %select_n3A_625 : vector<16xi1>, vector<16xi32>
      %select_n3A_627 = arith.select %gt3A_624, %gather3A_620, %broadcast_in_dim3A_3 : vector<16xi1>, vector<16xf32>
      %select_n3A_628 = arith.select %gt3A_623, %gather3A_615, %select_n3A_627 : vector<16xi1>, vector<16xf32>
      %select_n3A_629 = arith.select %gt3A_623, %broadcast_in_dim3A_622, %broadcast_in_dim3A_617 : vector<16xi1>, vector<16xi32>
      %select_n3A_630 = arith.select %gt3A_623, %gather3A_620, %gather3A_615 : vector<16xi1>, vector<16xf32>
      %broadcast_in_dim3A_631 = arith.constant 50 : i32
      %broadcast_in_dim3A_632 = vector.broadcast %broadcast_in_dim3A_631 : i32 to vector<16xi32>
      %gather3A_633 = tpu.vector_load_idx %arg7[%add3A_15, %broadcast_in_dim3A_632] : memref<256x64xf32, #tpu.memory_space<vmem>>[vector<16xi32>, vector<16xi32>], vector<16xf32>,
      %broadcast_in_dim3A_634 = arith.constant 50 : i32
      %broadcast_in_dim3A_635 = vector.broadcast %broadcast_in_dim3A_634 : i32 to vector<16xi32>
      %gt3A_636 = arith.cmpf ogt, %gather3A_633, %select_n3A_630 : vector<16xf32>
      %gt3A_637 = arith.cmpf ogt, %gather3A_633, %select_n3A_628 : vector<16xf32>
      %select_n3A_638 = arith.select %gt3A_637, %broadcast_in_dim3A_635, %select_n3A_626 : vector<16xi1>, vector<16xi32>
      %select_n3A_639 = arith.select %gt3A_636, %select_n3A_629, %select_n3A_638 : vector<16xi1>, vector<16xi32>
      %select_n3A_640 = arith.select %gt3A_637, %gather3A_633, %select_n3A_628 : vector<16xi1>, vector<16xf32>
      %select_n3A_641 = arith.select %gt3A_636, %select_n3A_630, %select_n3A_640 : vector<16xi1>, vector<16xf32>
      %select_n3A_642 = arith.select %gt3A_636, %broadcast_in_dim3A_635, %select_n3A_629 : vector<16xi1>, vector<16xi32>
      %select_n3A_643 = arith.select %gt3A_636, %gather3A_633, %select_n3A_630 : vector<16xi1>, vector<16xf32>
      %broadcast_in_dim3A_644 = arith.constant 51 : i32
      %broadcast_in_dim3A_645 = vector.broadcast %broadcast_in_dim3A_644 : i32 to vector<16xi32>
      %gather3A_646 = tpu.vector_load_idx %arg7[%add3A_15, %broadcast_in_dim3A_645] : memref<256x64xf32, #tpu.memory_space<vmem>>[vector<16xi32>, vector<16xi32>], vector<16xf32>,
      %broadcast_in_dim3A_647 = arith.constant 51 : i32
      %broadcast_in_dim3A_648 = vector.broadcast %broadcast_in_dim3A_647 : i32 to vector<16xi32>
      %gt3A_649 = arith.cmpf ogt, %gather3A_646, %select_n3A_643 : vector<16xf32>
      %gt3A_650 = arith.cmpf ogt, %gather3A_646, %select_n3A_641 : vector<16xf32>
      %select_n3A_651 = arith.select %gt3A_650, %broadcast_in_dim3A_648, %select_n3A_639 : vector<16xi1>, vector<16xi32>
      %select_n3A_652 = arith.select %gt3A_649, %select_n3A_642, %select_n3A_651 : vector<16xi1>, vector<16xi32>
      %select_n3A_653 = arith.select %gt3A_650, %gather3A_646, %select_n3A_641 : vector<16xi1>, vector<16xf32>
      %select_n3A_654 = arith.select %gt3A_649, %select_n3A_643, %select_n3A_653 : vector<16xi1>, vector<16xf32>
      %select_n3A_655 = arith.select %gt3A_649, %broadcast_in_dim3A_648, %select_n3A_642 : vector<16xi1>, vector<16xi32>
      %select_n3A_656 = arith.select %gt3A_649, %gather3A_646, %select_n3A_643 : vector<16xi1>, vector<16xf32>
      %broadcast_in_dim3A_657 = arith.constant 52 : i32
      %broadcast_in_dim3A_658 = vector.broadcast %broadcast_in_dim3A_657 : i32 to vector<16xi32>
      %gather3A_659 = tpu.vector_load_idx %arg7[%add3A_15, %broadcast_in_dim3A_658] : memref<256x64xf32, #tpu.memory_space<vmem>>[vector<16xi32>, vector<16xi32>], vector<16xf32>,
      %broadcast_in_dim3A_660 = arith.constant 52 : i32
      %broadcast_in_dim3A_661 = vector.broadcast %broadcast_in_dim3A_660 : i32 to vector<16xi32>
      %gt3A_662 = arith.cmpf ogt, %gather3A_659, %select_n3A_656 : vector<16xf32>
      %gt3A_663 = arith.cmpf ogt, %gather3A_659, %select_n3A_654 : vector<16xf32>
      %select_n3A_664 = arith.select %gt3A_663, %broadcast_in_dim3A_661, %select_n3A_652 : vector<16xi1>, vector<16xi32>
      %select_n3A_665 = arith.select %gt3A_662, %select_n3A_655, %select_n3A_664 : vector<16xi1>, vector<16xi32>
      %select_n3A_666 = arith.select %gt3A_663, %gather3A_659, %select_n3A_654 : vector<16xi1>, vector<16xf32>
      %select_n3A_667 = arith.select %gt3A_662, %select_n3A_656, %select_n3A_666 : vector<16xi1>, vector<16xf32>
      %select_n3A_668 = arith.select %gt3A_662, %broadcast_in_dim3A_661, %select_n3A_655 : vector<16xi1>, vector<16xi32>
      %select_n3A_669 = arith.select %gt3A_662, %gather3A_659, %select_n3A_656 : vector<16xi1>, vector<16xf32>
      %broadcast_in_dim3A_670 = arith.constant 53 : i32
      %broadcast_in_dim3A_671 = vector.broadcast %broadcast_in_dim3A_670 : i32 to vector<16xi32>
      %gather3A_672 = tpu.vector_load_idx %arg7[%add3A_15, %broadcast_in_dim3A_671] : memref<256x64xf32, #tpu.memory_space<vmem>>[vector<16xi32>, vector<16xi32>], vector<16xf32>,
      %broadcast_in_dim3A_673 = arith.constant 53 : i32
      %broadcast_in_dim3A_674 = vector.broadcast %broadcast_in_dim3A_673 : i32 to vector<16xi32>
      %gt3A_675 = arith.cmpf ogt, %gather3A_672, %select_n3A_669 : vector<16xf32>
      %gt3A_676 = arith.cmpf ogt, %gather3A_672, %select_n3A_667 : vector<16xf32>
      %select_n3A_677 = arith.select %gt3A_676, %broadcast_in_dim3A_674, %select_n3A_665 : vector<16xi1>, vector<16xi32>
      %select_n3A_678 = arith.select %gt3A_675, %select_n3A_668, %select_n3A_677 : vector<16xi1>, vector<16xi32>
      %select_n3A_679 = arith.select %gt3A_676, %gather3A_672, %select_n3A_667 : vector<16xi1>, vector<16xf32>
      %select_n3A_680 = arith.select %gt3A_675, %select_n3A_669, %select_n3A_679 : vector<16xi1>, vector<16xf32>
      %select_n3A_681 = arith.select %gt3A_675, %broadcast_in_dim3A_674, %select_n3A_668 : vector<16xi1>, vector<16xi32>
      %select_n3A_682 = arith.select %gt3A_675, %gather3A_672, %select_n3A_669 : vector<16xi1>, vector<16xf32>
      %broadcast_in_dim3A_683 = arith.constant 54 : i32
      %broadcast_in_dim3A_684 = vector.broadcast %broadcast_in_dim3A_683 : i32 to vector<16xi32>
      %gather3A_685 = tpu.vector_load_idx %arg7[%add3A_15, %broadcast_in_dim3A_684] : memref<256x64xf32, #tpu.memory_space<vmem>>[vector<16xi32>, vector<16xi32>], vector<16xf32>,
      %broadcast_in_dim3A_686 = arith.constant 54 : i32
      %broadcast_in_dim3A_687 = vector.broadcast %broadcast_in_dim3A_686 : i32 to vector<16xi32>
      %gt3A_688 = arith.cmpf ogt, %gather3A_685, %select_n3A_682 : vector<16xf32>
      %gt3A_689 = arith.cmpf ogt, %gather3A_685, %select_n3A_680 : vector<16xf32>
      %select_n3A_690 = arith.select %gt3A_689, %broadcast_in_dim3A_687, %select_n3A_678 : vector<16xi1>, vector<16xi32>
      %select_n3A_691 = arith.select %gt3A_688, %select_n3A_681, %select_n3A_690 : vector<16xi1>, vector<16xi32>
      %select_n3A_692 = arith.select %gt3A_689, %gather3A_685, %select_n3A_680 : vector<16xi1>, vector<16xf32>
      %select_n3A_693 = arith.select %gt3A_688, %select_n3A_682, %select_n3A_692 : vector<16xi1>, vector<16xf32>
      %select_n3A_694 = arith.select %gt3A_688, %broadcast_in_dim3A_687, %select_n3A_681 : vector<16xi1>, vector<16xi32>
      %select_n3A_695 = arith.select %gt3A_688, %gather3A_685, %select_n3A_682 : vector<16xi1>, vector<16xf32>
      %broadcast_in_dim3A_696 = arith.constant 55 : i32
      %broadcast_in_dim3A_697 = vector.broadcast %broadcast_in_dim3A_696 : i32 to vector<16xi32>
      %gather3A_698 = tpu.vector_load_idx %arg7[%add3A_15, %broadcast_in_dim3A_697] : memref<256x64xf32, #tpu.memory_space<vmem>>[vector<16xi32>, vector<16xi32>], vector<16xf32>,
      %broadcast_in_dim3A_699 = arith.constant 55 : i32
      %broadcast_in_dim3A_700 = vector.broadcast %broadcast_in_dim3A_699 : i32 to vector<16xi32>
      %gt3A_701 = arith.cmpf ogt, %gather3A_698, %select_n3A_695 : vector<16xf32>
      %gt3A_702 = arith.cmpf ogt, %gather3A_698, %select_n3A_693 : vector<16xf32>
      %select_n3A_703 = arith.select %gt3A_702, %broadcast_in_dim3A_700, %select_n3A_691 : vector<16xi1>, vector<16xi32>
      %select_n3A_704 = arith.select %gt3A_701, %select_n3A_694, %select_n3A_703 : vector<16xi1>, vector<16xi32>
      %select_n3A_705 = arith.select %gt3A_702, %gather3A_698, %select_n3A_693 : vector<16xi1>, vector<16xf32>
      %select_n3A_706 = arith.select %gt3A_701, %select_n3A_695, %select_n3A_705 : vector<16xi1>, vector<16xf32>
      %select_n3A_707 = arith.select %gt3A_701, %broadcast_in_dim3A_700, %select_n3A_694 : vector<16xi1>, vector<16xi32>
      %select_n3A_708 = arith.select %gt3A_701, %gather3A_698, %select_n3A_695 : vector<16xi1>, vector<16xf32>
      %broadcast_in_dim3A_709 = arith.constant 56 : i32
      %broadcast_in_dim3A_710 = vector.broadcast %broadcast_in_dim3A_709 : i32 to vector<16xi32>
      %gather3A_711 = tpu.vector_load_idx %arg7[%add3A_15, %broadcast_in_dim3A_710] : memref<256x64xf32, #tpu.memory_space<vmem>>[vector<16xi32>, vector<16xi32>], vector<16xf32>,
      %broadcast_in_dim3A_712 = arith.constant 56 : i32
      %broadcast_in_dim3A_713 = vector.broadcast %broadcast_in_dim3A_712 : i32 to vector<16xi32>
      %gt3A_714 = arith.cmpf ogt, %gather3A_711, %select_n3A_708 : vector<16xf32>
      %gt3A_715 = arith.cmpf ogt, %gather3A_711, %select_n3A_706 : vector<16xf32>
      %select_n3A_716 = arith.select %gt3A_715, %broadcast_in_dim3A_713, %select_n3A_704 : vector<16xi1>, vector<16xi32>
      %select_n3A_717 = arith.select %gt3A_714, %select_n3A_707, %select_n3A_716 : vector<16xi1>, vector<16xi32>
      %select_n3A_718 = arith.select %gt3A_715, %gather3A_711, %select_n3A_706 : vector<16xi1>, vector<16xf32>
      %select_n3A_719 = arith.select %gt3A_714, %select_n3A_708, %select_n3A_718 : vector<16xi1>, vector<16xf32>
      %select_n3A_720 = arith.select %gt3A_714, %broadcast_in_dim3A_713, %select_n3A_707 : vector<16xi1>, vector<16xi32>
      %select_n3A_721 = arith.select %gt3A_714, %gather3A_711, %select_n3A_708 : vector<16xi1>, vector<16xf32>
      %broadcast_in_dim3A_722 = arith.constant 57 : i32
      %broadcast_in_dim3A_723 = vector.broadcast %broadcast_in_dim3A_722 : i32 to vector<16xi32>
      %gather3A_724 = tpu.vector_load_idx %arg7[%add3A_15, %broadcast_in_dim3A_723] : memref<256x64xf32, #tpu.memory_space<vmem>>[vector<16xi32>, vector<16xi32>], vector<16xf32>,
      %broadcast_in_dim3A_725 = arith.constant 57 : i32
      %broadcast_in_dim3A_726 = vector.broadcast %broadcast_in_dim3A_725 : i32 to vector<16xi32>
      %gt3A_727 = arith.cmpf ogt, %gather3A_724, %select_n3A_721 : vector<16xf32>
      %gt3A_728 = arith.cmpf ogt, %gather3A_724, %select_n3A_719 : vector<16xf32>
      %select_n3A_729 = arith.select %gt3A_728, %broadcast_in_dim3A_726, %select_n3A_717 : vector<16xi1>, vector<16xi32>
      %select_n3A_730 = arith.select %gt3A_727, %select_n3A_720, %select_n3A_729 : vector<16xi1>, vector<16xi32>
      %select_n3A_731 = arith.select %gt3A_728, %gather3A_724, %select_n3A_719 : vector<16xi1>, vector<16xf32>
      %select_n3A_732 = arith.select %gt3A_727, %select_n3A_721, %select_n3A_731 : vector<16xi1>, vector<16xf32>
      %select_n3A_733 = arith.select %gt3A_727, %broadcast_in_dim3A_726, %select_n3A_720 : vector<16xi1>, vector<16xi32>
      %select_n3A_734 = arith.select %gt3A_727, %gather3A_724, %select_n3A_721 : vector<16xi1>, vector<16xf32>
      %broadcast_in_dim3A_735 = arith.constant 58 : i32
      %broadcast_in_dim3A_736 = vector.broadcast %broadcast_in_dim3A_735 : i32 to vector<16xi32>
      %gather3A_737 = tpu.vector_load_idx %arg7[%add3A_15, %broadcast_in_dim3A_736] : memref<256x64xf32, #tpu.memory_space<vmem>>[vector<16xi32>, vector<16xi32>], vector<16xf32>,
      %broadcast_in_dim3A_738 = arith.constant 58 : i32
      %broadcast_in_dim3A_739 = vector.broadcast %broadcast_in_dim3A_738 : i32 to vector<16xi32>
      %gt3A_740 = arith.cmpf ogt, %gather3A_737, %select_n3A_734 : vector<16xf32>
      %gt3A_741 = arith.cmpf ogt, %gather3A_737, %select_n3A_732 : vector<16xf32>
      %select_n3A_742 = arith.select %gt3A_741, %broadcast_in_dim3A_739, %select_n3A_730 : vector<16xi1>, vector<16xi32>
      %select_n3A_743 = arith.select %gt3A_740, %select_n3A_733, %select_n3A_742 : vector<16xi1>, vector<16xi32>
      %select_n3A_744 = arith.select %gt3A_741, %gather3A_737, %select_n3A_732 : vector<16xi1>, vector<16xf32>
      %select_n3A_745 = arith.select %gt3A_740, %select_n3A_734, %select_n3A_744 : vector<16xi1>, vector<16xf32>
      %select_n3A_746 = arith.select %gt3A_740, %broadcast_in_dim3A_739, %select_n3A_733 : vector<16xi1>, vector<16xi32>
      %select_n3A_747 = arith.select %gt3A_740, %gather3A_737, %select_n3A_734 : vector<16xi1>, vector<16xf32>
      %broadcast_in_dim3A_748 = arith.constant 59 : i32
      %broadcast_in_dim3A_749 = vector.broadcast %broadcast_in_dim3A_748 : i32 to vector<16xi32>
      %gather3A_750 = tpu.vector_load_idx %arg7[%add3A_15, %broadcast_in_dim3A_749] : memref<256x64xf32, #tpu.memory_space<vmem>>[vector<16xi32>, vector<16xi32>], vector<16xf32>,
      %broadcast_in_dim3A_751 = arith.constant 59 : i32
      %broadcast_in_dim3A_752 = vector.broadcast %broadcast_in_dim3A_751 : i32 to vector<16xi32>
      %gt3A_753 = arith.cmpf ogt, %gather3A_750, %select_n3A_747 : vector<16xf32>
      %gt3A_754 = arith.cmpf ogt, %gather3A_750, %select_n3A_745 : vector<16xf32>
      %select_n3A_755 = arith.select %gt3A_754, %broadcast_in_dim3A_752, %select_n3A_743 : vector<16xi1>, vector<16xi32>
      %select_n3A_756 = arith.select %gt3A_753, %select_n3A_746, %select_n3A_755 : vector<16xi1>, vector<16xi32>
      %select_n3A_757 = arith.select %gt3A_754, %gather3A_750, %select_n3A_745 : vector<16xi1>, vector<16xf32>
      %select_n3A_758 = arith.select %gt3A_753, %select_n3A_747, %select_n3A_757 : vector<16xi1>, vector<16xf32>
      %select_n3A_759 = arith.select %gt3A_753, %broadcast_in_dim3A_752, %select_n3A_746 : vector<16xi1>, vector<16xi32>
      %select_n3A_760 = arith.select %gt3A_753, %gather3A_750, %select_n3A_747 : vector<16xi1>, vector<16xf32>
      %broadcast_in_dim3A_761 = arith.constant 60 : i32
      %broadcast_in_dim3A_762 = vector.broadcast %broadcast_in_dim3A_761 : i32 to vector<16xi32>
      %gather3A_763 = tpu.vector_load_idx %arg7[%add3A_15, %broadcast_in_dim3A_762] : memref<256x64xf32, #tpu.memory_space<vmem>>[vector<16xi32>, vector<16xi32>], vector<16xf32>,
      %broadcast_in_dim3A_764 = arith.constant 60 : i32
      %broadcast_in_dim3A_765 = vector.broadcast %broadcast_in_dim3A_764 : i32 to vector<16xi32>
      %gt3A_766 = arith.cmpf ogt, %gather3A_763, %select_n3A_760 : vector<16xf32>
      %gt3A_767 = arith.cmpf ogt, %gather3A_763, %select_n3A_758 : vector<16xf32>
      %select_n3A_768 = arith.select %gt3A_767, %broadcast_in_dim3A_765, %select_n3A_756 : vector<16xi1>, vector<16xi32>
      %select_n3A_769 = arith.select %gt3A_766, %select_n3A_759, %select_n3A_768 : vector<16xi1>, vector<16xi32>
      %select_n3A_770 = arith.select %gt3A_767, %gather3A_763, %select_n3A_758 : vector<16xi1>, vector<16xf32>
      %select_n3A_771 = arith.select %gt3A_766, %select_n3A_760, %select_n3A_770 : vector<16xi1>, vector<16xf32>
      %select_n3A_772 = arith.select %gt3A_766, %broadcast_in_dim3A_765, %select_n3A_759 : vector<16xi1>, vector<16xi32>
      %select_n3A_773 = arith.select %gt3A_766, %gather3A_763, %select_n3A_760 : vector<16xi1>, vector<16xf32>
      %broadcast_in_dim3A_774 = arith.constant 61 : i32
      %broadcast_in_dim3A_775 = vector.broadcast %broadcast_in_dim3A_774 : i32 to vector<16xi32>
      %gather3A_776 = tpu.vector_load_idx %arg7[%add3A_15, %broadcast_in_dim3A_775] : memref<256x64xf32, #tpu.memory_space<vmem>>[vector<16xi32>, vector<16xi32>], vector<16xf32>,
      %broadcast_in_dim3A_777 = arith.constant 61 : i32
      %broadcast_in_dim3A_778 = vector.broadcast %broadcast_in_dim3A_777 : i32 to vector<16xi32>
      %gt3A_779 = arith.cmpf ogt, %gather3A_776, %select_n3A_773 : vector<16xf32>
      %gt3A_780 = arith.cmpf ogt, %gather3A_776, %select_n3A_771 : vector<16xf32>
      %select_n3A_781 = arith.select %gt3A_780, %broadcast_in_dim3A_778, %select_n3A_769 : vector<16xi1>, vector<16xi32>
      %select_n3A_782 = arith.select %gt3A_779, %select_n3A_772, %select_n3A_781 : vector<16xi1>, vector<16xi32>
      %select_n3A_783 = arith.select %gt3A_780, %gather3A_776, %select_n3A_771 : vector<16xi1>, vector<16xf32>
      %select_n3A_784 = arith.select %gt3A_779, %select_n3A_773, %select_n3A_783 : vector<16xi1>, vector<16xf32>
      %select_n3A_785 = arith.select %gt3A_779, %broadcast_in_dim3A_778, %select_n3A_772 : vector<16xi1>, vector<16xi32>
      %select_n3A_786 = arith.select %gt3A_779, %gather3A_776, %select_n3A_773 : vector<16xi1>, vector<16xf32>
      %broadcast_in_dim3A_787 = arith.constant 62 : i32
      %broadcast_in_dim3A_788 = vector.broadcast %broadcast_in_dim3A_787 : i32 to vector<16xi32>
      %gather3A_789 = tpu.vector_load_idx %arg7[%add3A_15, %broadcast_in_dim3A_788] : memref<256x64xf32, #tpu.memory_space<vmem>>[vector<16xi32>, vector<16xi32>], vector<16xf32>,
      %broadcast_in_dim3A_790 = arith.constant 62 : i32
      %broadcast_in_dim3A_791 = vector.broadcast %broadcast_in_dim3A_790 : i32 to vector<16xi32>
      %gt3A_792 = arith.cmpf ogt, %gather3A_789, %select_n3A_786 : vector<16xf32>
      %gt3A_793 = arith.cmpf ogt, %gather3A_789, %select_n3A_784 : vector<16xf32>
      %select_n3A_794 = arith.select %gt3A_793, %broadcast_in_dim3A_791, %select_n3A_782 : vector<16xi1>, vector<16xi32>
      %select_n3A_795 = arith.select %gt3A_792, %select_n3A_785, %select_n3A_794 : vector<16xi1>, vector<16xi32>
      %select_n3A_796 = arith.select %gt3A_793, %gather3A_789, %select_n3A_784 : vector<16xi1>, vector<16xf32>
      %select_n3A_797 = arith.select %gt3A_792, %select_n3A_786, %select_n3A_796 : vector<16xi1>, vector<16xf32>
      %select_n3A_798 = arith.select %gt3A_792, %broadcast_in_dim3A_791, %select_n3A_785 : vector<16xi1>, vector<16xi32>
      %select_n3A_799 = arith.select %gt3A_792, %gather3A_789, %select_n3A_786 : vector<16xi1>, vector<16xf32>
      %broadcast_in_dim3A_800 = arith.constant 63 : i32
      %broadcast_in_dim3A_801 = vector.broadcast %broadcast_in_dim3A_800 : i32 to vector<16xi32>
      %gather3A_802 = tpu.vector_load_idx %arg7[%add3A_15, %broadcast_in_dim3A_801] : memref<256x64xf32, #tpu.memory_space<vmem>>[vector<16xi32>, vector<16xi32>], vector<16xf32>,
      %broadcast_in_dim3A_803 = arith.constant 63 : i32
      %broadcast_in_dim3A_804 = vector.broadcast %broadcast_in_dim3A_803 : i32 to vector<16xi32>
      %gt3A_805 = arith.cmpf ogt, %gather3A_802, %select_n3A_799 : vector<16xf32>
      %gt3A_806 = arith.cmpf ogt, %gather3A_802, %select_n3A_797 : vector<16xf32>
      %select_n3A_807 = arith.select %gt3A_806, %broadcast_in_dim3A_804, %select_n3A_795 : vector<16xi1>, vector<16xi32>
      %select_n3A_808 = arith.select %gt3A_805, %select_n3A_798, %select_n3A_807 : vector<16xi1>, vector<16xi32>
      %select_n3A_809 = arith.select %gt3A_806, %gather3A_802, %select_n3A_797 : vector<16xi1>, vector<16xf32>
      %select_n3A_810 = arith.select %gt3A_805, %select_n3A_799, %select_n3A_809 : vector<16xi1>, vector<16xf32>
      %select_n3A_811 = arith.select %gt3A_805, %broadcast_in_dim3A_804, %select_n3A_798 : vector<16xi1>, vector<16xi32>
      %select_n3A_812 = arith.select %gt3A_805, %gather3A_802, %select_n3A_799 : vector<16xi1>, vector<16xf32>
      %gt3A_813 = arith.cmpf ogt, %select_n3A_212, %select_n3A_412 : vector<16xf32>
      %eq3A = arith.cmpf oeq, %select_n3A_212, %select_n3A_412 : vector<16xf32>
      %lt3A = arith.cmpi slt, %select_n3A_211, %select_n3A_411 : vector<16xi32>
      %and3A = arith.andi %eq3A, %lt3A : vector<16xi1>
      %or3A = arith.ori %gt3A_813, %and3A : vector<16xi1>
      %select_n3A_814 = arith.select %or3A, %select_n3A_212, %select_n3A_412 : vector<16xi1>, vector<16xf32>
      %select_n3A_815 = arith.select %or3A, %select_n3A_211, %select_n3A_411 : vector<16xi1>, vector<16xi32>
      %gt3A_816 = arith.cmpf ogt, %select_n3A_212, %select_n3A_412 : vector<16xf32>
      %eq3A_817 = arith.cmpf oeq, %select_n3A_212, %select_n3A_412 : vector<16xf32>
      %lt3A_818 = arith.cmpi slt, %select_n3A_211, %select_n3A_411 : vector<16xi32>
      %and3A_819 = arith.andi %eq3A_817, %lt3A_818 : vector<16xi1>
      %or3A_820 = arith.ori %gt3A_816, %and3A_819 : vector<16xi1>
      %select_n3A_821 = arith.select %or3A_820, %select_n3A_210, %select_n3A_212 : vector<16xi1>, vector<16xf32>
      %select_n3A_822 = arith.select %or3A_820, %select_n3A_208, %select_n3A_211 : vector<16xi1>, vector<16xi32>
      %select_n3A_823 = arith.select %or3A_820, %select_n3A_412, %select_n3A_410 : vector<16xi1>, vector<16xf32>
      %select_n3A_824 = arith.select %or3A_820, %select_n3A_411, %select_n3A_408 : vector<16xi1>, vector<16xi32>
      %gt3A_825 = arith.cmpf ogt, %select_n3A_821, %select_n3A_823 : vector<16xf32>
      %eq3A_826 = arith.cmpf oeq, %select_n3A_821, %select_n3A_823 : vector<16xf32>
      %lt3A_827 = arith.cmpi slt, %select_n3A_822, %select_n3A_824 : vector<16xi32>
      %and3A_828 = arith.andi %eq3A_826, %lt3A_827 : vector<16xi1>
      %or3A_829 = arith.ori %gt3A_825, %and3A_828 : vector<16xi1>
      %select_n3A_830 = arith.select %or3A_829, %select_n3A_821, %select_n3A_823 : vector<16xi1>, vector<16xf32>
      %select_n3A_831 = arith.select %or3A_829, %select_n3A_822, %select_n3A_824 : vector<16xi1>, vector<16xi32>
      %gt3A_832 = arith.cmpf ogt, %select_n3A_612, %select_n3A_812 : vector<16xf32>
      %eq3A_833 = arith.cmpf oeq, %select_n3A_612, %select_n3A_812 : vector<16xf32>
      %lt3A_834 = arith.cmpi slt, %select_n3A_611, %select_n3A_811 : vector<16xi32>
      %and3A_835 = arith.andi %eq3A_833, %lt3A_834 : vector<16xi1>
      %or3A_836 = arith.ori %gt3A_832, %and3A_835 : vector<16xi1>
      %select_n3A_837 = arith.select %or3A_836, %select_n3A_612, %select_n3A_812 : vector<16xi1>, vector<16xf32>
      %select_n3A_838 = arith.select %or3A_836, %select_n3A_611, %select_n3A_811 : vector<16xi1>, vector<16xi32>
      %gt3A_839 = arith.cmpf ogt, %select_n3A_612, %select_n3A_812 : vector<16xf32>
      %eq3A_840 = arith.cmpf oeq, %select_n3A_612, %select_n3A_812 : vector<16xf32>
      %lt3A_841 = arith.cmpi slt, %select_n3A_611, %select_n3A_811 : vector<16xi32>
      %and3A_842 = arith.andi %eq3A_840, %lt3A_841 : vector<16xi1>
      %or3A_843 = arith.ori %gt3A_839, %and3A_842 : vector<16xi1>
      %select_n3A_844 = arith.select %or3A_843, %select_n3A_610, %select_n3A_612 : vector<16xi1>, vector<16xf32>
      %select_n3A_845 = arith.select %or3A_843, %select_n3A_608, %select_n3A_611 : vector<16xi1>, vector<16xi32>
      %select_n3A_846 = arith.select %or3A_843, %select_n3A_812, %select_n3A_810 : vector<16xi1>, vector<16xf32>
      %select_n3A_847 = arith.select %or3A_843, %select_n3A_811, %select_n3A_808 : vector<16xi1>, vector<16xi32>
      %gt3A_848 = arith.cmpf ogt, %select_n3A_844, %select_n3A_846 : vector<16xf32>
      %eq3A_849 = arith.cmpf oeq, %select_n3A_844, %select_n3A_846 : vector<16xf32>
      %lt3A_850 = arith.cmpi slt, %select_n3A_845, %select_n3A_847 : vector<16xi32>
      %and3A_851 = arith.andi %eq3A_849, %lt3A_850 : vector<16xi1>
      %or3A_852 = arith.ori %gt3A_848, %and3A_851 : vector<16xi1>
      %select_n3A_853 = arith.select %or3A_852, %select_n3A_844, %select_n3A_846 : vector<16xi1>, vector<16xf32>
      %select_n3A_854 = arith.select %or3A_852, %select_n3A_845, %select_n3A_847 : vector<16xi1>, vector<16xi32>
      %gt3A_855 = arith.cmpf ogt, %select_n3A_814, %select_n3A_837 : vector<16xf32>
      %eq3A_856 = arith.cmpf oeq, %select_n3A_814, %select_n3A_837 : vector<16xf32>
      %lt3A_857 = arith.cmpi slt, %select_n3A_815, %select_n3A_838 : vector<16xi32>
      %and3A_858 = arith.andi %eq3A_856, %lt3A_857 : vector<16xi1>
      %or3A_859 = arith.ori %gt3A_855, %and3A_858 : vector<16xi1>
      %select_n3A_860 = arith.select %or3A_859, %select_n3A_814, %select_n3A_837 : vector<16xi1>, vector<16xf32>
      %select_n3A_861 = arith.select %or3A_859, %select_n3A_815, %select_n3A_838 : vector<16xi1>, vector<16xi32>
      %gt3A_862 = arith.cmpf ogt, %select_n3A_814, %select_n3A_837 : vector<16xf32>
      %eq3A_863 = arith.cmpf oeq, %select_n3A_814, %select_n3A_837 : vector<16xf32>
      %lt3A_864 = arith.cmpi slt, %select_n3A_815, %select_n3A_838 : vector<16xi32>
      %and3A_865 = arith.andi %eq3A_863, %lt3A_864 : vector<16xi1>
      %or3A_866 = arith.ori %gt3A_862, %and3A_865 : vector<16xi1>
      %select_n3A_867 = arith.select %or3A_866, %select_n3A_830, %select_n3A_814 : vector<16xi1>, vector<16xf32>
      %select_n3A_868 = arith.select %or3A_866, %select_n3A_831, %select_n3A_815 : vector<16xi1>, vector<16xi32>
      %select_n3A_869 = arith.select %or3A_866, %select_n3A_837, %select_n3A_853 : vector<16xi1>, vector<16xf32>
      %select_n3A_870 = arith.select %or3A_866, %select_n3A_838, %select_n3A_854 : vector<16xi1>, vector<16xi32>
      %gt3A_871 = arith.cmpf ogt, %select_n3A_867, %select_n3A_869 : vector<16xf32>
      %eq3A_872 = arith.cmpf oeq, %select_n3A_867, %select_n3A_869 : vector<16xf32>
      %lt3A_873 = arith.cmpi slt, %select_n3A_868, %select_n3A_870 : vector<16xi32>
      %and3A_874 = arith.andi %eq3A_872, %lt3A_873 : vector<16xi1>
      %or3A_875 = arith.ori %gt3A_871, %and3A_874 : vector<16xi1>
      %select_n3A_876 = arith.select %or3A_875, %select_n3A_867, %select_n3A_869 : vector<16xi1>, vector<16xf32>
      %select_n3A_877 = arith.select %or3A_875, %select_n3A_868, %select_n3A_870 : vector<16xi1>, vector<16xi32>
      %add3A_878 = arith.addf %select_n3A_860, %select_n3A_876 : vector<16xf32>
      %add3A_879 = arith.constant 9.99999997E-7 : f32
      %add3A_880 = vector.broadcast %add3A_879 : f32 to vector<16xf32>
      %add3A_881 = arith.addf %add3A_878, %add3A_880 : vector<16xf32>
      %div3A = arith.divf %select_n3A_860, %add3A_881 : vector<16xf32>
      %div3A_882 = arith.divf %select_n3A_876, %add3A_881 : vector<16xf32>
      %mul3A_883 = arith.constant 16 : i32
      %mul3A_884 = arith.muli %scan3A_10, %mul3A_883 : i32
      %swap3A = arith.index_cast %mul3A_884 : i32 to index
      %swap3A_885 = tpu.vector_load %arg8[%swap3A] {strides = array<i32>} : memref<256xf32, #tpu.memory_space<vmem>>, vector<16xf32>,
      tpu.vector_store %arg8[%swap3A], %div3A {strides = array<i32>} : memref<256xf32, #tpu.memory_space<vmem>>, vector<16xf32>,
      %mul3A_886 = arith.constant 16 : i32
      %mul3A_887 = arith.muli %scan3A_10, %mul3A_886 : i32
      %swap3A_888 = arith.index_cast %mul3A_887 : i32 to index
      %swap3A_889 = tpu.vector_load %arg9[%swap3A_888] {strides = array<i32>} : memref<256xf32, #tpu.memory_space<vmem>>, vector<16xf32>,
      tpu.vector_store %arg9[%swap3A_888], %div3A_882 {strides = array<i32>} : memref<256xf32, #tpu.memory_space<vmem>>, vector<16xf32>,
      %mul3A_890 = arith.constant 16 : i32
      %mul3A_891 = arith.muli %scan3A_10, %mul3A_890 : i32
      %swap3A_892 = arith.index_cast %mul3A_891 : i32 to index
      %swap3A_893 = tpu.vector_load %arg10[%swap3A_892] {strides = array<i32>} : memref<256xi32, #tpu.memory_space<vmem>>, vector<16xi32>,
      tpu.vector_store %arg10[%swap3A_892], %select_n3A_861 {strides = array<i32>} : memref<256xi32, #tpu.memory_space<vmem>>, vector<16xi32>,
      %mul3A_894 = arith.constant 16 : i32
      %mul3A_895 = arith.muli %scan3A_10, %mul3A_894 : i32
      %swap3A_896 = arith.index_cast %mul3A_895 : i32 to index
      %swap3A_897 = tpu.vector_load %arg11[%swap3A_896] {strides = array<i32>} : memref<256xi32, #tpu.memory_space<vmem>>, vector<16xi32>,
      tpu.vector_store %arg11[%swap3A_896], %select_n3A_877 {strides = array<i32>} : memref<256xi32, #tpu.memory_space<vmem>>, vector<16xi32>,
      %scan3A_898 = arith.constant 0 : i32
      scf.yield %scan3A_898 : i32
    }
    %scan3A_9 = arith.constant 16 : i32
    "tpu.region"() ({
      %run_scoped3A = tpu.sem_alloc : memref<!tpu.dma_semaphore, #tpu.memory_space<semaphore_mem>>
      %dma_start3A = tpu.memref_slice %arg3[%mul3A_2] : memref<8192xf32, #tpu.memory_space<hbm>> -> memref<256xf32, #tpu.memory_space<hbm>>
      %dma_start3A_10 = tpu.memref_slice %arg3[%mul3A_2] : memref<8192xf32, #tpu.memory_space<hbm>> -> memref<256xf32, #tpu.memory_space<hbm>>
      tpu.enqueue_dma source(%arg8 : memref<256xf32, #tpu.memory_space<vmem>>) target(%dma_start3A_10 : memref<256xf32, #tpu.memory_space<hbm>>) target_semaphore(%run_scoped3A : memref<!tpu.dma_semaphore, #tpu.memory_space<semaphore_mem>>)
      %dma_wait3A = tpu.memref_slice %arg3[%mul3A_2] : memref<8192xf32, #tpu.memory_space<hbm>> -> memref<256xf32, #tpu.memory_space<hbm>>
      %dma_wait3A_11 = tpu.memref_slice %arg3[%mul3A_2] : memref<8192xf32, #tpu.memory_space<hbm>> -> memref<256xf32, #tpu.memory_space<hbm>>
      tpu.wait_dma2 semaphore(%run_scoped3A : memref<!tpu.dma_semaphore, #tpu.memory_space<semaphore_mem>>) src(%arg8 : memref<256xf32, #tpu.memory_space<vmem>>) dst(%dma_wait3A_11 : memref<256xf32, #tpu.memory_space<hbm>>)
      tpu.yield
    }) : () -> ()
    "tpu.region"() ({
      %run_scoped3A = tpu.sem_alloc : memref<!tpu.dma_semaphore, #tpu.memory_space<semaphore_mem>>
      %dma_start3A = tpu.memref_slice %arg4[%mul3A_2] : memref<8192xf32, #tpu.memory_space<hbm>> -> memref<256xf32, #tpu.memory_space<hbm>>
      %dma_start3A_10 = tpu.memref_slice %arg4[%mul3A_2] : memref<8192xf32, #tpu.memory_space<hbm>> -> memref<256xf32, #tpu.memory_space<hbm>>
      tpu.enqueue_dma source(%arg9 : memref<256xf32, #tpu.memory_space<vmem>>) target(%dma_start3A_10 : memref<256xf32, #tpu.memory_space<hbm>>) target_semaphore(%run_scoped3A : memref<!tpu.dma_semaphore, #tpu.memory_space<semaphore_mem>>)
      %dma_wait3A = tpu.memref_slice %arg4[%mul3A_2] : memref<8192xf32, #tpu.memory_space<hbm>> -> memref<256xf32, #tpu.memory_space<hbm>>
      %dma_wait3A_11 = tpu.memref_slice %arg4[%mul3A_2] : memref<8192xf32, #tpu.memory_space<hbm>> -> memref<256xf32, #tpu.memory_space<hbm>>
      tpu.wait_dma2 semaphore(%run_scoped3A : memref<!tpu.dma_semaphore, #tpu.memory_space<semaphore_mem>>) src(%arg9 : memref<256xf32, #tpu.memory_space<vmem>>) dst(%dma_wait3A_11 : memref<256xf32, #tpu.memory_space<hbm>>)
      tpu.yield
    }) : () -> ()
    "tpu.region"() ({
      %run_scoped3A = tpu.sem_alloc : memref<!tpu.dma_semaphore, #tpu.memory_space<semaphore_mem>>
      %dma_start3A = tpu.memref_slice %arg5[%mul3A_2] : memref<8192xi32, #tpu.memory_space<hbm>> -> memref<256xi32, #tpu.memory_space<hbm>>
      %dma_start3A_10 = tpu.memref_slice %arg5[%mul3A_2] : memref<8192xi32, #tpu.memory_space<hbm>> -> memref<256xi32, #tpu.memory_space<hbm>>
      tpu.enqueue_dma source(%arg10 : memref<256xi32, #tpu.memory_space<vmem>>) target(%dma_start3A_10 : memref<256xi32, #tpu.memory_space<hbm>>) target_semaphore(%run_scoped3A : memref<!tpu.dma_semaphore, #tpu.memory_space<semaphore_mem>>)
      %dma_wait3A = tpu.memref_slice %arg5[%mul3A_2] : memref<8192xi32, #tpu.memory_space<hbm>> -> memref<256xi32, #tpu.memory_space<hbm>>
      %dma_wait3A_11 = tpu.memref_slice %arg5[%mul3A_2] : memref<8192xi32, #tpu.memory_space<hbm>> -> memref<256xi32, #tpu.memory_space<hbm>>
      tpu.wait_dma2 semaphore(%run_scoped3A : memref<!tpu.dma_semaphore, #tpu.memory_space<semaphore_mem>>) src(%arg10 : memref<256xi32, #tpu.memory_space<vmem>>) dst(%dma_wait3A_11 : memref<256xi32, #tpu.memory_space<hbm>>)
      tpu.yield
    }) : () -> ()
    "tpu.region"() ({
      %run_scoped3A = tpu.sem_alloc : memref<!tpu.dma_semaphore, #tpu.memory_space<semaphore_mem>>
      %dma_start3A = tpu.memref_slice %arg6[%mul3A_2] : memref<8192xi32, #tpu.memory_space<hbm>> -> memref<256xi32, #tpu.memory_space<hbm>>
      %dma_start3A_10 = tpu.memref_slice %arg6[%mul3A_2] : memref<8192xi32, #tpu.memory_space<hbm>> -> memref<256xi32, #tpu.memory_space<hbm>>
      tpu.enqueue_dma source(%arg11 : memref<256xi32, #tpu.memory_space<vmem>>) target(%dma_start3A_10 : memref<256xi32, #tpu.memory_space<hbm>>) target_semaphore(%run_scoped3A : memref<!tpu.dma_semaphore, #tpu.memory_space<semaphore_mem>>)
      %dma_wait3A = tpu.memref_slice %arg6[%mul3A_2] : memref<8192xi32, #tpu.memory_space<hbm>> -> memref<256xi32, #tpu.memory_space<hbm>>
      %dma_wait3A_11 = tpu.memref_slice %arg6[%mul3A_2] : memref<8192xi32, #tpu.memory_space<hbm>> -> memref<256xi32, #tpu.memory_space<hbm>>
      tpu.wait_dma2 semaphore(%run_scoped3A : memref<!tpu.dma_semaphore, #tpu.memory_space<semaphore_mem>>) src(%arg11 : memref<256xi32, #tpu.memory_space<vmem>>) dst(%dma_wait3A_11 : memref<256xi32, #tpu.memory_space<hbm>>)
      tpu.yield
    }) : () -> ()
    return
  }
}

module attributes {stable_mosaic.version = 14 : i64} {
  func.func @_tc_logits_body(%arg0: i32, %arg1: memref<1024x2048xf32, #tpu.memory_space<vmem>>, %arg2: memref<64x2048xf32, #tpu.memory_space<vmem>>, %arg3: memref<1024x64xf32, #tpu.memory_space<vmem>>, %arg4: memref<1024x64xf32, #tpu.memory_space<vmem>>) attributes {dimension_semantics = [#tpu.dimension_semantics<arbitrary>], iteration_bounds = array<i64: 8>, scalar_prefetch = 0 : i64, scratch_operands = 0 : i64, tpu.core_type = #tpu.core_type<tc>, window_params = [{transform_indices = @transform_0, window_bounds = array<i64: 1024, 2048>}, {pipeline_mode = #tpu.pipeline_mode<synchronous>, transform_indices = @transform_1, window_bounds = array<i64: 64, 2048>}, {transform_indices = @transform_2, window_bounds = array<i64: 1024, 64>}, {transform_indices = @transform_3, window_bounds = array<i64: 1024, 64>}]} {
    %get3A = arith.constant 0 : index
    %get3A_0 = arith.constant 0 : index
    %get3A_1 = vector.load %arg2[%get3A, %get3A_0] : memref<64x2048xf32, #tpu.memory_space<vmem>>, vector<64x2048xf32>
    %convert_element_type3A = arith.truncf %get3A_1 : vector<64x2048xf32> to vector<64x2048xbf16>
    %get3A_2 = arith.constant 0 : index
    %get3A_3 = arith.constant 0 : index
    %get3A_4 = vector.load %arg1[%get3A_2, %get3A_3] : memref<1024x2048xf32, #tpu.memory_space<vmem>>, vector<1024x2048xf32>
    %convert_element_type3A_5 = arith.truncf %get3A_4 : vector<1024x2048xf32> to vector<1024x2048xbf16>
    %dot_general3A = arith.constant dense<0.000000e+00> : vector<64x1024xf32>
    %dot_general3A_6 = tpu.matmul %convert_element_type3A, %convert_element_type3A_5, %dot_general3A {dimension_numbers = #tpu.dot_dimension_numbers<[1], [1], [0], [0], [0, 0, 1, 0], [], []>, transpose_lhs_hint = false} : vector<64x2048xbf16>, vector<1024x2048xbf16>, vector<64x1024xf32> -> vector<64x1024xf32>
    %transpose3A = tpu.transpose %dot_general3A_6, [1, 0] : vector<64x1024xf32> -> vector<1024x64xf32>
    %swap3A = arith.constant 0 : index
    %swap3A_7 = arith.constant 0 : index
    %swap3A_8 = vector.load %arg3[%swap3A, %swap3A_7] : memref<1024x64xf32, #tpu.memory_space<vmem>>, vector<1024x64xf32>
    tpu.vector_store %arg3[%swap3A, %swap3A_7], %transpose3A {strides = array<i32>} : memref<1024x64xf32, #tpu.memory_space<vmem>>, vector<1024x64xf32>,
    %reduce_max3A = arith.constant dense<0xFF800000> : vector<1024xf32>
    %reduce_max3A_9 = vector.multi_reduction <maximumf>, %transpose3A, %reduce_max3A [1] : vector<1024x64xf32> to vector<1024xf32>
    %broadcast_in_dim3A = vector.shape_cast %reduce_max3A_9 : vector<1024xf32> to vector<1024x1xf32>
    %sub3A = vector.broadcast %broadcast_in_dim3A : vector<1024x1xf32> to vector<1024x64xf32>
    %sub3A_10 = arith.subf %transpose3A, %sub3A : vector<1024x64xf32>
    %exp3A = math.exp %sub3A_10 : vector<1024x64xf32>
    %reduce_sum3A = arith.constant dense<0.000000e+00> : vector<1024xf32>
    %reduce_sum3A_11 = vector.multi_reduction <add>, %exp3A, %reduce_sum3A [1] : vector<1024x64xf32> to vector<1024xf32>
    %broadcast_in_dim3A_12 = vector.shape_cast %reduce_sum3A_11 : vector<1024xf32> to vector<1024x1xf32>
    %div3A = vector.broadcast %broadcast_in_dim3A_12 : vector<1024x1xf32> to vector<1024x64xf32>
    %div3A_13 = arith.divf %exp3A, %div3A : vector<1024x64xf32>
    %swap3A_14 = arith.constant 0 : index
    %swap3A_15 = arith.constant 0 : index
    %swap3A_16 = vector.load %arg4[%swap3A_14, %swap3A_15] : memref<1024x64xf32, #tpu.memory_space<vmem>>, vector<1024x64xf32>
    tpu.vector_store %arg4[%swap3A_14, %swap3A_15], %div3A_13 {strides = array<i32>} : memref<1024x64xf32, #tpu.memory_space<vmem>>, vector<1024x64xf32>,
    return
  }
  func.func @transform_0(%arg0: i32) -> (i32, i32) {
    %add3A = arith.constant 8 : i32
    %add3A_0 = arith.addi %arg0, %add3A : i32
    %c0_i32 = arith.constant 0 : i32
    %c0_i32_1 = arith.constant 0 : i32
    return %add3A_0, %c0_i32 : i32, i32
  }
  func.func @transform_1(%arg0: i32) -> (i32, i32) {
    %c0_i32 = arith.constant 0 : i32
    %c0_i32_0 = arith.constant 0 : i32
    %c0_i32_1 = arith.constant 0 : i32
    return %c0_i32, %c0_i32_0 : i32, i32
  }
  func.func @transform_2(%arg0: i32) -> (i32, i32) {
    %c0_i32 = arith.constant 0 : i32
    %c0_i32_0 = arith.constant 0 : i32
    return %arg0, %c0_i32 : i32, i32
  }
  func.func @transform_3(%arg0: i32) -> (i32, i32) {
    %c0_i32 = arith.constant 0 : i32
    %c0_i32_0 = arith.constant 0 : i32
    return %arg0, %c0_i32 : i32, i32
  }
}

module attributes {stable_mosaic.version = 14 : i64} {
  func.func @_tc_logits_body(%arg0: i32, %arg1: memref<1024x2048xf32, #tpu.memory_space<vmem>>, %arg2: memref<64x2048xf32, #tpu.memory_space<vmem>>, %arg3: memref<1024x64xf32, #tpu.memory_space<vmem>>, %arg4: memref<1024x64xf32, #tpu.memory_space<vmem>>) attributes {dimension_semantics = [#tpu.dimension_semantics<arbitrary>], iteration_bounds = array<i64: 8>, scalar_prefetch = 0 : i64, scratch_operands = 0 : i64, tpu.core_type = #tpu.core_type<tc>, window_params = [{transform_indices = @transform_0, window_bounds = array<i64: 1024, 2048>}, {pipeline_mode = #tpu.pipeline_mode<synchronous>, transform_indices = @transform_1, window_bounds = array<i64: 64, 2048>}, {transform_indices = @transform_2, window_bounds = array<i64: 1024, 64>}, {transform_indices = @transform_3, window_bounds = array<i64: 1024, 64>}]} {
    %get3A = arith.constant 0 : index
    %get3A_0 = arith.constant 0 : index
    %get3A_1 = vector.load %arg2[%get3A, %get3A_0] : memref<64x2048xf32, #tpu.memory_space<vmem>>, vector<64x2048xf32>
    %convert_element_type3A = arith.truncf %get3A_1 : vector<64x2048xf32> to vector<64x2048xbf16>
    %get3A_2 = arith.constant 0 : index
    %get3A_3 = arith.constant 0 : index
    %get3A_4 = vector.load %arg1[%get3A_2, %get3A_3] : memref<1024x2048xf32, #tpu.memory_space<vmem>>, vector<1024x2048xf32>
    %convert_element_type3A_5 = arith.truncf %get3A_4 : vector<1024x2048xf32> to vector<1024x2048xbf16>
    %dot_general3A = arith.constant dense<0.000000e+00> : vector<64x1024xf32>
    %dot_general3A_6 = tpu.matmul %convert_element_type3A, %convert_element_type3A_5, %dot_general3A {dimension_numbers = #tpu.dot_dimension_numbers<[1], [1], [0], [0], [0, 0, 1, 0], [], []>, transpose_lhs_hint = false} : vector<64x2048xbf16>, vector<1024x2048xbf16>, vector<64x1024xf32> -> vector<64x1024xf32>
    %transpose3A = tpu.transpose %dot_general3A_6, [1, 0] : vector<64x1024xf32> -> vector<1024x64xf32>
    %swap3A = arith.constant 0 : index
    %swap3A_7 = arith.constant 0 : index
    %swap3A_8 = vector.load %arg3[%swap3A, %swap3A_7] : memref<1024x64xf32, #tpu.memory_space<vmem>>, vector<1024x64xf32>
    tpu.vector_store %arg3[%swap3A, %swap3A_7], %transpose3A {strides = array<i32>} : memref<1024x64xf32, #tpu.memory_space<vmem>>, vector<1024x64xf32>,
    %reduce_max3A = arith.constant dense<0xFF800000> : vector<1024xf32>
    %reduce_max3A_9 = vector.multi_reduction <maximumf>, %transpose3A, %reduce_max3A [1] : vector<1024x64xf32> to vector<1024xf32>
    %broadcast_in_dim3A = vector.shape_cast %reduce_max3A_9 : vector<1024xf32> to vector<1024x1xf32>
    %sub3A = vector.broadcast %broadcast_in_dim3A : vector<1024x1xf32> to vector<1024x64xf32>
    %sub3A_10 = arith.subf %transpose3A, %sub3A : vector<1024x64xf32>
    %exp3A = math.exp %sub3A_10 : vector<1024x64xf32>
    %reduce_sum3A = arith.constant dense<0.000000e+00> : vector<1024xf32>
    %reduce_sum3A_11 = vector.multi_reduction <add>, %exp3A, %reduce_sum3A [1] : vector<1024x64xf32> to vector<1024xf32>
    %broadcast_in_dim3A_12 = vector.shape_cast %reduce_sum3A_11 : vector<1024xf32> to vector<1024x1xf32>
    %div3A = vector.broadcast %broadcast_in_dim3A_12 : vector<1024x1xf32> to vector<1024x64xf32>
    %div3A_13 = arith.divf %exp3A, %div3A : vector<1024x64xf32>
    %swap3A_14 = arith.constant 0 : index
    %swap3A_15 = arith.constant 0 : index
    %swap3A_16 = vector.load %arg4[%swap3A_14, %swap3A_15] : memref<1024x64xf32, #tpu.memory_space<vmem>>, vector<1024x64xf32>
    tpu.vector_store %arg4[%swap3A_14, %swap3A_15], %div3A_13 {strides = array<i32>} : memref<1024x64xf32, #tpu.memory_space<vmem>>, vector<1024x64xf32>,
    return
  }
  func.func @transform_0(%arg0: i32) -> (i32, i32) {
    %add3A = arith.constant 0 : i32
    %add3A_0 = arith.addi %arg0, %add3A : i32
    %c0_i32 = arith.constant 0 : i32
    %c0_i32_1 = arith.constant 0 : i32
    return %add3A_0, %c0_i32 : i32, i32
  }
  func.func @transform_1(%arg0: i32) -> (i32, i32) {
    %c0_i32 = arith.constant 0 : i32
    %c0_i32_0 = arith.constant 0 : i32
    %c0_i32_1 = arith.constant 0 : i32
    return %c0_i32, %c0_i32_0 : i32, i32
  }
  func.func @transform_2(%arg0: i32) -> (i32, i32) {
    %c0_i32 = arith.constant 0 : i32
    %c0_i32_0 = arith.constant 0 : i32
    return %arg0, %c0_i32 : i32, i32
  }
  func.func @transform_3(%arg0: i32) -> (i32, i32) {
    %c0_i32 = arith.constant 0 : i32
    %c0_i32_0 = arith.constant 0 : i32
    return %arg0, %c0_i32 : i32, i32
  }
}

</mosaic_0001>

<sc_bundles>
// kernel: kernel.6.cloned.1.call-start
scs
__scs_entry_jumppad:
0x0: {  	(pc) =	sbr.rel $0x88, $3  }
0x1: {  	(tag) =	ssettag $0x0;
	lr =	simm.s32 $0x1  }
0x2: {  	[smem:$0x3F9F] =	sst lr;
	_ =	strace $0xD0000000  }
0x3: {  	_ = 	snop  }
0x4: {  	_ = 	snop  }
0x5: {  	_ = 	snop  }
0x6: {  	_ = 	snop  }
0x7: {  	_ = 	snop  }
__scs_overlays_trampoline_lowered:
0x8: {  	[smem:$0x3FAE] =	sst s0  }
0x9: {  	[smem:$0x3FAF] =	sst s1  }
0xa: {  	[smem:$0x3FB0] =	sst s2  }
0xb: {  	[smem:$0x3FB1] =	sst s3  }
0xc: {  	[smem:$0x3FB2] =	sst s4  }
0xd: {  	[smem:$0x3FB3] =	sst s5  }
0xe: {  	[smem:$0x3FB4] =	sst s6  }
0xf: {  	[smem:$0x3FB5] =	sst s7  }
0x10: {  	[smem:$0x3FB6] =	sst s8  }
0x11: {  	[smem:$0x3FB7] =	sst s9;
	s0 =	simm.s32 @!p0 $0x0  }
0x12: {  	s1 =	sld [smem:$0x3F9D];
	s0 =	simm.s32 @p0 $0x1  }
0x13: {  	[smem:$0x3FB8] =	sst s0;
	s0 =	simm.s32 @!p1 $0x0  }
0x14: {  	s2 =	sld [smem:$0x3F9C];
	s0 =	simm.s32 @p1 $0x1  }
0x15: {  	[smem:$0x3FB9] =	sst s0;
	s0 =	simm.s32 @!p2 $0x0  }
0x16: {  	s3 =	sld [smem:$0x3FDB];
	s0 =	simm.s32 @p2 $0x1  }
0x17: {  	s4 =	simm.s32 $0x1BF5;
	[smem:$0x3FBB] =	sst s0  }
0x18: {  	s0 =	sld [smem:$0x3F9E];
	_ =	swait.ge [sflag:s4], $0x0  }
0x19: {  	s7 =	sld [smem:$0x3F9F]  }
0x1a: {  	s8 =	sadd.s32 $0xFFFFE003, lr  }
0x1b: {  	s9 =	sadd.s32 $0xFFFFFEF7, lr;
	s5 =	simm.s32 $0xFFFFFFFF;
	p2 =	slt.u32 s8, $0xFFFFF086  }
0x1c: {  	p1 =	slt.u32 s9, $0xF7A;
	s5 =	simm.s32 @!p2 $0x0  }
0x1d: {  	s5 =	simm.s32 @p1 $0x1;
	p0 =	seq.s32 s7, s2  }
0x1e: {  	s7 =	smul.u32 @!p0 $0xF7A, s2;
	p2 =	seq.s32 @!p0 s5, $0x0  }
0x1f: {  	s9 =	smul.u32 $0xF7A, s1;
	s8 =	simm.s32 @!p0 $0x1BF5;
	p2 =	por !p2, p0  }
0x20: {  	[sflag:s8] =	ssyncset.s32 @!p0 $0xFFFFF086;
	s6 =	sadd.s32 @!p0 s3, s7;
	s7 =	simm.s32 @!p0 $0x108  }
0x21: {  	s3 =	sadd.s32 s3, s9;
	s6 =	sadd.s32 @!p0 $0x88, s6;
	s7 =	simm.s32 @p2 $0x1082  }
0x22: {  	[simem:s7], [sflag:s8] =	dma.local @!p0 [hbm:s6], $0xF7A  }
0x23: {  	s9 =	sor.u32 $0xD0000000, s2;
	s6 =	simm.s32 $0x108;
	_ =	swait.ge @!p0 [sflag:s8], $0x0  }
0x24: {  	s3 =	sadd.s32 $0x88, s3;
	s6 =	simm.s32 @!p1 $0x1082;
	[sflag:s4] =	ssyncset.s32 $0xFFFFF086  }
0x25: {  	[simem:s6], [sflag:s4] =	dma.local [hbm:s3], $0xF7A  }
0x26: {  	[smem:$0x3F9F] =	sst s1;
	(tag) =	ssettag s2;
	_ =	strace s9  }
0x27: {  	s1 =	sld [smem:$0x3FAF]  }
0x28: {  	s2 =	sld [smem:$0x3FB0]  }
0x29: {  	s4 =	sld [smem:$0x3FB2]  }
0x2a: {  	p0 =	seq.s32 s5, $0x0;
	s5 =	sld [smem:$0x3FB3]  }
0x2b: {  	s6 =	sld [smem:$0x3FB4]  }
0x2c: {  	s7 =	sld [smem:$0x3FB5]  }
0x2d: {  	s3 =	simm.s32 $0x108;
	s8 =	sld [smem:$0x3FB6]  }
0x2e: {  	s3 =	simm.s32 @!p0 $0x1082;
	s9 =	sld [smem:$0x3FB7]  }
0x2f: {  	lr =	sadd.s32 s0, s3;
	s0 =	sld [smem:$0x3FAE]  }
0x30: {  	s3 =	sld [smem:$0x3FB1]  }
0x31: {  	[smem:$0x3FBA] =	sst s10  }
0x32: {  	s10 =	sld [smem:$0x3FB8];
	_ =	sdelay $0x3  }
0x33: {  	p0 =	seq.s32 s10, $0x1;
	s10 =	sld [smem:$0x3FBA];
	_ =	sdelay $0x3  }
0x34: {  	[smem:$0x3FBA] =	sst s10  }
0x35: {  	s10 =	sld [smem:$0x3FB9];
	_ =	sdelay $0x3  }
0x36: {  	p1 =	seq.s32 s10, $0x1;
	s10 =	sld [smem:$0x3FBA];
	_ =	sdelay $0x3  }
0x37: {  	[smem:$0x3FBA] =	sst s10  }
0x38: {  	s10 =	sld [smem:$0x3FBB]  }
0x39: {  	_ = 	snop;
	(pc) =	sbr.ind lr, $3  }
0x3a: {  	_ = 	snop  }
0x3b: {  	_ = 	snop  }
0x3c: {  	p2 =	seq.s32 s10, $0x1;
	s10 =	sld [smem:$0x3FBA]  }
0x3d: {  	_ =	shalt  }
0x3e: {  	_ =	shalt  }
0x3f: {  	_ =	shalt  }
0x40: {  	_ =	shalt  }
0x41: {  	_ =	shalt  }
0x42: {  	_ =	shalt  }
0x43: {  	_ =	shalt  }
0x44: {  	_ =	shalt  }
0x45: {  	_ =	shalt  }
0x46: {  	_ =	shalt  }
0x47: {  	_ =	shalt  }
0x48: {  	_ =	shalt  }
0x49: {  	_ =	shalt  }
0x4a: {  	_ =	shalt  }
0x4b: {  	_ =	shalt  }
0x4c: {  	_ =	shalt  }
0x4d: {  	_ =	shalt  }
0x4e: {  	_ =	shalt  }
0x4f: {  	_ =	shalt  }
0x50: {  	_ =	shalt  }
0x51: {  	_ =	shalt  }
0x52: {  	_ =	shalt  }
0x53: {  	_ =	shalt  }
0x54: {  	_ =	shalt  }
0x55: {  	_ =	shalt  }
0x56: {  	_ =	shalt  }
0x57: {  	_ =	shalt  }
0x58: {  	_ =	shalt  }
0x59: {  	_ =	shalt  }
0x5a: {  	_ =	shalt  }
0x5b: {  	_ =	shalt  }
0x5c: {  	_ =	shalt  }
0x5d: {  	_ =	shalt  }
0x5e: {  	_ =	shalt  }
0x5f: {  	_ =	shalt  }
0x60: {  	_ =	shalt  }
0x61: {  	_ =	shalt  }
0x62: {  	_ =	shalt  }
0x63: {  	_ =	shalt  }
0x64: {  	_ =	shalt  }
0x65: {  	_ =	shalt  }
0x66: {  	_ =	shalt  }
0x67: {  	_ =	shalt  }
0x68: {  	_ =	shalt  }
0x69: {  	_ =	shalt  }
0x6a: {  	_ =	shalt  }
0x6b: {  	_ =	shalt  }
0x6c: {  	_ =	shalt  }
0x6d: {  	_ =	shalt  }
0x6e: {  	_ =	shalt  }
0x6f: {  	_ =	shalt  }
0x70: {  	_ =	shalt  }
0x71: {  	_ =	shalt  }
0x72: {  	_ =	shalt  }
0x73: {  	_ =	shalt  }
0x74: {  	_ =	shalt  }
0x75: {  	_ =	shalt  }
0x76: {  	_ =	shalt  }
0x77: {  	_ =	shalt  }
0x78: {  	_ =	shalt  }
0x79: {  	_ =	shalt  }
0x7a: {  	_ =	shalt  }
0x7b: {  	_ =	shalt  }
0x7c: {  	_ =	shalt  }
0x7d: {  	_ =	shalt  }
0x7e: {  	_ =	shalt  }
0x7f: {  	_ =	shalt  }
0x80: {  	_ =	shalt  }
0x81: {  	_ =	shalt  }
0x82: {  	_ =	shalt  }
0x83: {  	_ =	shalt  }
0x84: {  	_ =	shalt  }
0x85: {  	_ =	shalt  }
0x86: {  	_ =	shalt  }
0x87: {  	_ =	shalt  }
.Lfunc_end0:
.L_simem_size_0:
called_computation_lowered:
.L_overlay_start_0:
0x88: {  	s2 =	sld [smem:$0x3FD9]  }
0x89: {  	s3 =	sld [smem:$0x3FFE];
	_ =	sdelay $0x1  }
0x8a: {  	s1 =	srdreg.scid  }
0x8b: {  	s0 =	sand.u32 $0x1, s1  }
0x8c: {  	s15 =	sshll.u32 s0, $0xA;
	s2 =	sadd.s32 s3, s2  }
0x8d: {  	s2 =	sadd.s32 s2, s15  }
0x8e: {  	[smem:$0x3FC6] =	sst s2  }
0x8f: {  	_ = 	snop  }
0x90: {  	s2 =	sld [smem:$0x3FD0];
	_ =	sdelay $0x2  }
0x91: {  	s16 =	simm.s32 $0xB;
	s4 =	simm.s32 $0x10  }
0x92: {  	[smem:s4], [sflag:s16] =	dma.local [hbm:s2], $0x1  }
0x93: {  	_ =	swait.eq [sflag:s16], $0x1  }
0x94: {  	[sflag:s16] =	ssyncset.done $0x0  }
0x95: {  	[sflag:s16] =	ssyncadd.s32 $0xFFFFFFFF  }
0x96: {  	s17 =	sld [smem:$0x11];
	(tm) =	ssettm $0x1  }
0x97: {  	s18 =	sld [smem:$0x3FFB];
	_ =	sdelay $0x3  }
0x98: {  	_ =	strace s18  }
0x99: {  	s2 =	sld [smem:$0x3FFC];
	_ =	sdelay $0x3  }
0x9a: {  	_ =	strace s2  }
0x9b: {  	s2 =	sld [smem:$0x3FFD];
	_ =	sdelay $0x3  }
0x9c: {  	_ =	strace s2  }
0x9d: {  	_ =	strace $0x8FFFFFFF  }
0x9e: {  	s19 =	sld [smem:$0x3FDB];
	_ =	sdelay $0x1  }
0x9f: {  	s20 =	simm.s32 $_scs_section_size  }
0xa0: {  	s5 =	simm.s32 $_size__tile_overlayer_lowered;
	s6 =	simm.s32 $_tile_overlayer_lowered  }
0xa1: {  	s7 =	simm.s32 $0x1BFF;
	s21 =	sshll.u32 s6, $0x1;
	s4 =	sadd.s32 s20, s19  }
0xa2: {  	s22 =	simm.s32 $0x0;
	s5 =	sshll.u32 s5, $0x1;
	s6 =	sadd.s32 s21, s4  }
0xa3: {  	[timem:s22], [sflag:s7] =	dma.local [hbm:s6], s5  }
0xa4: {  	_ =	swait.ge [sflag:s7], s5  }
0xa5: {  	s5 =	ssub.s32 $0x0, s5;
	[sflag:s7] =	ssyncset.done $0x0  }
0xa6: {  	[sflag:s7] =	ssyncadd.s32 s5;
	_ =	sdelay $0x1  }
0xa7: {  	s23 =	simm.s32 $0x1B8B  }
0xa8: {  	_ =	swait.ge [sflag:s23], $0x1  }
0xa9: {  	[sflag:s23] =	ssyncset.done $0x0  }
0xaa: {  	[sflag:s23] =	ssyncadd.s32 $0xFFFFFFFF  }
0xab: {  	s5 =	sld [smem:$0x0]  }
0xac: {  	s6 =	sand.u32 $0xFFFFFFFE, s1  }
0xad: {  	p0 =	sne.s32 s1, s6  }
0xae: {  	s6 =	sshll.u32 @p0 s6, $0xE  }
0xaf: {  	s6 =	sadd.s32 @p0 $0x11B8D, s6;
	s7 =	sshll.u32 @p0 s5, $0x11  }
0xb0: {  	s6 =	sor.u32 @p0 s7, s6  }
0xb1: {  	[sflag:s6] =	ssyncadd.remote.s32 @p0 $0x1;
	_ =	sdelay $0x1  }
0xb2: {  	s6 =	simm.s32 @p0 $0x1B8D  }
0xb3: {  	_ =	swait.eq @p0 [sflag:s6], $0x1  }
0xb4: {  	[sflag:s6] =	ssyncadd.s32 @p0 $0xFFFFFFFF  }
0xb5: {  	s7 =	sshll.u32 @!p0 s1, $0xE  }
0xb6: {  	s7 =	sor.u32 @!p0 $0x4000, s7;
	s6 =	simm.s32 @!p0 $0x1B8D  }
0xb7: {  	s5 =	sshll.u32 @!p0 s5, $0x11;
	s7 =	sadd.s32 @!p0 $0x11B8D, s7;
	_ =	swait.eq @!p0 [sflag:s6], $0x1  }
0xb8: {  	s5 =	sor.u32 @!p0 s5, s7;
	[sflag:s6] =	ssyncadd.s32 @!p0 $0xFFFFFFFF  }
0xb9: {  	s25 =	simm.s32 $0x1B8E;
	s24 =	sld [smem:$0x3FFE];
	[sflag:s5] =	ssyncadd.remote.s32 @!p0 $0x1  }
0xba: {  	s26 =	simm.s32 $execute0_lowered;
	[smem:$0x3FD2] =	sst s25  }
0xbb: {  	s6 =	sshll.u32 s26, $0x1;
	_ =	strace $0x80000049;
	[dreg:$0x1] =	wrdreg $0xFFFFFFFF  }
0xbc: {  	s28 =	simm.s32 $_size_execute0_lowered;
	s4 =	sadd.s32 s4, s6;
	[dreg:$0x0] =	wrdreg $0x0  }
0xbd: {  	s6 =	sshll.u32 s28, $0x1;
	[dreg:$0x2] =	wrdreg s4  }
0xbe: {  	[dreg:$0x3] =	wrdreg s6  }
0xbf: {  	[dreg:$0x4] =	wrdreg $0xC0  }
0xc0: {  	_ =	task [dreg:s22], $0x5FFFF  }
0xc1: {  	[dreg:$0x1] =	wrdreg $0xFFFFFFFF  }
0xc2: {  	[dreg:$0x0] =	wrdreg $0x60  }
0xc3: {  	[dreg:$0x2] =	wrdreg s24  }
0xc4: {  	[dreg:$0x3] =	wrdreg s17  }
0xc5: {  	[dreg:$0x4] =	wrdreg $0x9  }
0xc6: {  	_ =	task.clear_ibuf [dreg:s22], $0x5FFFF;
	_ =	strace $0x90000049  }
0xc7: {  	s29 =	simm.s32 $0x9;
	_ =	strace $0x8000004B  }
0xc8: {  	_ =	swait.ge [sflag:s29], $0x1  }
0xc9: {  	[sflag:s29] =	ssyncadd.s32 $0xFFFFFFFF  }
0xca: {  	_ =	strace $0x9000004B  }
0xcb: {  	_ =	sfence  }
0xcc: {  	s30 =	sld [smem:$0x0];
	_ =	sdelay $0x2  }
0xcd: {  	s31 =	sshll.u32 s1, $0xD;
	s1 =	sshrl.u32 s1, $0x2  }
0xce: {  	s4 =	sand.u32 $0x4000, s31;
	s1 =	sadd.s32 s1, s30  }
0xcf: {  	s0 =	sor.u32 s4, s0;
	s1 =	sshll.u32 s1, $0x11  }
0xd0: {  	s0 =	sor.u32 s1, s0  }
0xd1: {  	s0 =	sadd.s32 $0x8F2B, s0  }
0xd2: {  	[sflag:s0] =	ssyncadd.remote.s32 $0x1  }
0xd3: {  	_ =	sfence.sel $0xFFFF  }
0xd4: {  	[dreg:$0x0] =	wrdreg $0xFFFFFFFF;
	(pc) =	sbr.abs _section_cstart, $3  }
0xd5: {  	[dreg:$0x1] =	wrdreg $0xFFFFFFFF  }
0xd6: {  	_ =	task.clear_ibuf [dreg:s22], $0x2FFFF;
	_ =	strace $0x9FFFFFFF  }
0xd7: {  	(tm) =	ssettm $0x7FFFFFFF  }
tec
execute0_lowered:
.L_overlay_start_1:
0x0: {  	(tag) =	ssettag $0x1  }
0x1: {  	s3 =	rddreg [dreg:$0x0]  }
0x2: {  	s4 =	rddreg [dreg:$0x1]  }
0x3: {  	s0 =	rddreg [dreg:$0x2];
	s5 =	srdreg.scid  }
0x4: {  	s2 =	simm.s32 $0x0;
	s1 =	stileid.u32;
	s10 =	simm.s32 $0x8000  }
0x5: {  	s11 =	simm.s32 $0x8100;
	s12 =	simm.s32 $0x8200;
	s13 =	simm.s32 $0x8300  }
0x6: {  	s14 =	simm.s32 $0x0;
	s5 =	sand.u32 $0x1, s5;
	[smem:$0x7FF] =	sst s2  }
0x7: {  	s6 =	sshll.u32 s1, $0x9;
	s7 =	sshll.u32 s5, $0x8;
	s5 =	ssub.s32 $0x2, s5  }
0x8: {  	_ =	strace $0x8000004A;
	s6 =	sor.u32 s7, s6;
	s8 =	sshrl.u32 s5, $0x1  }
0x9: {  	s7 =	sshll.u32 s6, $0x4;
	s6 =	sshrl.u32 s6, $0x3;
	s8 =	ssub.s32 s5, s8  }
0xa: {  	v0 =	vlaneseq.u32;
	v1 =	vimm.s32 $0x0;
	v2 =	vimm.s32 $0x10;
	s7 =	sadd.s32 s7, s3;
	s9 =	sadd.s32 s6, s3;
	s4 =	sadd.s32 s4, s6  }
0xb: {  	v3 =	vimm.s32 $0x11;
	v4 =	vimm.s32 $0x20;
	v5 =	vimm.s32 $0x21;
	s8 =	smax.u32 s8, $0x1;
	s3 =	sadd.s32 $0x22A00, s7;
	s5 =	sadd.s32 $0x42A00, s9  }
0xc: {  	v6 =	vimm.s32 $0x30;
	v7 =	vimm.s32 $0x31;
	v0 =	vmul.u32 $0x80, v0;
	s6 =	sadd.s32 $0x42E00, s9;
	s7 =	sadd.s32 $0x43200, s9;
	s9 =	simm.s32 $0x1  }
.LBB2_1:
0xd: {  	[tilespmem:s2], [sflag:$0x1] =	stream.linear.gather [hbm4b:s3+s2], $0x8000, $0x38;
	[tilespmem:$0x8400] =	vst v63  }
0xe: {  	s15 =	simm.s32 $0x8300;
	_ =	swait.ge [sflag:s9], $0x8000  }
0xf: {  	s16 =	simm.s32 $0x8200;
	s17 =	simm.s32 $0x8100;
	[sflag:s9] =	ssyncset.done $0x0  }
0x10: {  	s18 =	simm.s32 $0x8000;
	s19 =	simm.s32 $0x0;
	[sflag:s9] =	ssyncadd.s32 $0xFFFF8000  }
.LBB2_2:
0x11: {  	v8 =	vmov s19  }
0x12: {  	v8 =	vshll.u32 v8, $0x7  }
0x13: {  	v8 =	vor.u32 v0, v8  }
0x14: {  	v9 =	vor.u32 $0x1, v8  }
0x15: {  	v11 =	vor.u32 $0x2, v8  }
0x16: {  	v12 =	vor.u32 $0x3, v8;
	v13 =	vor.u32 $0x4, v8;
	v16 =	vor.u32 $0x5, v8  }
0x17: {  	v63 =	vor.u32 $0x6, v8;
	v21 =	vor.u32 $0x7, v8;
	v23 =	vor.u32 $0x8, v8  }
0x18: {  	v25 =	vor.u32 $0x9, v8;
	v27 =	vor.u32 $0xA, v8;
	v29 =	vor.u32 $0xB, v8;
	v10 =	vld.idx.msk [tilespmem:v8+s2+$0x0], $0xffff  }
0x19: {  	v32 =	vor.u32 $0xC, v8;
	v33 =	vor.u32 $0xD, v8;
	v34 =	vor.u32 $0xE, v8;
	v9 =	vld.idx.msk [tilespmem:v9+s2+$0x0], $0xffff  }
0x1a: {  	v35 =	vor.u32 $0xF, v8;
	v36 =	vor.u32 $0x11, v8;
	v18 =	vor.u32 $0x10, v8  }
0x1b: {  	v40 =	vor.u32 $0x12, v8;
	v43 =	vor.u32 $0x13, v8;
	v45 =	vor.u32 $0x14, v8;
	v11 =	vld.idx.msk [tilespmem:v11+s2+$0x0], $0xffff  }
0x1c: {  	v47 =	vor.u32 $0x16, v8;
	v51 =	vor.u32 $0x17, v8;
	v53 =	vor.u32 $0x18, v8;
	v12 =	vld.idx.msk [tilespmem:v12+s2+$0x0], $0xffff  }
0x1d: {  	v57 =	vor.u32 $0x19, v8;
	v59 =	vor.u32 $0x1A, v8;
	v61 =	vor.u32 $0x1B, v8;
	v24 =	vld.idx.msk [tilespmem:v21+s2+$0x0], $0xffff  }
0x1e: {  	v28 =	vld.idx.msk [tilespmem:v25+s2+$0x0], $0xffff;
	v21 =	vor.u32 $0x15, v8;
	vm0 =	vgt.f32 v9, v10;
	vm2 =	vgt.f32 v9, $-1.000000000e+00  }
0x1f: {  	v39 =	vld.idx.msk [tilespmem:v35+s2+$0x0], $0xffff;
	v25 =	vor.u32 $0x1D, v8;
	vm1 =	vmneg vm0;
	v14 =	vnsel vm2, $0xBF800000, v9  }
0x20: {  	v41 =	vld.idx.msk [tilespmem:v36+s2+$0x0], $0xffff;
	v35 =	vor.u32 $0x22, v8;
	v36 =	vor.u32 $0x23, v8;
	v14 =	vsel vm1, v14, v10  }
0x21: {  	vm3 =	vmand vm1, vm2;
	v9 =	vsel vm1, v10, v9;
	vm10 =	vgt.f32 v11, v14  }
0x22: {  	v13 =	vld.idx.msk [tilespmem:v13+s2+$0x0], $0xffff;
	v15 =	vsel vm3, $0x1, v1;
	vm1 =	vgt.f32 v11, v9;
	v14 =	vsel vm10, v11, v14  }
0x23: {  	v17 =	vsel vm0, $0x1, v1;
	v62 =	vsel vm10, $0x2, v15;
	v14 =	vsel vm1, v9, v14  }
0x24: {  	v10 =	vsel vm1, v17, v62;
	v9 =	vsel vm1, v11, v9;
	vm11 =	vgt.f32 v12, v14  }
0x25: {  	v20 =	vld.idx.msk [tilespmem:v16+s2+$0x0], $0xffff;
	v17 =	vsel vm1, $0x2, v17;
	vm1 =	vgt.f32 v12, v9;
	v19 =	vsel vm11, v12, v14  }
0x26: {  	v52 =	vld.idx.msk [tilespmem:v47+s2+$0x0], $0xffff;
	v47 =	vor.u32 $0x28, v8;
	v10 =	vsel vm11, $0x3, v10;
	v11 =	vsel vm1, v9, v19  }
0x27: {  	v22 =	vld.idx.msk [tilespmem:v63+s2+$0x0], $0xffff;
	v10 =	vsel vm1, v17, v10;
	v9 =	vsel vm1, v12, v9;
	vm12 =	vgt.f32 v13, v11  }
0x28: {  	v50 =	vld.idx.msk [tilespmem:v21+s2+$0x0], $0xffff;
	v17 =	vsel vm1, $0x3, v17;
	vm1 =	vgt.f32 v13, v9;
	v11 =	vsel vm12, v13, v11  }
0x29: {  	v21 =	vld.idx.msk [tilespmem:v61+s2+$0x0], $0xffff;
	v61 =	vor.u32 $0x34, v8;
	v10 =	vsel vm12, $0x4, v10;
	v11 =	vsel vm1, v9, v11  }
0x2a: {  	v10 =	vsel vm1, v17, v10;
	v9 =	vsel vm1, v13, v9;
	vm13 =	vgt.f32 v20, v11  }
0x2b: {  	v17 =	vsel vm1, $0x4, v17;
	vm1 =	vgt.f32 v20, v9;
	v11 =	vsel vm13, v20, v11  }
0x2c: {  	v12 =	vld.idx.msk [tilespmem:v33+s2+$0x0], $0xffff;
	v33 =	vor.u32 $0x21, v8;
	v10 =	vsel vm13, $0x5, v10;
	v11 =	vsel vm1, v9, v11  }
0x2d: {  	v10 =	vsel vm1, v17, v10;
	v9 =	vsel vm1, v20, v9;
	vm14 =	vgt.f32 v22, v11  }
0x2e: {  	v26 =	vld.idx.msk [tilespmem:v23+s2+$0x0], $0xffff;
	v17 =	vsel vm1, $0x5, v17;
	vm1 =	vgt.f32 v22, v9;
	v11 =	vsel vm14, v22, v11  }
0x2f: {  	v13 =	vld.idx.msk [tilespmem:v34+s2+$0x0], $0xffff;
	v34 =	vor.u32 $0x20, v8;
	v10 =	vsel vm14, $0x6, v10;
	v11 =	vsel vm1, v9, v11  }
0x30: {  	v10 =	vsel vm1, v17, v10;
	v9 =	vsel vm1, v22, v9;
	vm15 =	vgt.f32 v24, v11  }
0x31: {  	v17 =	vsel vm1, $0x6, v17;
	vm1 =	vgt.f32 v24, v9;
	v10 =	vsel vm15, $0x7, v10  }
0x32: {  	v11 =	vsel vm15, v24, v11;
	vm15 =	vgt.f32 v41, $-1.000000000e+00;
	v10 =	vsel vm1, v17, v10  }
0x33: {  	v11 =	vsel vm1, v9, v11;
	v17 =	vsel vm1, $0x7, v17;
	v9 =	vsel vm1, v24, v9  }
0x34: {  	vm2 =	vmneg vm15;
	v24 =	vor.u32 $0x1C, v8;
	vm4 =	vgt.f32 v26, v11  }
0x35: {  	v30 =	vld.idx.msk [tilespmem:v27+s2+$0x0], $0xffff;
	vm1 =	vgt.f32 v26, v9;
	v19 =	vsel vm2, $0xBF800000, v41;
	v11 =	vsel vm4, v26, v11  }
0x36: {  	v10 =	vsel vm4, $0x8, v10;
	v31 =	vsel vm1, $0x8, v17;
	v11 =	vsel vm1, v9, v11  }
0x37: {  	v42 =	vld.idx.msk [tilespmem:v18+s2+$0x0], $0xffff;
	v10 =	vsel vm1, v17, v10;
	v9 =	vsel vm1, v26, v9;
	vm5 =	vgt.f32 v28, v11  }
0x38: {  	vm1 =	vgt.f32 v28, v9;
	v10 =	vsel vm5, $0x9, v10;
	v11 =	vsel vm5, v28, v11  }
0x39: {  	v16 =	vld.idx.msk [tilespmem:v29+s2+$0x0], $0xffff;
	v15 =	vsel vm1, $0x9, v31;
	v10 =	vsel vm1, v31, v10;
	v11 =	vsel vm1, v9, v11  }
0x3a: {  	v9 =	vsel vm1, v28, v9;
	v28 =	vor.u32 $0x1E, v8;
	vm6 =	vgt.f32 v30, v11  }
0x3b: {  	v31 =	vld.idx.msk [tilespmem:v25+s2+$0x0], $0xffff;
	v25 =	vor.u32 $0x25, v8;
	vm1 =	vgt.f32 v30, v9;
	v10 =	vsel vm6, $0xA, v10  }
0x3c: {  	v14 =	vld.idx.msk [tilespmem:v32+s2+$0x0], $0xffff;
	v11 =	vsel vm6, v30, v11;
	vm6 =	vgt.f32 v41, v42;
	v10 =	vsel vm1, v15, v10  }
0x3d: {  	v11 =	vsel vm1, v9, v11;
	v15 =	vsel vm1, $0xA, v15;
	v9 =	vsel vm1, v30, v9  }
0x3e: {  	v19 =	vsel vm6, v42, v19;
	v22 =	vsel vm6, $0x11, v2;
	vm7 =	vgt.f32 v16, v11  }
0x3f: {  	vm1 =	vgt.f32 v16, v9;
	v10 =	vsel vm7, $0xB, v10;
	v11 =	vsel vm7, v16, v11  }
0x40: {  	vm7 =	vmor vm6, vm2;
	v10 =	vsel vm1, v15, v10;
	v11 =	vsel vm1, v9, v11  }
0x41: {  	v15 =	vsel vm1, $0xB, v15;
	v9 =	vsel vm1, v16, v9;
	v16 =	vld.idx.msk [tilespmem:v40+s2+$0x0], $0xffff;
	vm9 =	vgt.f32 v14, v11  }
0x42: {  	v20 =	vsel vm7, $0x10, v3;
	vm8 =	vgt.f32 v14, v9;
	v11 =	vsel vm9, v14, v11  }
0x43: {  	v10 =	vsel vm9, $0xC, v10;
	v37 =	vsel vm8, $0xC, v15;
	v11 =	vsel vm8, v9, v11  }
0x44: {  	v10 =	vsel vm8, v15, v10;
	v9 =	vsel vm8, v14, v9;
	vm11 =	vgt.f32 v12, v11  }
0x45: {  	vm10 =	vgt.f32 v12, v9;
	v10 =	vsel vm11, $0xD, v10;
	v38 =	vsel vm11, v12, v11  }
0x46: {  	v14 =	vsel vm10, $0xD, v37;
	vm8 =	vgt.f32 v16, v19;
	v10 =	vsel vm10, v37, v10  }
0x47: {  	v15 =	vsel vm10, v9, v38;
	v9 =	vsel vm10, v12, v9;
	v12 =	vsel vm6, v41, v42  }
0x48: {  	v46 =	vsel vm8, $0x12, v20;
	v19 =	vsel vm8, v16, v19;
	v37 =	vor.u32 $0x24, v8  }
0x49: {  	v38 =	vor.u32 $0x1F, v8;
	v41 =	vor.u32 $0x26, v8;
	vm13 =	vgt.f32 v13, v15  }
0x4a: {  	v18 =	vld.idx.msk [tilespmem:v43+s2+$0x0], $0xffff;
	vm12 =	vgt.f32 v13, v9;
	vm9 =	vgt.f32 v16, v12;
	v15 =	vsel vm13, v13, v15  }
0x4b: {  	v10 =	vsel vm13, $0xE, v10;
	v13 =	vsel vm12, v13, v9;
	v15 =	vsel vm12, v9, v15  }
0x4c: {  	v17 =	vsel vm9, v22, v46;
	v10 =	vsel vm12, v14, v10;
	vm14 =	vgt.f32 v39, v15  }
0x4d: {  	v19 =	vsel vm9, v12, v19;
	v22 =	vsel vm9, $0x12, v22;
	v44 =	vsel vm14, $0xF, v10;
	v10 =	vld.idx.msk [tilespmem:v45+s2+$0x0], $0xffff  }
0x4e: {  	v12 =	vsel vm9, v16, v12;
	v46 =	vor.u32 $0x27, v8;
	v14 =	vsel vm12, $0xE, v14  }
0x4f: {  	vm0 =	vgt.f32 v39, v13;
	vm10 =	vgt.f32 v18, v19;
	vm2 =	vgt.f32 v18, v12  }
0x50: {  	v48 =	vsel vm10, $0x13, v17;
	v49 =	vsel vm10, v18, v19;
	v15 =	vsel vm14, v39, v15  }
0x51: {  	v16 =	vsel vm2, v22, v48;
	v17 =	vsel vm2, v12, v49;
	v22 =	vsel vm2, $0x13, v22  }
0x52: {  	v12 =	vsel vm2, v18, v12;
	v48 =	vor.u32 $0x29, v8;
	vm11 =	vgt.f32 v10, v17  }
0x53: {  	v9 =	vsel vm0, v14, v44;
	vm2 =	vgt.f32 v10, v12;
	v17 =	vsel vm11, v10, v17  }
0x54: {  	v16 =	vsel vm11, $0x14, v16;
	v10 =	vsel vm2, v10, v12;
	v17 =	vsel vm2, v12, v17  }
0x55: {  	v16 =	vsel vm2, v22, v16;
	v22 =	vsel vm2, $0x14, v22;
	vm12 =	vgt.f32 v50, v17  }
0x56: {  	v56 =	vld.idx.msk [tilespmem:v51+s2+$0x0], $0xffff;
	vm2 =	vgt.f32 v50, v10;
	v54 =	vsel vm12, $0x15, v16;
	v55 =	vsel vm12, v50, v17  }
0x57: {  	v12 =	vsel vm2, v22, v54;
	v16 =	vsel vm2, v10, v55;
	v22 =	vsel vm2, $0x15, v22  }
0x58: {  	v10 =	vsel vm2, v50, v10;
	v55 =	vor.u32 $0x30, v8;
	vm13 =	vgt.f32 v52, v16  }
0x59: {  	v58 =	vld.idx.msk [tilespmem:v53+s2+$0x0], $0xffff;
	vm2 =	vgt.f32 v52, v10;
	v12 =	vsel vm13, $0x16, v12;
	v16 =	vsel vm13, v52, v16  }
0x5a: {  	v12 =	vsel vm2, v22, v12;
	v16 =	vsel vm2, v10, v16;
	v22 =	vsel vm2, $0x16, v22  }
0x5b: {  	v10 =	vsel vm2, v52, v10;
	v52 =	vor.u32 $0x2A, v8;
	vm14 =	vgt.f32 v56, v16  }
0x5c: {  	v60 =	vld.idx.msk [tilespmem:v57+s2+$0x0], $0xffff;
	vm2 =	vgt.f32 v56, v10;
	v12 =	vsel vm14, $0x17, v12;
	v16 =	vsel vm14, v56, v16  }
0x5d: {  	v12 =	vsel vm2, v22, v12;
	v16 =	vsel vm2, v10, v16;
	v22 =	vsel vm2, $0x17, v22  }
0x5e: {  	v10 =	vsel vm2, v56, v10;
	v56 =	vor.u32 $0x32, v8;
	vm15 =	vgt.f32 v58, v16  }
0x5f: {  	vm2 =	vgt.f32 v58, v10;
	v12 =	vsel vm15, $0x18, v12;
	v16 =	vsel vm15, v58, v16  }
0x60: {  	v62 =	vld.idx.msk [tilespmem:v59+s2+$0x0], $0xffff;
	v63 =	vsel vm2, $0x18, v22;
	v12 =	vsel vm2, v22, v12;
	v16 =	vsel vm2, v10, v16  }
0x61: {  	v10 =	vsel vm2, v58, v10;
	v58 =	vor.u32 $0x2B, v8;
	vm4 =	vgt.f32 v60, v16  }
0x62: {  	v22 =	vld.idx.msk [tilespmem:v28+s2+$0x0], $0xffff;
	v28 =	vor.u32 $0x33, v8;
	vm2 =	vgt.f32 v60, v10;
	v12 =	vsel vm4, $0x19, v12  }
0x63: {  	v16 =	vsel vm4, v60, v16;
	v20 =	vsel vm2, $0x19, v63;
	v12 =	vsel vm2, v63, v12  }
0x64: {  	v16 =	vsel vm2, v10, v16;
	v10 =	vsel vm2, v60, v10;
	v63 =	vor.u32 $0x36, v8  }
0x65: {  	v60 =	vld.idx.msk [tilespmem:v56+s2+$0x0], $0xffff;
	v56 =	vor.u32 $0x3E, v8;
	vm5 =	vgt.f32 v62, v16;
	vm2 =	vgt.f32 v62, v10  }
0x66: {  	v19 =	vld.idx.msk [tilespmem:v24+s2+$0x0], $0xffff;
	v26 =	vsel vm5, $0x1A, v12;
	v16 =	vsel vm5, v62, v16;
	v12 =	vsel vm0, v13, v15  }
0x67: {  	v17 =	vsel vm2, v62, v10;
	v13 =	vsel vm0, v39, v13;
	v16 =	vsel vm2, v10, v16  }
0x68: {  	v27 =	vsel vm2, v20, v26;
	v20 =	vsel vm2, $0x1A, v20;
	vm6 =	vgt.f32 v21, v16  }
0x69: {  	vm7 =	vgt.f32 v21, v17;
	v15 =	vsel vm6, $0x1B, v27;
	v30 =	vsel vm6, v21, v16  }
0x6a: {  	v27 =	vor.u32 $0x31, v8;
	v29 =	vsel vm7, v20, v15;
	v15 =	vsel vm7, v17, v30  }
0x6b: {  	v10 =	vsel vm0, $0xF, v14;
	v17 =	vsel vm7, v21, v17;
	vm8 =	vgt.f32 v19, v15  }
0x6c: {  	v32 =	vsel vm7, $0x1B, v20;
	v20 =	vld.idx.msk [tilespmem:v33+s2+$0x0], $0xffff;
	vm2 =	vgt.f32 v19, v17;
	v14 =	vsel vm8, $0x1C, v29  }
0x6d: {  	v21 =	vld.idx.msk [tilespmem:v34+s2+$0x0], $0xffff;
	v15 =	vsel vm8, v19, v15;
	v18 =	vsel vm2, $0x1C, v32;
	v29 =	vor.u32 $0x2C, v8  }
0x6e: {  	v14 =	vsel vm2, v32, v14;
	v15 =	vsel vm2, v17, v15;
	v17 =	vsel vm2, v19, v17;
	v19 =	vld.idx.msk [tilespmem:v35+s2+$0x0], $0xffff  }
0x6f: {  	v35 =	vor.u32 $0x37, v8;
	v32 =	vimm.s32 $0x0;
	vm9 =	vgt.f32 v31, v15;
	v57 =	vld.idx.msk [tilespmem:v27+s2+$0x0], $0xffff  }
0x70: {  	vm2 =	vgt.f32 v31, v17;
	v27 =	vld.idx.msk [tilespmem:v58+s2+$0x0], $0xffff;
	v58 =	vimm.s32 $0x0;
	v14 =	vsel vm9, $0x1D, v14  }
0x71: {  	v15 =	vsel vm9, v31, v15;
	v16 =	vsel vm2, v31, v17;
	vm11 =	vgt.f32 v20, $-1.000000000e+00  }
0x72: {  	vm12 =	vgt.f32 v20, v21;
	v31 =	vor.u32 $0x35, v8;
	v14 =	vsel vm2, v18, v14  }
0x73: {  	v15 =	vsel vm2, v17, v15;
	v18 =	vsel vm2, $0x1D, v18;
	vm2 =	vgt.f32 v22, v16  }
0x74: {  	vm0 =	vmneg vm11;
	v17 =	vld.idx.msk [tilespmem:v36+s2+$0x0], $0xffff;
	v26 =	vsel vm12, $0x21, v4;
	v36 =	vimm.s32 $0x0  }
0x75: {  	vm10 =	vgt.f32 v22, v15;
	v11 =	vsel vm2, $0x1E, v18;
	vm13 =	vmor vm12, vm0  }
0x76: {  	v39 =	vsel vm0, $0xBF800000, v20;
	v20 =	vsel vm12, v20, v21;
	v14 =	vsel vm10, $0x1E, v14  }
0x77: {  	v15 =	vsel vm10, v22, v15;
	v24 =	vsel vm13, $0x20, v5;
	vm1 =	vgt.f32 v19, v20  }
0x78: {  	v23 =	vsel vm2, v16, v15;
	v15 =	vsel vm2, v22, v16;
	v22 =	vsel vm12, v21, v39  }
0x79: {  	v14 =	vsel vm2, v18, v14;
	v18 =	vld.idx.msk [tilespmem:v37+s2+$0x0], $0xffff;
	v37 =	vimm.s32 $0x0;
	vm14 =	vgt.f32 v19, v22  }
0x7a: {  	v16 =	vld.idx.msk [tilespmem:v38+s2+$0x0], $0xffff;
	v38 =	vor.u32 $0x38, v8;
	v39 =	vimm.s32 $0x0;
	v40 =	vsel vm14, $0x22, v24  }
0x7b: {  	v22 =	vsel vm14, v19, v22;
	v19 =	vsel vm1, v19, v20;
	v24 =	vld.idx.msk [tilespmem:v41+s2+$0x0], $0xffff;
	v41 =	vor.u32 $0x39, v8  }
0x7c: {  	v21 =	vsel vm1, v26, v40;
	v22 =	vsel vm1, v20, v22;
	v26 =	vsel vm1, $0x22, v26  }
0x7d: {  	vm1 =	vgt.f32 v17, v19;
	v40 =	vld.idx.msk [tilespmem:v35+s2+$0x0], $0xffff;
	v35 =	vimm.s32 $0x0;
	vm15 =	vgt.f32 v17, v22  }
0x7e: {  	v45 =	vsel vm1, $0x23, v26;
	v42 =	vsel vm15, $0x23, v21;
	v43 =	vsel vm15, v17, v22  }
0x7f: {  	v17 =	vsel vm1, v17, v19;
	vm6 =	vgt.f32 v16, v23;
	v22 =	vld.idx.msk [tilespmem:v48+s2+$0x0], $0xffff;
	v48 =	vimm.s32 $0x0  }
0x80: {  	v44 =	vld.idx.msk [tilespmem:v25+s2+$0x0], $0xffff;
	v20 =	vsel vm1, v26, v42;
	v21 =	vsel vm1, v19, v43;
	vm1 =	vgt.f32 v18, v17  }
0x81: {  	v19 =	vld.idx.msk [tilespmem:v46+s2+$0x0], $0xffff;
	v14 =	vsel vm6, $0x1F, v14;
	v42 =	vor.u32 $0x2D, v8;
	v43 =	vor.u32 $0x2E, v8  }
0x82: {  	v26 =	vld.idx.msk [tilespmem:v63+s2+$0x0], $0xffff;
	v46 =	vor.u32 $0x3B, v8;
	v63 =	vimm.s32 $0x0;
	vm4 =	vgt.f32 v18, v21  }
0x83: {  	v25 =	vsel vm1, $0x24, v45;
	v20 =	vsel vm4, $0x24, v20;
	v21 =	vsel vm4, v18, v21  }
0x84: {  	v20 =	vsel vm1, v45, v20;
	v21 =	vsel vm1, v17, v21;
	v17 =	vsel vm1, v18, v17  }
0x85: {  	v18 =	vsel vm6, v16, v23;
	vm6 =	vgt.f32 v57, $-1.000000000e+00;
	vm5 =	vgt.f32 v44, v21  }
0x86: {  	vm1 =	vgt.f32 v44, v17;
	v20 =	vsel vm5, $0x25, v20;
	v21 =	vsel vm5, v44, v21  }
0x87: {  	v20 =	vsel vm1, v25, v20;
	v21 =	vsel vm1, v17, v21;
	v25 =	vsel vm1, $0x25, v25  }
0x88: {  	v17 =	vsel vm1, v44, v17;
	v44 =	vor.u32 $0x3A, v8;
	vm7 =	vgt.f32 v24, v21  }
0x89: {  	vm8 =	vgt.f32 v24, v17;
	v20 =	vsel vm7, $0x26, v20;
	v21 =	vsel vm7, v24, v21  }
0x8a: {  	v49 =	vld.idx.msk [tilespmem:v47+s2+$0x0], $0xffff;
	v51 =	vsel vm8, $0x26, v25;
	v20 =	vsel vm8, v25, v20;
	v50 =	vsel vm8, v17, v21  }
0x8b: {  	v17 =	vsel vm8, v24, v17;
	v24 =	vld.idx.msk [tilespmem:v52+s2+$0x0], $0xffff;
	vm8 =	vmneg vm6;
	v52 =	vor.u32 $0x3D, v8  }
0x8c: {  	v25 =	vld.idx.msk [tilespmem:v61+s2+$0x0], $0xffff;
	v61 =	vimm.s32 $0x0;
	vm9 =	vgt.f32 v19, v17;
	vm10 =	vgt.f32 v19, v50  }
0x8d: {  	v30 =	vsel vm8, $0xBF800000, v57;
	v20 =	vsel vm10, $0x27, v20;
	v53 =	vsel vm10, v19, v50  }
0x8e: {  	v21 =	vsel vm9, $0x27, v51;
	v50 =	vimm.s32 $0x0;
	v20 =	vsel vm9, v51, v20  }
0x8f: {  	v54 =	vsel vm9, v17, v53;
	v17 =	vsel vm9, v19, v17;
	v53 =	vimm.s32 $0x0  }
0x90: {  	v19 =	vld.idx.msk [tilespmem:v55+s2+$0x0], $0xffff;
	v55 =	vimm.s32 $0x0;
	vm11 =	vgt.f32 v49, v54;
	vm12 =	vgt.f32 v49, v17  }
0x91: {  	v20 =	vsel vm11, $0x28, v20;
	v23 =	vsel vm11, v49, v54;
	v54 =	vimm.s32 $0x0  }
0x92: {  	v20 =	vsel vm12, v21, v20;
	v23 =	vsel vm12, v17, v23;
	v21 =	vsel vm12, $0x28, v21  }
0x93: {  	v17 =	vsel vm12, v49, v17;
	v49 =	vor.u32 $0x3C, v8;
	vm14 =	vgt.f32 v22, v23  }
0x94: {  	vm13 =	vgt.f32 v22, v17;
	v20 =	vsel vm14, $0x29, v20;
	v23 =	vsel vm14, v22, v23  }
0x95: {  	v22 =	vsel vm13, v22, v17;
	v59 =	vsel vm13, $0x29, v21;
	vm0 =	vgt.f32 v57, v19  }
0x96: {  	v20 =	vsel vm13, v21, v20;
	v23 =	vsel vm13, v17, v23;
	vm15 =	vgt.f32 v24, v22  }
0x97: {  	v30 =	vsel vm0, v19, v30;
	v19 =	vsel vm0, v57, v19;
	vm8 =	vmor vm0, vm8  }
0x98: {  	v28 =	vld.idx.msk [tilespmem:v28+s2+$0x0], $0xffff;
	v47 =	vsel vm0, $0x31, v6;
	v57 =	vor.u32 $0x2F, v8;
	v8 =	vor.u32 $0x3F, v8  }
0x99: {  	vm5 =	vgt.f32 v24, v23;
	v17 =	vsel vm15, $0x2A, v59;
	vm1 =	vgt.f32 v60, v19  }
0x9a: {  	v20 =	vsel vm5, $0x2A, v20;
	v23 =	vsel vm5, v24, v23;
	vm5 =	vgt.f32 v60, v30  }
0x9b: {  	v45 =	vsel vm8, $0x30, v7;
	v21 =	vsel vm1, v60, v19;
	v62 =	vsel vm5, v60, v30  }
0x9c: {  	v23 =	vsel vm15, v22, v23;
	v22 =	vsel vm15, v24, v22;
	v24 =	vsel vm1, v19, v62  }
0x9d: {  	v29 =	vld.idx.msk [tilespmem:v29+s2+$0x0], $0xffff;
	v20 =	vsel vm15, v59, v20;
	vm3 =	vgt.f32 v28, v21;
	vm9 =	vgt.f32 v28, v24  }
0x9e: {  	v34 =	vld.idx.msk [tilespmem:v31+s2+$0x0], $0xffff;
	v60 =	vimm.s32 $0x0;
	vm7 =	vgt.f32 v27, v23;
	v33 =	vsel vm9, v28, v24  }
0x9f: {  	vm4 =	vgt.f32 v27, v22;
	v19 =	vsel vm7, $0x2B, v20;
	v20 =	vsel vm3, v21, v33  }
0xa0: {  	v23 =	vsel vm7, v27, v23;
	v21 =	vsel vm3, v28, v21;
	vm10 =	vgt.f32 v25, v20  }
0xa1: {  	v31 =	vsel vm4, $0xFFFFFFFF, v36;
	vm6 =	vgt.f32 v25, v21;
	v20 =	vsel vm10, v25, v20  }
0xa2: {  	v23 =	vsel vm4, v22, v23;
	v22 =	vsel vm4, v27, v22;
	v20 =	vsel vm6, v21, v20  }
0xa3: {  	vm2 =	vgt.f32 v29, v22;
	v21 =	vsel vm6, v25, v21;
	vm13 =	vgt.f32 v34, v20  }
0xa4: {  	vm11 =	vgt.f32 v29, v23;
	vm7 =	vgt.f32 v34, v21;
	v20 =	vsel vm13, v34, v20  }
0xa5: {  	v27 =	vsel vm2, $0xFFFFFFFF, v37;
	v23 =	vsel vm11, v29, v23;
	v20 =	vsel vm7, v21, v20  }
0xa6: {  	[tilespmem:$0x1FF50] =	vst v27;
	v23 =	vsel vm2, v22, v23;
	v21 =	vsel vm7, v34, v21;
	vm4 =	vgt.f32 v26, v20  }
0xa7: {  	v22 =	vsel vm2, v29, v22;
	v27 =	vld.idx.msk [tilespmem:v38+s2+$0x0], $0xffff;
	vm2 =	vgt.f32 v26, v21;
	v20 =	vsel vm4, v26, v20  }
0xa8: {  	[tilespmem:$0x1FF10] =	vst v31;
	v31 =	vsel vm1, $0x32, v47;
	v28 =	vsel vm11, $0xFFFFFFFF, v39;
	v20 =	vsel vm2, v21, v20  }
0xa9: {  	[tilespmem:$0x1FF30] =	vst v28;
	v21 =	vsel vm2, v26, v21;
	v26 =	vsel vm5, $0x32, v45;
	vm14 =	vgt.f32 v40, v20  }
0xaa: {  	v28 =	vld.idx.msk [tilespmem:v41+s2+$0x0], $0xffff;
	vm12 =	vgt.f32 v40, v21;
	v26 =	vsel vm1, v47, v26;
	v20 =	vsel vm14, v40, v20  }
0xab: {  	v34 =	vimm.s32 $0x0;
	v26 =	vsel vm9, $0x33, v26;
	v20 =	vsel vm12, v21, v20  }
0xac: {  	v21 =	vsel vm12, v40, v21;
	v26 =	vsel vm3, v31, v26;
	vm5 =	vgt.f32 v27, v20  }
0xad: {  	v30 =	vld.idx.msk [tilespmem:v44+s2+$0x0], $0xffff;
	v31 =	vsel vm3, $0x33, v31;
	vm11 =	vgt.f32 v27, v21;
	v20 =	vsel vm5, v27, v20  }
0xae: {  	v26 =	vsel vm10, $0x34, v26;
	v51 =	vsel vm6, $0x34, v31;
	v20 =	vsel vm11, v21, v20  }
0xaf: {  	v24 =	vld.idx.msk [tilespmem:v42+s2+$0x0], $0xffff;
	v26 =	vsel vm6, v31, v26;
	v21 =	vsel vm11, v27, v21;
	vm15 =	vgt.f32 v28, v20  }
0xb0: {  	v26 =	vsel vm13, $0x35, v26;
	vm9 =	vgt.f32 v28, v21;
	v20 =	vsel vm15, v28, v20  }
0xb1: {  	v25 =	vld.idx.msk [tilespmem:v46+s2+$0x0], $0xffff;
	v32 =	vsel vm5, $0xFFFFFFFF, v32;
	v26 =	vsel vm7, v51, v26;
	v20 =	vsel vm9, v21, v20  }
0xb2: {  	v27 =	vsel vm15, $0xFFFFFFFF, v48;
	v21 =	vsel vm9, v28, v21;
	vm5 =	vgt.f32 v30, v20  }
0xb3: {  	v26 =	vsel vm4, $0x36, v26;
	vm8 =	vgt.f32 v30, v21;
	v20 =	vsel vm5, v30, v20  }
0xb4: {  	v28 =	vsel vm5, $0xFFFFFFFF, v50;
	vm5 =	vgt.f32 v24, v23;
	v20 =	vsel vm8, v21, v20  }
0xb5: {  	[tilespmem:$0x1FF20] =	vst v28;
	v21 =	vsel vm8, v30, v21;
	v28 =	vsel vm7, $0x35, v51;
	v23 =	vsel vm5, v24, v23  }
0xb6: {  	vm13 =	vgt.f32 v25, v20;
	vm15 =	vgt.f32 v25, v21;
	v26 =	vsel vm2, v28, v26  }
0xb7: {  	v28 =	vsel vm2, $0x36, v28;
	v30 =	vsel vm13, $0xFFFFFFFF, v53;
	v20 =	vsel vm13, v25, v20  }
0xb8: {  	[tilespmem:$0x1FF00] =	vst v27;
	v27 =	vld.idx.msk [tilespmem:v49+s2+$0x0], $0xffff;
	vm13 =	vgt.f32 v24, v22;
	v26 =	vsel vm14, $0x37, v26;
	vm14 =	vgt.f32 v16, v15  }
0xb9: {  	v29 =	vld.idx.msk [tilespmem:v43+s2+$0x0], $0xffff;
	v38 =	vsel vm12, $0x37, v28;
	[tilespmem:$0x1FF40] =	vst v30;
	v30 =	vsel vm15, $0xFFFFFFFF, v54;
	v20 =	vsel vm15, v21, v20  }
0xba: {  	v21 =	vsel vm15, v25, v21;
	v23 =	vsel vm13, v22, v23;
	v22 =	vsel vm13, v24, v22  }
0xbb: {  	v18 =	vsel vm14, v15, v18;
	v15 =	vsel vm14, v16, v15;
	v37 =	vsel vm12, v28, v26  }
0xbc: {  	v41 =	vsel vm11, $0x38, v38;
	v14 =	vsel vm14, v11, v14;
	v11 =	vsel vm14, $0x1F, v11  }
0xbd: {  	v31 =	vld.idx.msk [tilespmem:v52+s2+$0x0], $0xffff;
	[tilespmem:$0x1FF70] =	vst v30;
	v30 =	vsel vm5, $0xFFFFFFFF, v55;
	vm6 =	vgt.f32 v27, v20;
	vm15 =	vgt.f32 v27, v21  }
0xbe: {  	[tilespmem:$0x1FEF0] =	vst v32;
	vm7 =	vgt.f32 v29, v23;
	vm2 =	vge.f32 v13, v15;
	v32 =	vsel vm6, $0xFFFFFFFF, v58  }
0xbf: {  	v25 =	vld.idx.msk [tilespmem:v57+s2+$0x0], $0xffff;
	v20 =	vsel vm6, v27, v20;
	v23 =	vsel vm7, v29, v23;
	vm6 =	vgt.f32 v29, v22  }
0xc0: {  	[tilespmem:$0x1FF60] =	vst v30;
	v30 =	vsel vm2, v13, v15;
	v12 =	vsel vm2, v12, v13;
	v57 =	vsel vm2, v10, v11  }
0xc1: {  	v59 =	vld.idx.msk [tilespmem:v56+s2+$0x0], $0xffff;
	v9 =	vsel vm2, v9, v10;
	v20 =	vsel vm15, v21, v20;
	v21 =	vsel vm15, v27, v21  }
0xc2: {  	v27 =	vsel vm7, $0xFFFFFFFF, v60;
	v62 =	vsel vm6, v22, v23;
	vm10 =	vgt.f32 v31, v20  }
0xc3: {  	v22 =	vsel vm6, v29, v22;
	v29 =	vimm.s32 $0x0;
	[tilespmem:$0x1FF90] =	vst v27;
	v27 =	vsel vm10, $0xFFFFFFFF, v61  }
0xc4: {  	v39 =	vld [tilespmem:$0x1FEF0];
	v20 =	vsel vm10, v31, v20;
	vm10 =	vgt.f32 v31, v21;
	vm0 =	vgt.f32 v25, v62  }
0xc5: {  	v8 =	vld.idx.msk [tilespmem:v8+s2+$0x0], $0xffff;
	[tilespmem:$0x1FFA0] =	vst v27;
	v20 =	vsel vm10, v21, v20;
	v21 =	vsel vm10, v31, v21;
	v27 =	vimm.s32 $0x0  }
0xc6: {  	v16 =	vsel vm0, v25, v62;
	v31 =	vsel vm2, v15, v18;
	vm4 =	vgt.f32 v59, v20  }
0xc7: {  	vm7 =	vgt.f32 v59, v21;
	vm1 =	vge.f32 v12, v31;
	v23 =	vsel vm4, $0xFFFFFFFF, v63  }
0xc8: {  	v20 =	vsel vm4, v59, v20;
	vm4 =	vgt.f32 v25, v22;
	v18 =	vsel vm1, $0xFFFFFFFF, v34  }
0xc9: {  	v42 =	vld [tilespmem:$0x1FF00];
	v12 =	vsel vm1, v12, v31;
	vm1 =	vnez.u8 v39;
	v20 =	vsel vm7, v21, v20  }
0xca: {  	[tilespmem:$0x1FFC0] =	vst v23;
	v23 =	vsel vm0, $0xFFFFFFFF, v27;
	v21 =	vsel vm7, v59, v21;
	vm5 =	vgt.f32 v8, v20  }
0xcb: {  	[tilespmem:$0x1FFB0] =	vst v23;
	v23 =	vsel vm5, $0xFFFFFFFF, v29;
	v20 =	vsel vm5, v8, v20;
	vm5 =	vgt.f32 v8, v21  }
0xcc: {  	v16 =	vsel vm4, v22, v16;
	v22 =	vsel vm4, v25, v22;
	v8 =	vsel vm5, v8, v21  }
0xcd: {  	v44 =	vld [tilespmem:$0x1FF10];
	v15 =	vsel vm1, $0x38, v37;
	v20 =	vsel vm5, v21, v20;
	vm3 =	vge.f32 v22, v8  }
0xce: {  	v46 =	vld [tilespmem:$0x1FF30];
	[tilespmem:$0x1FF80] =	vst v32;
	vm1 =	vnez.u8 v42;
	v32 =	vsel vm3, v16, v22;
	v33 =	vsel vm3, v8, v20  }
0xcf: {  	v50 =	vld [tilespmem:$0x1FF70];
	v59 =	vsel vm2, v11, v14;
	v8 =	vsel vm3, v22, v8;
	vm0 =	vge.f32 v32, v33  }
0xd0: {  	v45 =	vld [tilespmem:$0x1FF20];
	[tilespmem:$0x1FFE0] =	vst v18;
	v18 =	vsel vm0, $0xFFFFFFFF, v35;
	v36 =	vsel vm0, v32, v33;
	vm0 =	vge.f32 v30, v8  }
0xd1: {  	v40 =	vsel vm11, v38, v15;
	v61 =	vld [tilespmem:$0x1FFE0];
	v12 =	vsel vm0, v12, v30;
	v13 =	vsel vm0, v8, v36  }
0xd2: {  	v15 =	vsel vm9, $0x39, v41;
	v54 =	vld [tilespmem:$0x1FFB0];
	v8 =	vsel vm0, v30, v8;
	vm12 =	vge.f32 v12, v13  }
0xd3: {  	v47 =	vld [tilespmem:$0x1FF40];
	v12 =	vsel vm12, v12, v13;
	v13 =	vsel vm1, $0x39, v40;
	vm1 =	vnez.u8 v44  }
0xd4: {  	v48 =	vld [tilespmem:$0x1FF50];
	vm11 =	vnez.u8 v50;
	[tilespmem:$0x1FFF0] =	vst v18;
	v43 =	vadd.f32 v12, v8;
	v18 =	vsel vm1, v17, v19  }
0xd5: {  	v49 =	vld [tilespmem:$0x1FF60];
	v17 =	vsel vm1, $0x2B, v17;
	v13 =	vsel vm9, v41, v13;
	vm1 =	vnez.u8 v45  }
0xd6: {  	v51 =	vld [tilespmem:$0x1FF80];
	vm14 =	vnez.u8 v61;
	v13 =	vsel vm1, $0x3A, v13;
	vm1 =	vnez.u8 v46  }
0xd7: {  	v55 =	vld [tilespmem:$0x1FFC0];
	vm9 =	vnez.u8 v54;
	v16 =	vadd.f32 $9.999999970e-07, v43;
	v18 =	vsel vm1, $0x2C, v18  }
0xd8: {  	v52 =	vld [tilespmem:$0x1FF90];
	v13 =	vsel vm8, v15, v13;
	v15 =	vsel vm8, $0x3A, v15;
	vm1 =	vnez.u8 v47  }
0xd9: {  	v53 =	vld [tilespmem:$0x1FFA0];
	[tilespmem:$0x1FFD0] =	vst v23;
	v13 =	vsel vm1, $0x3B, v13;
	vm1 =	vnez.u8 v48;
	(erf) = vrcp.f32 v16  }
0xda: {  	v56 =	vld [tilespmem:$0x1FFD0];
	v16 =	vsel vm1, v17, v18;
	v17 =	vsel vm1, $0x2C, v17;
	vm1 =	vnez.u8 v49  }
0xdb: {  	v13 =	vsel vm11, v15, v13;
	v16 =	vsel vm1, $0x2D, v16;
	vm1 =	vnez.u8 v51  }
0xdc: {  	v15 =	vsel vm11, $0x3B, v15;
	vm11 =	vnez.u8 v55;
	v13 =	vsel vm1, $0x3C, v13  }
0xdd: {  	v63 =	vld [tilespmem:$0x1FFF0];
	v16 =	vsel vm13, v17, v16;
	v17 =	vsel vm13, $0x2D, v17;
	vm13 =	vnez.u8 v52  }
0xde: {  	vm1 =	vnez.u8 v53;
	v16 =	vsel vm13, $0x2E, v16;
	v13 =	vsel vm15, v15, v13  }
0xdf: {  	v15 =	vsel vm15, $0x3C, v15;
	vm13 =	vnez.u8 v56;
	v13 =	vsel vm1, $0x3D, v13  }
0xe0: {  	v16 =	vsel vm6, v17, v16;
	v17 =	vsel vm6, $0x2E, v17;
	v13 =	vsel vm10, v15, v13  }
0xe1: {  	v16 =	vsel vm9, $0x2F, v16;
	v15 =	vsel vm10, $0x3D, v15;
	v13 =	vsel vm11, $0x3E, v13  }
0xe2: {  	vm15 =	vnez.u8 v63;
	v16 =	vsel vm4, v17, v16;
	v13 =	vsel vm7, v15, v13  }
0xe3: {  	v17 =	vsel vm4, $0x2F, v17;
	v15 =	vsel vm7, $0x3E, v15;
	v13 =	vsel vm13, $0x3F, v13;
	v58 =	vpop (erf)  }
0xe4: {  	p0 =	sne.s32 s19, $0xF0;
	v13 =	vsel vm5, v15, v13;
	v15 =	vsel vm5, $0x3F, v15;
	v8 =	vmul.f32 v58, v8  }
.Ltmp0:
0xe5: {  	v60 =	vsel vm3, v16, v17;
	v13 =	vsel vm3, v15, v13;
	v12 =	vmul.f32 v58, v12;
	(pc) =	sbr.rel @p0 .LBB2_2-.Ltmp0, $4  }
0xe6: {  	v9 =	vsel vm14, v9, v59;
	v62 =	vsel vm3, v17, v15;
	v11 =	vsel vm15, v60, v13;
	[tilespmem:s18+$0x0] =	vst v8  }
0xe7: {  	v9 =	vsel vm0, v9, v57;
	v8 =	vsel vm0, v57, v62;
	v10 =	vsel vm0, v62, v11;
	[tilespmem:s17+$0x0] =	vst v12  }
0xe8: {  	s19 =	sadd.s32 $0x10, s19;
	s18 =	sadd.s32 $0x10, s18;
	v9 =	vsel vm12, v9, v10;
	[tilespmem:s16+$0x0] =	vst v8  }
0xe9: {  	s17 =	sadd.s32 $0x10, s17;
	s16 =	sadd.s32 $0x10, s16;
	[tilespmem:s15+$0x0] =	vst v9;
	s15 =	sadd.s32 $0x10, s15  }
0xea: {  	[hbm4b:s4+s2] =	stream.linear.scatter [tilespmem:s10], [sflag:$0x1], $0x100, $0x38;
	[tilespmem:$0x8400] =	vst v63  }
0xeb: {  	_ =	swait.ge [sflag:s9], $0x100  }
0xec: {  	[sflag:s9] =	ssyncset.done $0x0  }
0xed: {  	[sflag:s9] =	ssyncadd.s32 $0xFFFFFF00  }
0xee: {  	[hbm4b:s5+s2] =	stream.linear.scatter [tilespmem:s11], [sflag:$0x1], $0x100, $0x38;
	[tilespmem:$0x8400] =	vst v63  }
0xef: {  	_ =	swait.ge [sflag:s9], $0x100  }
0xf0: {  	[sflag:s9] =	ssyncset.done $0x0  }
0xf1: {  	[sflag:s9] =	ssyncadd.s32 $0xFFFFFF00  }
0xf2: {  	[hbm4b:s6+s2] =	stream.linear.scatter [tilespmem:s12], [sflag:$0x1], $0x100, $0x38;
	[tilespmem:$0x8400] =	vst v63  }
0xf3: {  	s14 =	sadd.s32 $0x1, s14;
	_ =	swait.ge [sflag:s9], $0x100  }
0xf4: {  	p0 =	sne.s32 s14, s8;
	[sflag:s9] =	ssyncset.done $0x0  }
.Ltmp1:
0xf5: {  	[sflag:s9] =	ssyncadd.s32 $0xFFFFFF00;
	(pc) =	sbr.rel @p0 .LBB2_1-.Ltmp1, $4  }
0xf6: {  	[hbm4b:s7+s2] =	stream.linear.scatter [tilespmem:s13], [sflag:$0x1], $0x100, $0x38;
	[tilespmem:$0x8400] =	vst v63  }
0xf7: {  	_ =	swait.ge [sflag:s9], $0x100  }
0xf8: {  	[sflag:s9] =	ssyncset.done $0x0  }
0xf9: {  	[sflag:s9] =	ssyncadd.s32 $0xFFFFFF00  }
0xfa: {  	_ =	sfence.sel $0x180000  }
0xfb: {  	[bflag:$0x0] =	sbarrier.arrive $0xFFFF  }
0xfc: {  	p0 =	sne.s32 s1, $0x0;
	_ =	strace $0x9000004A  }
0xfd: {  	s0 =	sadd.s32 @!p0 $0x100000, s0;
	[bflag:$0x2] =	sbarrier.arrive $0xFFFF  }
0xfe: {  	[sflag:s0] =	ssyncadd.tile.s32 @!p0 $0x1;
	_ =	shalt  }
.Lfunc_end2:
_tile_overlayer_lowered:
.L_overlay_start_2:
0xff: {  	(tag) =	ssettag $0x2  }
0x100: {  	s0 =	rddreg [dreg:$0x0];
	s2 =	stileid.u32  }
0x101: {  	s1 =	rddreg [dreg:$0x1];
	p0 =	sne.s32 s2, $0x0  }
0x102: {  	s3 =	rddreg [dreg:$0x2];
	[bflag:$0x3] =	sbarrier.arrive $0xFFFF;
	s2 =	simm.s32 @!p0 $0x1C01  }
0x103: {  	[timem:s3], [sflag:s2] =	dma.local @!p0 [hbm:s0], s1  }
0x104: {  	s0 =	simm.s32 @!p0 $0x1  }
0x105: {  	_ =	swait.ge @!p0 [sflag:s0], s1  }
0x106: {  	s1 =	ssub.s32 @!p0 $0x0, s1;
	[sflag:s0] =	ssyncset.done @!p0 $0x0  }
0x107: {  	[sflag:s0] =	ssyncadd.s32 @!p0 s1  }
0x108: {  	[bflag:$0x3] =	sbarrier.arrive $0xFFFF  }
0x109: {  	_ =	shalt  }

// kernel: kernel.9.cloned.1.call-start
scs
__scs_entry_jumppad:
0x0: {  	(pc) =	sbr.rel $0x88, $3  }
0x1: {  	(tag) =	ssettag $0x0;
	lr =	simm.s32 $0x1  }
0x2: {  	[smem:$0x3F9F] =	sst lr;
	_ =	strace $0xD0000000  }
0x3: {  	_ = 	snop  }
0x4: {  	_ = 	snop  }
0x5: {  	_ = 	snop  }
0x6: {  	_ = 	snop  }
0x7: {  	_ = 	snop  }
__scs_overlays_trampoline_lowered:
0x8: {  	[smem:$0x3FAE] =	sst s0  }
0x9: {  	[smem:$0x3FAF] =	sst s1  }
0xa: {  	[smem:$0x3FB0] =	sst s2  }
0xb: {  	[smem:$0x3FB1] =	sst s3  }
0xc: {  	[smem:$0x3FB2] =	sst s4  }
0xd: {  	[smem:$0x3FB3] =	sst s5  }
0xe: {  	[smem:$0x3FB4] =	sst s6  }
0xf: {  	[smem:$0x3FB5] =	sst s7  }
0x10: {  	[smem:$0x3FB6] =	sst s8  }
0x11: {  	[smem:$0x3FB7] =	sst s9;
	s0 =	simm.s32 @!p0 $0x0  }
0x12: {  	s1 =	sld [smem:$0x3F9D];
	s0 =	simm.s32 @p0 $0x1  }
0x13: {  	[smem:$0x3FB8] =	sst s0;
	s0 =	simm.s32 @!p1 $0x0  }
0x14: {  	s2 =	sld [smem:$0x3F9C];
	s0 =	simm.s32 @p1 $0x1  }
0x15: {  	[smem:$0x3FB9] =	sst s0;
	s0 =	simm.s32 @!p2 $0x0  }
0x16: {  	s3 =	sld [smem:$0x3FDB];
	s0 =	simm.s32 @p2 $0x1  }
0x17: {  	s4 =	simm.s32 $0x1BF5;
	[smem:$0x3FBB] =	sst s0  }
0x18: {  	s0 =	sld [smem:$0x3F9E];
	_ =	swait.ge [sflag:s4], $0x0  }
0x19: {  	s7 =	sld [smem:$0x3F9F]  }
0x1a: {  	s8 =	sadd.s32 $0xFFFFE003, lr  }
0x1b: {  	s9 =	sadd.s32 $0xFFFFFEF7, lr;
	s5 =	simm.s32 $0xFFFFFFFF;
	p2 =	slt.u32 s8, $0xFFFFF086  }
0x1c: {  	p1 =	slt.u32 s9, $0xF7A;
	s5 =	simm.s32 @!p2 $0x0  }
0x1d: {  	s5 =	simm.s32 @p1 $0x1;
	p0 =	seq.s32 s7, s2  }
0x1e: {  	s7 =	smul.u32 @!p0 $0xF7A, s2;
	p2 =	seq.s32 @!p0 s5, $0x0  }
0x1f: {  	s9 =	smul.u32 $0xF7A, s1;
	s8 =	simm.s32 @!p0 $0x1BF5;
	p2 =	por !p2, p0  }
0x20: {  	[sflag:s8] =	ssyncset.s32 @!p0 $0xFFFFF086;
	s6 =	sadd.s32 @!p0 s3, s7;
	s7 =	simm.s32 @!p0 $0x108  }
0x21: {  	s3 =	sadd.s32 s3, s9;
	s6 =	sadd.s32 @!p0 $0x88, s6;
	s7 =	simm.s32 @p2 $0x1082  }
0x22: {  	[simem:s7], [sflag:s8] =	dma.local @!p0 [hbm:s6], $0xF7A  }
0x23: {  	s9 =	sor.u32 $0xD0000000, s2;
	s6 =	simm.s32 $0x108;
	_ =	swait.ge @!p0 [sflag:s8], $0x0  }
0x24: {  	s3 =	sadd.s32 $0x88, s3;
	s6 =	simm.s32 @!p1 $0x1082;
	[sflag:s4] =	ssyncset.s32 $0xFFFFF086  }
0x25: {  	[simem:s6], [sflag:s4] =	dma.local [hbm:s3], $0xF7A  }
0x26: {  	[smem:$0x3F9F] =	sst s1;
	(tag) =	ssettag s2;
	_ =	strace s9  }
0x27: {  	s1 =	sld [smem:$0x3FAF]  }
0x28: {  	s2 =	sld [smem:$0x3FB0]  }
0x29: {  	s4 =	sld [smem:$0x3FB2]  }
0x2a: {  	p0 =	seq.s32 s5, $0x0;
	s5 =	sld [smem:$0x3FB3]  }
0x2b: {  	s6 =	sld [smem:$0x3FB4]  }
0x2c: {  	s7 =	sld [smem:$0x3FB5]  }
0x2d: {  	s3 =	simm.s32 $0x108;
	s8 =	sld [smem:$0x3FB6]  }
0x2e: {  	s3 =	simm.s32 @!p0 $0x1082;
	s9 =	sld [smem:$0x3FB7]  }
0x2f: {  	lr =	sadd.s32 s0, s3;
	s0 =	sld [smem:$0x3FAE]  }
0x30: {  	s3 =	sld [smem:$0x3FB1]  }
0x31: {  	[smem:$0x3FBA] =	sst s10  }
0x32: {  	s10 =	sld [smem:$0x3FB8];
	_ =	sdelay $0x3  }
0x33: {  	p0 =	seq.s32 s10, $0x1;
	s10 =	sld [smem:$0x3FBA];
	_ =	sdelay $0x3  }
0x34: {  	[smem:$0x3FBA] =	sst s10  }
0x35: {  	s10 =	sld [smem:$0x3FB9];
	_ =	sdelay $0x3  }
0x36: {  	p1 =	seq.s32 s10, $0x1;
	s10 =	sld [smem:$0x3FBA];
	_ =	sdelay $0x3  }
0x37: {  	[smem:$0x3FBA] =	sst s10  }
0x38: {  	s10 =	sld [smem:$0x3FBB]  }
0x39: {  	_ = 	snop;
	(pc) =	sbr.ind lr, $3  }
0x3a: {  	_ = 	snop  }
0x3b: {  	_ = 	snop  }
0x3c: {  	p2 =	seq.s32 s10, $0x1;
	s10 =	sld [smem:$0x3FBA]  }
0x3d: {  	_ =	shalt  }
0x3e: {  	_ =	shalt  }
0x3f: {  	_ =	shalt  }
0x40: {  	_ =	shalt  }
0x41: {  	_ =	shalt  }
0x42: {  	_ =	shalt  }
0x43: {  	_ =	shalt  }
0x44: {  	_ =	shalt  }
0x45: {  	_ =	shalt  }
0x46: {  	_ =	shalt  }
0x47: {  	_ =	shalt  }
0x48: {  	_ =	shalt  }
0x49: {  	_ =	shalt  }
0x4a: {  	_ =	shalt  }
0x4b: {  	_ =	shalt  }
0x4c: {  	_ =	shalt  }
0x4d: {  	_ =	shalt  }
0x4e: {  	_ =	shalt  }
0x4f: {  	_ =	shalt  }
0x50: {  	_ =	shalt  }
0x51: {  	_ =	shalt  }
0x52: {  	_ =	shalt  }
0x53: {  	_ =	shalt  }
0x54: {  	_ =	shalt  }
0x55: {  	_ =	shalt  }
0x56: {  	_ =	shalt  }
0x57: {  	_ =	shalt  }
0x58: {  	_ =	shalt  }
0x59: {  	_ =	shalt  }
0x5a: {  	_ =	shalt  }
0x5b: {  	_ =	shalt  }
0x5c: {  	_ =	shalt  }
0x5d: {  	_ =	shalt  }
0x5e: {  	_ =	shalt  }
0x5f: {  	_ =	shalt  }
0x60: {  	_ =	shalt  }
0x61: {  	_ =	shalt  }
0x62: {  	_ =	shalt  }
0x63: {  	_ =	shalt  }
0x64: {  	_ =	shalt  }
0x65: {  	_ =	shalt  }
0x66: {  	_ =	shalt  }
0x67: {  	_ =	shalt  }
0x68: {  	_ =	shalt  }
0x69: {  	_ =	shalt  }
0x6a: {  	_ =	shalt  }
0x6b: {  	_ =	shalt  }
0x6c: {  	_ =	shalt  }
0x6d: {  	_ =	shalt  }
0x6e: {  	_ =	shalt  }
0x6f: {  	_ =	shalt  }
0x70: {  	_ =	shalt  }
0x71: {  	_ =	shalt  }
0x72: {  	_ =	shalt  }
0x73: {  	_ =	shalt  }
0x74: {  	_ =	shalt  }
0x75: {  	_ =	shalt  }
0x76: {  	_ =	shalt  }
0x77: {  	_ =	shalt  }
0x78: {  	_ =	shalt  }
0x79: {  	_ =	shalt  }
0x7a: {  	_ =	shalt  }
0x7b: {  	_ =	shalt  }
0x7c: {  	_ =	shalt  }
0x7d: {  	_ =	shalt  }
0x7e: {  	_ =	shalt  }
0x7f: {  	_ =	shalt  }
0x80: {  	_ =	shalt  }
0x81: {  	_ =	shalt  }
0x82: {  	_ =	shalt  }
0x83: {  	_ =	shalt  }
0x84: {  	_ =	shalt  }
0x85: {  	_ =	shalt  }
0x86: {  	_ =	shalt  }
0x87: {  	_ =	shalt  }
.Lfunc_end0:
.L_simem_size_0:
called_computation.1_lowered:
.L_overlay_start_0:
0x88: {  	s2 =	sld [smem:$0x3FD9]  }
0x89: {  	s3 =	sld [smem:$0x3FFE];
	_ =	sdelay $0x1  }
0x8a: {  	s1 =	srdreg.scid  }
0x8b: {  	s0 =	sand.u32 $0x1, s1  }
0x8c: {  	s16 =	sshll.u32 s0, $0xA;
	s2 =	sadd.s32 s3, s2  }
0x8d: {  	s2 =	sadd.s32 s2, s16  }
0x8e: {  	[smem:$0x3FC6] =	sst s2  }
0x8f: {  	_ = 	snop  }
0x90: {  	(tm) =	ssettm $0x1  }
0x91: {  	s17 =	sld [smem:$0x3FFB];
	_ =	sdelay $0x3  }
0x92: {  	_ =	strace s17  }
0x93: {  	s2 =	sld [smem:$0x3FFC];
	_ =	sdelay $0x3  }
0x94: {  	_ =	strace s2  }
0x95: {  	s2 =	sld [smem:$0x3FFD];
	_ =	sdelay $0x3  }
0x96: {  	_ =	strace s2  }
0x97: {  	_ =	strace $0x8FFFFFFF  }
0x98: {  	s18 =	sld [smem:$0x3FDB];
	_ =	sdelay $0x1  }
0x99: {  	s19 =	simm.s32 $_scs_section_size  }
0x9a: {  	s4 =	simm.s32 $_size__tile_overlayer_lowered;
	s5 =	simm.s32 $_tile_overlayer_lowered  }
0x9b: {  	s22 =	simm.s32 $0x1BFF;
	s21 =	sshll.u32 s5, $0x1;
	s2 =	sadd.s32 s19, s18  }
0x9c: {  	s6 =	simm.s32 $0x0;
	s20 =	sshll.u32 s4, $0x1;
	s4 =	sadd.s32 s21, s2  }
0x9d: {  	[timem:s6], [sflag:s22] =	dma.local [hbm:s4], s20  }
0x9e: {  	_ =	swait.ge [sflag:s22], s20  }
0x9f: {  	s3 =	ssub.s32 $0x0, s20;
	[sflag:s22] =	ssyncset.done $0x0  }
0xa0: {  	[sflag:s22] =	ssyncadd.s32 s3;
	_ =	sdelay $0x1  }
0xa1: {  	s23 =	simm.s32 $0x1B8B  }
0xa2: {  	_ =	swait.ge [sflag:s23], $0x1  }
0xa3: {  	[sflag:s23] =	ssyncset.done $0x0  }
0xa4: {  	s25 =	simm.s32 $0x1B8E;
	s24 =	sld [smem:$0x3FFE];
	[sflag:s23] =	ssyncadd.s32 $0xFFFFFFFF  }
0xa5: {  	s26 =	simm.s32 $execute0_lowered;
	[smem:$0x3FD2] =	sst s25  }
0xa6: {  	s4 =	sshll.u32 s26, $0x1;
	_ =	strace $0x80000046;
	[dreg:$0x1] =	wrdreg $0xFFFFFFFF  }
0xa7: {  	s28 =	simm.s32 $_size_execute0_lowered;
	s2 =	sadd.s32 s2, s4;
	[dreg:$0x0] =	wrdreg $0x0  }
0xa8: {  	s4 =	sshll.u32 s28, $0x1;
	[dreg:$0x2] =	wrdreg s2  }
0xa9: {  	[dreg:$0x3] =	wrdreg s4  }
0xaa: {  	[dreg:$0x4] =	wrdreg $0xC0  }
0xab: {  	_ =	task [dreg:s6], $0x5FFFF  }
0xac: {  	[dreg:$0x1] =	wrdreg $0xFFFFFFFF  }
0xad: {  	[dreg:$0x0] =	wrdreg $0x60  }
0xae: {  	[dreg:$0x2] =	wrdreg s24  }
0xaf: {  	[dreg:$0x3] =	wrdreg $0xA  }
0xb0: {  	_ =	task.clear_ibuf [dreg:s6], $0x4FFFF;
	_ =	strace $0x90000046  }
0xb1: {  	s29 =	simm.s32 $0xA;
	_ =	strace $0x80000048  }
0xb2: {  	_ =	swait.ge [sflag:s29], $0x1  }
0xb3: {  	[sflag:s29] =	ssyncadd.s32 $0xFFFFFFFF  }
0xb4: {  	_ =	strace $0x90000048  }
0xb5: {  	_ =	sfence  }
0xb6: {  	s30 =	sld [smem:$0x0];
	_ =	sdelay $0x2  }
0xb7: {  	s31 =	sshll.u32 s1, $0xD;
	s1 =	sshrl.u32 s1, $0x2  }
0xb8: {  	s3 =	sand.u32 $0x4000, s31;
	s1 =	sadd.s32 s1, s30  }
0xb9: {  	s0 =	sor.u32 s3, s0;
	s1 =	sshll.u32 s1, $0x11  }
0xba: {  	s0 =	sor.u32 s1, s0  }
0xbb: {  	s0 =	sadd.s32 $0x8F2B, s0  }
0xbc: {  	[sflag:s0] =	ssyncadd.remote.s32 $0x1  }
0xbd: {  	_ =	sfence.sel $0xFFFF  }
0xbe: {  	[dreg:$0x0] =	wrdreg $0xFFFFFFFF;
	(pc) =	sbr.abs _section_cstart, $3  }
0xbf: {  	[dreg:$0x1] =	wrdreg $0xFFFFFFFF  }
0xc0: {  	_ =	task.clear_ibuf [dreg:s6], $0x2FFFF;
	_ =	strace $0x9FFFFFFF  }
0xc1: {  	(tm) =	ssettm $0x7FFFFFFF  }
tec
execute0_lowered:
.L_overlay_start_1:
0x0: {  	(tag) =	ssettag $0x1  }
0x1: {  	s3 =	rddreg [dreg:$0x0]  }
0x2: {  	s0 =	rddreg [dreg:$0x1];
	s4 =	srdreg.scid  }
0x3: {  	s2 =	simm.s32 $0x0;
	s1 =	stileid.u32;
	s10 =	simm.s32 $0x8000  }
0x4: {  	s11 =	simm.s32 $0x8100;
	s12 =	simm.s32 $0x8200;
	s4 =	sand.u32 $0x1, s4  }
0x5: {  	s13 =	simm.s32 $0x8300;
	s5 =	sshll.u32 s1, $0x9;
	s6 =	sshll.u32 s4, $0x8  }
0x6: {  	s14 =	simm.s32 $0x0;
	[smem:$0x7FF] =	sst s2;
	s5 =	sor.u32 s6, s5  }
0x7: {  	_ =	strace $0x80000047;
	s4 =	ssub.s32 $0x2, s4;
	s6 =	sshll.u32 s5, $0x4  }
0x8: {  	s7 =	sshrl.u32 s4, $0x1;
	s5 =	sshrl.u32 s5, $0x3;
	s6 =	sadd.s32 s6, s3  }
0x9: {  	v0 =	vlaneseq.u32;
	v1 =	vimm.s32 $0x0;
	v2 =	vimm.s32 $0x10;
	s9 =	ssub.s32 s4, s7;
	s8 =	sadd.s32 s5, s3;
	s3 =	sadd.s32 $0x1A00, s6  }
0xa: {  	v3 =	vimm.s32 $0x11;
	v4 =	vimm.s32 $0x20;
	v5 =	vimm.s32 $0x21;
	s4 =	sadd.s32 $0x21A00, s8;
	s5 =	sadd.s32 $0x21E00, s8;
	s6 =	sadd.s32 $0x22200, s8  }
0xb: {  	v6 =	vimm.s32 $0x30;
	v7 =	vimm.s32 $0x31;
	v0 =	vmul.u32 $0x80, v0;
	s7 =	sadd.s32 $0x22600, s8;
	s8 =	smax.u32 s9, $0x1;
	s9 =	simm.s32 $0x1  }
.LBB2_1:
0xc: {  	[tilespmem:s2], [sflag:$0x1] =	stream.linear.gather [hbm4b:s3+s2], $0x8000, $0x38;
	[tilespmem:$0x8400] =	vst v63  }
0xd: {  	s15 =	simm.s32 $0x8300;
	_ =	swait.ge [sflag:s9], $0x8000  }
0xe: {  	s16 =	simm.s32 $0x8200;
	s17 =	simm.s32 $0x8100;
	[sflag:s9] =	ssyncset.done $0x0  }
0xf: {  	s18 =	simm.s32 $0x8000;
	s19 =	simm.s32 $0x0;
	[sflag:s9] =	ssyncadd.s32 $0xFFFF8000  }
.LBB2_2:
0x10: {  	v8 =	vmov s19  }
0x11: {  	v8 =	vshll.u32 v8, $0x7  }
0x12: {  	v8 =	vor.u32 v0, v8  }
0x13: {  	v9 =	vor.u32 $0x1, v8  }
0x14: {  	v11 =	vor.u32 $0x2, v8  }
0x15: {  	v12 =	vor.u32 $0x3, v8;
	v13 =	vor.u32 $0x4, v8;
	v16 =	vor.u32 $0x5, v8  }
0x16: {  	v63 =	vor.u32 $0x6, v8;
	v21 =	vor.u32 $0x7, v8;
	v23 =	vor.u32 $0x8, v8  }
0x17: {  	v25 =	vor.u32 $0x9, v8;
	v27 =	vor.u32 $0xA, v8;
	v29 =	vor.u32 $0xB, v8;
	v10 =	vld.idx.msk [tilespmem:v8+s2+$0x0], $0xffff  }
0x18: {  	v32 =	vor.u32 $0xC, v8;
	v33 =	vor.u32 $0xD, v8;
	v34 =	vor.u32 $0xE, v8;
	v9 =	vld.idx.msk [tilespmem:v9+s2+$0x0], $0xffff  }
0x19: {  	v35 =	vor.u32 $0xF, v8;
	v36 =	vor.u32 $0x11, v8;
	v18 =	vor.u32 $0x10, v8  }
0x1a: {  	v40 =	vor.u32 $0x12, v8;
	v43 =	vor.u32 $0x13, v8;
	v45 =	vor.u32 $0x14, v8;
	v11 =	vld.idx.msk [tilespmem:v11+s2+$0x0], $0xffff  }
0x1b: {  	v47 =	vor.u32 $0x16, v8;
	v51 =	vor.u32 $0x17, v8;
	v53 =	vor.u32 $0x18, v8;
	v12 =	vld.idx.msk [tilespmem:v12+s2+$0x0], $0xffff  }
0x1c: {  	v57 =	vor.u32 $0x19, v8;
	v59 =	vor.u32 $0x1A, v8;
	v61 =	vor.u32 $0x1B, v8;
	v24 =	vld.idx.msk [tilespmem:v21+s2+$0x0], $0xffff  }
0x1d: {  	v28 =	vld.idx.msk [tilespmem:v25+s2+$0x0], $0xffff;
	v21 =	vor.u32 $0x15, v8;
	vm0 =	vgt.f32 v9, v10;
	vm2 =	vgt.f32 v9, $-1.000000000e+00  }
0x1e: {  	v39 =	vld.idx.msk [tilespmem:v35+s2+$0x0], $0xffff;
	v25 =	vor.u32 $0x1D, v8;
	vm1 =	vmneg vm0;
	v14 =	vnsel vm2, $0xBF800000, v9  }
0x1f: {  	v41 =	vld.idx.msk [tilespmem:v36+s2+$0x0], $0xffff;
	v35 =	vor.u32 $0x22, v8;
	v36 =	vor.u32 $0x23, v8;
	v14 =	vsel vm1, v14, v10  }
0x20: {  	vm3 =	vmand vm1, vm2;
	v9 =	vsel vm1, v10, v9;
	vm10 =	vgt.f32 v11, v14  }
0x21: {  	v13 =	vld.idx.msk [tilespmem:v13+s2+$0x0], $0xffff;
	v15 =	vsel vm3, $0x1, v1;
	vm1 =	vgt.f32 v11, v9;
	v14 =	vsel vm10, v11, v14  }
0x22: {  	v17 =	vsel vm0, $0x1, v1;
	v62 =	vsel vm10, $0x2, v15;
	v14 =	vsel vm1, v9, v14  }
0x23: {  	v10 =	vsel vm1, v17, v62;
	v9 =	vsel vm1, v11, v9;
	vm11 =	vgt.f32 v12, v14  }
0x24: {  	v20 =	vld.idx.msk [tilespmem:v16+s2+$0x0], $0xffff;
	v17 =	vsel vm1, $0x2, v17;
	vm1 =	vgt.f32 v12, v9;
	v19 =	vsel vm11, v12, v14  }
0x25: {  	v52 =	vld.idx.msk [tilespmem:v47+s2+$0x0], $0xffff;
	v47 =	vor.u32 $0x28, v8;
	v10 =	vsel vm11, $0x3, v10;
	v11 =	vsel vm1, v9, v19  }
0x26: {  	v22 =	vld.idx.msk [tilespmem:v63+s2+$0x0], $0xffff;
	v10 =	vsel vm1, v17, v10;
	v9 =	vsel vm1, v12, v9;
	vm12 =	vgt.f32 v13, v11  }
0x27: {  	v50 =	vld.idx.msk [tilespmem:v21+s2+$0x0], $0xffff;
	v17 =	vsel vm1, $0x3, v17;
	vm1 =	vgt.f32 v13, v9;
	v11 =	vsel vm12, v13, v11  }
0x28: {  	v21 =	vld.idx.msk [tilespmem:v61+s2+$0x0], $0xffff;
	v61 =	vor.u32 $0x34, v8;
	v10 =	vsel vm12, $0x4, v10;
	v11 =	vsel vm1, v9, v11  }
0x29: {  	v10 =	vsel vm1, v17, v10;
	v9 =	vsel vm1, v13, v9;
	vm13 =	vgt.f32 v20, v11  }
0x2a: {  	v17 =	vsel vm1, $0x4, v17;
	vm1 =	vgt.f32 v20, v9;
	v11 =	vsel vm13, v20, v11  }
0x2b: {  	v12 =	vld.idx.msk [tilespmem:v33+s2+$0x0], $0xffff;
	v33 =	vor.u32 $0x21, v8;
	v10 =	vsel vm13, $0x5, v10;
	v11 =	vsel vm1, v9, v11  }
0x2c: {  	v10 =	vsel vm1, v17, v10;
	v9 =	vsel vm1, v20, v9;
	vm14 =	vgt.f32 v22, v11  }
0x2d: {  	v26 =	vld.idx.msk [tilespmem:v23+s2+$0x0], $0xffff;
	v17 =	vsel vm1, $0x5, v17;
	vm1 =	vgt.f32 v22, v9;
	v11 =	vsel vm14, v22, v11  }
0x2e: {  	v13 =	vld.idx.msk [tilespmem:v34+s2+$0x0], $0xffff;
	v34 =	vor.u32 $0x20, v8;
	v10 =	vsel vm14, $0x6, v10;
	v11 =	vsel vm1, v9, v11  }
0x2f: {  	v10 =	vsel vm1, v17, v10;
	v9 =	vsel vm1, v22, v9;
	vm15 =	vgt.f32 v24, v11  }
0x30: {  	v17 =	vsel vm1, $0x6, v17;
	vm1 =	vgt.f32 v24, v9;
	v10 =	vsel vm15, $0x7, v10  }
0x31: {  	v11 =	vsel vm15, v24, v11;
	vm15 =	vgt.f32 v41, $-1.000000000e+00;
	v10 =	vsel vm1, v17, v10  }
0x32: {  	v11 =	vsel vm1, v9, v11;
	v17 =	vsel vm1, $0x7, v17;
	v9 =	vsel vm1, v24, v9  }
0x33: {  	vm2 =	vmneg vm15;
	v24 =	vor.u32 $0x1C, v8;
	vm4 =	vgt.f32 v26, v11  }
0x34: {  	v30 =	vld.idx.msk [tilespmem:v27+s2+$0x0], $0xffff;
	vm1 =	vgt.f32 v26, v9;
	v19 =	vsel vm2, $0xBF800000, v41;
	v11 =	vsel vm4, v26, v11  }
0x35: {  	v10 =	vsel vm4, $0x8, v10;
	v31 =	vsel vm1, $0x8, v17;
	v11 =	vsel vm1, v9, v11  }
0x36: {  	v42 =	vld.idx.msk [tilespmem:v18+s2+$0x0], $0xffff;
	v10 =	vsel vm1, v17, v10;
	v9 =	vsel vm1, v26, v9;
	vm5 =	vgt.f32 v28, v11  }
0x37: {  	vm1 =	vgt.f32 v28, v9;
	v10 =	vsel vm5, $0x9, v10;
	v11 =	vsel vm5, v28, v11  }
0x38: {  	v16 =	vld.idx.msk [tilespmem:v29+s2+$0x0], $0xffff;
	v15 =	vsel vm1, $0x9, v31;
	v10 =	vsel vm1, v31, v10;
	v11 =	vsel vm1, v9, v11  }
0x39: {  	v9 =	vsel vm1, v28, v9;
	v28 =	vor.u32 $0x1E, v8;
	vm6 =	vgt.f32 v30, v11  }
0x3a: {  	v31 =	vld.idx.msk [tilespmem:v25+s2+$0x0], $0xffff;
	v25 =	vor.u32 $0x25, v8;
	vm1 =	vgt.f32 v30, v9;
	v10 =	vsel vm6, $0xA, v10  }
0x3b: {  	v14 =	vld.idx.msk [tilespmem:v32+s2+$0x0], $0xffff;
	v11 =	vsel vm6, v30, v11;
	vm6 =	vgt.f32 v41, v42;
	v10 =	vsel vm1, v15, v10  }
0x3c: {  	v11 =	vsel vm1, v9, v11;
	v15 =	vsel vm1, $0xA, v15;
	v9 =	vsel vm1, v30, v9  }
0x3d: {  	v19 =	vsel vm6, v42, v19;
	v22 =	vsel vm6, $0x11, v2;
	vm7 =	vgt.f32 v16, v11  }
0x3e: {  	vm1 =	vgt.f32 v16, v9;
	v10 =	vsel vm7, $0xB, v10;
	v11 =	vsel vm7, v16, v11  }
0x3f: {  	vm7 =	vmor vm6, vm2;
	v10 =	vsel vm1, v15, v10;
	v11 =	vsel vm1, v9, v11  }
0x40: {  	v15 =	vsel vm1, $0xB, v15;
	v9 =	vsel vm1, v16, v9;
	v16 =	vld.idx.msk [tilespmem:v40+s2+$0x0], $0xffff;
	vm9 =	vgt.f32 v14, v11  }
0x41: {  	v20 =	vsel vm7, $0x10, v3;
	vm8 =	vgt.f32 v14, v9;
	v11 =	vsel vm9, v14, v11  }
0x42: {  	v10 =	vsel vm9, $0xC, v10;
	v37 =	vsel vm8, $0xC, v15;
	v11 =	vsel vm8, v9, v11  }
0x43: {  	v10 =	vsel vm8, v15, v10;
	v9 =	vsel vm8, v14, v9;
	vm11 =	vgt.f32 v12, v11  }
0x44: {  	vm10 =	vgt.f32 v12, v9;
	v10 =	vsel vm11, $0xD, v10;
	v38 =	vsel vm11, v12, v11  }
0x45: {  	v14 =	vsel vm10, $0xD, v37;
	vm8 =	vgt.f32 v16, v19;
	v10 =	vsel vm10, v37, v10  }
0x46: {  	v15 =	vsel vm10, v9, v38;
	v9 =	vsel vm10, v12, v9;
	v12 =	vsel vm6, v41, v42  }
0x47: {  	v46 =	vsel vm8, $0x12, v20;
	v19 =	vsel vm8, v16, v19;
	v37 =	vor.u32 $0x24, v8  }
0x48: {  	v38 =	vor.u32 $0x1F, v8;
	v41 =	vor.u32 $0x26, v8;
	vm13 =	vgt.f32 v13, v15  }
0x49: {  	v18 =	vld.idx.msk [tilespmem:v43+s2+$0x0], $0xffff;
	vm12 =	vgt.f32 v13, v9;
	vm9 =	vgt.f32 v16, v12;
	v15 =	vsel vm13, v13, v15  }
0x4a: {  	v10 =	vsel vm13, $0xE, v10;
	v13 =	vsel vm12, v13, v9;
	v15 =	vsel vm12, v9, v15  }
0x4b: {  	v17 =	vsel vm9, v22, v46;
	v10 =	vsel vm12, v14, v10;
	vm14 =	vgt.f32 v39, v15  }
0x4c: {  	v19 =	vsel vm9, v12, v19;
	v22 =	vsel vm9, $0x12, v22;
	v44 =	vsel vm14, $0xF, v10;
	v10 =	vld.idx.msk [tilespmem:v45+s2+$0x0], $0xffff  }
0x4d: {  	v12 =	vsel vm9, v16, v12;
	v46 =	vor.u32 $0x27, v8;
	v14 =	vsel vm12, $0xE, v14  }
0x4e: {  	vm0 =	vgt.f32 v39, v13;
	vm10 =	vgt.f32 v18, v19;
	vm2 =	vgt.f32 v18, v12  }
0x4f: {  	v48 =	vsel vm10, $0x13, v17;
	v49 =	vsel vm10, v18, v19;
	v15 =	vsel vm14, v39, v15  }
0x50: {  	v16 =	vsel vm2, v22, v48;
	v17 =	vsel vm2, v12, v49;
	v22 =	vsel vm2, $0x13, v22  }
0x51: {  	v12 =	vsel vm2, v18, v12;
	v48 =	vor.u32 $0x29, v8;
	vm11 =	vgt.f32 v10, v17  }
0x52: {  	v9 =	vsel vm0, v14, v44;
	vm2 =	vgt.f32 v10, v12;
	v17 =	vsel vm11, v10, v17  }
0x53: {  	v16 =	vsel vm11, $0x14, v16;
	v10 =	vsel vm2, v10, v12;
	v17 =	vsel vm2, v12, v17  }
0x54: {  	v16 =	vsel vm2, v22, v16;
	v22 =	vsel vm2, $0x14, v22;
	vm12 =	vgt.f32 v50, v17  }
0x55: {  	v56 =	vld.idx.msk [tilespmem:v51+s2+$0x0], $0xffff;
	vm2 =	vgt.f32 v50, v10;
	v54 =	vsel vm12, $0x15, v16;
	v55 =	vsel vm12, v50, v17  }
0x56: {  	v12 =	vsel vm2, v22, v54;
	v16 =	vsel vm2, v10, v55;
	v22 =	vsel vm2, $0x15, v22  }
0x57: {  	v10 =	vsel vm2, v50, v10;
	v55 =	vor.u32 $0x30, v8;
	vm13 =	vgt.f32 v52, v16  }
0x58: {  	v58 =	vld.idx.msk [tilespmem:v53+s2+$0x0], $0xffff;
	vm2 =	vgt.f32 v52, v10;
	v12 =	vsel vm13, $0x16, v12;
	v16 =	vsel vm13, v52, v16  }
0x59: {  	v12 =	vsel vm2, v22, v12;
	v16 =	vsel vm2, v10, v16;
	v22 =	vsel vm2, $0x16, v22  }
0x5a: {  	v10 =	vsel vm2, v52, v10;
	v52 =	vor.u32 $0x2A, v8;
	vm14 =	vgt.f32 v56, v16  }
0x5b: {  	v60 =	vld.idx.msk [tilespmem:v57+s2+$0x0], $0xffff;
	vm2 =	vgt.f32 v56, v10;
	v12 =	vsel vm14, $0x17, v12;
	v16 =	vsel vm14, v56, v16  }
0x5c: {  	v12 =	vsel vm2, v22, v12;
	v16 =	vsel vm2, v10, v16;
	v22 =	vsel vm2, $0x17, v22  }
0x5d: {  	v10 =	vsel vm2, v56, v10;
	v56 =	vor.u32 $0x32, v8;
	vm15 =	vgt.f32 v58, v16  }
0x5e: {  	vm2 =	vgt.f32 v58, v10;
	v12 =	vsel vm15, $0x18, v12;
	v16 =	vsel vm15, v58, v16  }
0x5f: {  	v62 =	vld.idx.msk [tilespmem:v59+s2+$0x0], $0xffff;
	v63 =	vsel vm2, $0x18, v22;
	v12 =	vsel vm2, v22, v12;
	v16 =	vsel vm2, v10, v16  }
0x60: {  	v10 =	vsel vm2, v58, v10;
	v58 =	vor.u32 $0x2B, v8;
	vm4 =	vgt.f32 v60, v16  }
0x61: {  	v22 =	vld.idx.msk [tilespmem:v28+s2+$0x0], $0xffff;
	v28 =	vor.u32 $0x33, v8;
	vm2 =	vgt.f32 v60, v10;
	v12 =	vsel vm4, $0x19, v12  }
0x62: {  	v16 =	vsel vm4, v60, v16;
	v20 =	vsel vm2, $0x19, v63;
	v12 =	vsel vm2, v63, v12  }
0x63: {  	v16 =	vsel vm2, v10, v16;
	v10 =	vsel vm2, v60, v10;
	v63 =	vor.u32 $0x36, v8  }
0x64: {  	v60 =	vld.idx.msk [tilespmem:v56+s2+$0x0], $0xffff;
	v56 =	vor.u32 $0x3E, v8;
	vm5 =	vgt.f32 v62, v16;
	vm2 =	vgt.f32 v62, v10  }
0x65: {  	v19 =	vld.idx.msk [tilespmem:v24+s2+$0x0], $0xffff;
	v26 =	vsel vm5, $0x1A, v12;
	v16 =	vsel vm5, v62, v16;
	v12 =	vsel vm0, v13, v15  }
0x66: {  	v17 =	vsel vm2, v62, v10;
	v13 =	vsel vm0, v39, v13;
	v16 =	vsel vm2, v10, v16  }
0x67: {  	v27 =	vsel vm2, v20, v26;
	v20 =	vsel vm2, $0x1A, v20;
	vm6 =	vgt.f32 v21, v16  }
0x68: {  	vm7 =	vgt.f32 v21, v17;
	v15 =	vsel vm6, $0x1B, v27;
	v30 =	vsel vm6, v21, v16  }
0x69: {  	v27 =	vor.u32 $0x31, v8;
	v29 =	vsel vm7, v20, v15;
	v15 =	vsel vm7, v17, v30  }
0x6a: {  	v10 =	vsel vm0, $0xF, v14;
	v17 =	vsel vm7, v21, v17;
	vm8 =	vgt.f32 v19, v15  }
0x6b: {  	v32 =	vsel vm7, $0x1B, v20;
	v20 =	vld.idx.msk [tilespmem:v33+s2+$0x0], $0xffff;
	vm2 =	vgt.f32 v19, v17;
	v14 =	vsel vm8, $0x1C, v29  }
0x6c: {  	v21 =	vld.idx.msk [tilespmem:v34+s2+$0x0], $0xffff;
	v15 =	vsel vm8, v19, v15;
	v18 =	vsel vm2, $0x1C, v32;
	v29 =	vor.u32 $0x2C, v8  }
0x6d: {  	v14 =	vsel vm2, v32, v14;
	v15 =	vsel vm2, v17, v15;
	v17 =	vsel vm2, v19, v17;
	v19 =	vld.idx.msk [tilespmem:v35+s2+$0x0], $0xffff  }
0x6e: {  	v35 =	vor.u32 $0x37, v8;
	v32 =	vimm.s32 $0x0;
	vm9 =	vgt.f32 v31, v15;
	v57 =	vld.idx.msk [tilespmem:v27+s2+$0x0], $0xffff  }
0x6f: {  	vm2 =	vgt.f32 v31, v17;
	v27 =	vld.idx.msk [tilespmem:v58+s2+$0x0], $0xffff;
	v58 =	vimm.s32 $0x0;
	v14 =	vsel vm9, $0x1D, v14  }
0x70: {  	v15 =	vsel vm9, v31, v15;
	v16 =	vsel vm2, v31, v17;
	vm11 =	vgt.f32 v20, $-1.000000000e+00  }
0x71: {  	vm12 =	vgt.f32 v20, v21;
	v31 =	vor.u32 $0x35, v8;
	v14 =	vsel vm2, v18, v14  }
0x72: {  	v15 =	vsel vm2, v17, v15;
	v18 =	vsel vm2, $0x1D, v18;
	vm2 =	vgt.f32 v22, v16  }
0x73: {  	vm0 =	vmneg vm11;
	v17 =	vld.idx.msk [tilespmem:v36+s2+$0x0], $0xffff;
	v26 =	vsel vm12, $0x21, v4;
	v36 =	vimm.s32 $0x0  }
0x74: {  	vm10 =	vgt.f32 v22, v15;
	v11 =	vsel vm2, $0x1E, v18;
	vm13 =	vmor vm12, vm0  }
0x75: {  	v39 =	vsel vm0, $0xBF800000, v20;
	v20 =	vsel vm12, v20, v21;
	v14 =	vsel vm10, $0x1E, v14  }
0x76: {  	v15 =	vsel vm10, v22, v15;
	v24 =	vsel vm13, $0x20, v5;
	vm1 =	vgt.f32 v19, v20  }
0x77: {  	v23 =	vsel vm2, v16, v15;
	v15 =	vsel vm2, v22, v16;
	v22 =	vsel vm12, v21, v39  }
0x78: {  	v14 =	vsel vm2, v18, v14;
	v18 =	vld.idx.msk [tilespmem:v37+s2+$0x0], $0xffff;
	v37 =	vimm.s32 $0x0;
	vm14 =	vgt.f32 v19, v22  }
0x79: {  	v16 =	vld.idx.msk [tilespmem:v38+s2+$0x0], $0xffff;
	v38 =	vor.u32 $0x38, v8;
	v39 =	vimm.s32 $0x0;
	v40 =	vsel vm14, $0x22, v24  }
0x7a: {  	v22 =	vsel vm14, v19, v22;
	v19 =	vsel vm1, v19, v20;
	v24 =	vld.idx.msk [tilespmem:v41+s2+$0x0], $0xffff;
	v41 =	vor.u32 $0x39, v8  }
0x7b: {  	v21 =	vsel vm1, v26, v40;
	v22 =	vsel vm1, v20, v22;
	v26 =	vsel vm1, $0x22, v26  }
0x7c: {  	vm1 =	vgt.f32 v17, v19;
	v40 =	vld.idx.msk [tilespmem:v35+s2+$0x0], $0xffff;
	v35 =	vimm.s32 $0x0;
	vm15 =	vgt.f32 v17, v22  }
0x7d: {  	v45 =	vsel vm1, $0x23, v26;
	v42 =	vsel vm15, $0x23, v21;
	v43 =	vsel vm15, v17, v22  }
0x7e: {  	v17 =	vsel vm1, v17, v19;
	vm6 =	vgt.f32 v16, v23;
	v22 =	vld.idx.msk [tilespmem:v48+s2+$0x0], $0xffff;
	v48 =	vimm.s32 $0x0  }
0x7f: {  	v44 =	vld.idx.msk [tilespmem:v25+s2+$0x0], $0xffff;
	v20 =	vsel vm1, v26, v42;
	v21 =	vsel vm1, v19, v43;
	vm1 =	vgt.f32 v18, v17  }
0x80: {  	v19 =	vld.idx.msk [tilespmem:v46+s2+$0x0], $0xffff;
	v14 =	vsel vm6, $0x1F, v14;
	v42 =	vor.u32 $0x2D, v8;
	v43 =	vor.u32 $0x2E, v8  }
0x81: {  	v26 =	vld.idx.msk [tilespmem:v63+s2+$0x0], $0xffff;
	v46 =	vor.u32 $0x3B, v8;
	v63 =	vimm.s32 $0x0;
	vm4 =	vgt.f32 v18, v21  }
0x82: {  	v25 =	vsel vm1, $0x24, v45;
	v20 =	vsel vm4, $0x24, v20;
	v21 =	vsel vm4, v18, v21  }
0x83: {  	v20 =	vsel vm1, v45, v20;
	v21 =	vsel vm1, v17, v21;
	v17 =	vsel vm1, v18, v17  }
0x84: {  	v18 =	vsel vm6, v16, v23;
	vm6 =	vgt.f32 v57, $-1.000000000e+00;
	vm5 =	vgt.f32 v44, v21  }
0x85: {  	vm1 =	vgt.f32 v44, v17;
	v20 =	vsel vm5, $0x25, v20;
	v21 =	vsel vm5, v44, v21  }
0x86: {  	v20 =	vsel vm1, v25, v20;
	v21 =	vsel vm1, v17, v21;
	v25 =	vsel vm1, $0x25, v25  }
0x87: {  	v17 =	vsel vm1, v44, v17;
	v44 =	vor.u32 $0x3A, v8;
	vm7 =	vgt.f32 v24, v21  }
0x88: {  	vm8 =	vgt.f32 v24, v17;
	v20 =	vsel vm7, $0x26, v20;
	v21 =	vsel vm7, v24, v21  }
0x89: {  	v49 =	vld.idx.msk [tilespmem:v47+s2+$0x0], $0xffff;
	v51 =	vsel vm8, $0x26, v25;
	v20 =	vsel vm8, v25, v20;
	v50 =	vsel vm8, v17, v21  }
0x8a: {  	v17 =	vsel vm8, v24, v17;
	v24 =	vld.idx.msk [tilespmem:v52+s2+$0x0], $0xffff;
	vm8 =	vmneg vm6;
	v52 =	vor.u32 $0x3D, v8  }
0x8b: {  	v25 =	vld.idx.msk [tilespmem:v61+s2+$0x0], $0xffff;
	v61 =	vimm.s32 $0x0;
	vm9 =	vgt.f32 v19, v17;
	vm10 =	vgt.f32 v19, v50  }
0x8c: {  	v30 =	vsel vm8, $0xBF800000, v57;
	v20 =	vsel vm10, $0x27, v20;
	v53 =	vsel vm10, v19, v50  }
0x8d: {  	v21 =	vsel vm9, $0x27, v51;
	v50 =	vimm.s32 $0x0;
	v20 =	vsel vm9, v51, v20  }
0x8e: {  	v54 =	vsel vm9, v17, v53;
	v17 =	vsel vm9, v19, v17;
	v53 =	vimm.s32 $0x0  }
0x8f: {  	v19 =	vld.idx.msk [tilespmem:v55+s2+$0x0], $0xffff;
	v55 =	vimm.s32 $0x0;
	vm11 =	vgt.f32 v49, v54;
	vm12 =	vgt.f32 v49, v17  }
0x90: {  	v20 =	vsel vm11, $0x28, v20;
	v23 =	vsel vm11, v49, v54;
	v54 =	vimm.s32 $0x0  }
0x91: {  	v20 =	vsel vm12, v21, v20;
	v23 =	vsel vm12, v17, v23;
	v21 =	vsel vm12, $0x28, v21  }
0x92: {  	v17 =	vsel vm12, v49, v17;
	v49 =	vor.u32 $0x3C, v8;
	vm14 =	vgt.f32 v22, v23  }
0x93: {  	vm13 =	vgt.f32 v22, v17;
	v20 =	vsel vm14, $0x29, v20;
	v23 =	vsel vm14, v22, v23  }
0x94: {  	v22 =	vsel vm13, v22, v17;
	v59 =	vsel vm13, $0x29, v21;
	vm0 =	vgt.f32 v57, v19  }
0x95: {  	v20 =	vsel vm13, v21, v20;
	v23 =	vsel vm13, v17, v23;
	vm15 =	vgt.f32 v24, v22  }
0x96: {  	v30 =	vsel vm0, v19, v30;
	v19 =	vsel vm0, v57, v19;
	vm8 =	vmor vm0, vm8  }
0x97: {  	v28 =	vld.idx.msk [tilespmem:v28+s2+$0x0], $0xffff;
	v47 =	vsel vm0, $0x31, v6;
	v57 =	vor.u32 $0x2F, v8;
	v8 =	vor.u32 $0x3F, v8  }
0x98: {  	vm5 =	vgt.f32 v24, v23;
	v17 =	vsel vm15, $0x2A, v59;
	vm1 =	vgt.f32 v60, v19  }
0x99: {  	v20 =	vsel vm5, $0x2A, v20;
	v23 =	vsel vm5, v24, v23;
	vm5 =	vgt.f32 v60, v30  }
0x9a: {  	v45 =	vsel vm8, $0x30, v7;
	v21 =	vsel vm1, v60, v19;
	v62 =	vsel vm5, v60, v30  }
0x9b: {  	v23 =	vsel vm15, v22, v23;
	v22 =	vsel vm15, v24, v22;
	v24 =	vsel vm1, v19, v62  }
0x9c: {  	v29 =	vld.idx.msk [tilespmem:v29+s2+$0x0], $0xffff;
	v20 =	vsel vm15, v59, v20;
	vm3 =	vgt.f32 v28, v21;
	vm9 =	vgt.f32 v28, v24  }
0x9d: {  	v34 =	vld.idx.msk [tilespmem:v31+s2+$0x0], $0xffff;
	v60 =	vimm.s32 $0x0;
	vm7 =	vgt.f32 v27, v23;
	v33 =	vsel vm9, v28, v24  }
0x9e: {  	vm4 =	vgt.f32 v27, v22;
	v19 =	vsel vm7, $0x2B, v20;
	v20 =	vsel vm3, v21, v33  }
0x9f: {  	v23 =	vsel vm7, v27, v23;
	v21 =	vsel vm3, v28, v21;
	vm10 =	vgt.f32 v25, v20  }
0xa0: {  	v31 =	vsel vm4, $0xFFFFFFFF, v36;
	vm6 =	vgt.f32 v25, v21;
	v20 =	vsel vm10, v25, v20  }
0xa1: {  	v23 =	vsel vm4, v22, v23;
	v22 =	vsel vm4, v27, v22;
	v20 =	vsel vm6, v21, v20  }
0xa2: {  	vm2 =	vgt.f32 v29, v22;
	v21 =	vsel vm6, v25, v21;
	vm13 =	vgt.f32 v34, v20  }
0xa3: {  	vm11 =	vgt.f32 v29, v23;
	vm7 =	vgt.f32 v34, v21;
	v20 =	vsel vm13, v34, v20  }
0xa4: {  	v27 =	vsel vm2, $0xFFFFFFFF, v37;
	v23 =	vsel vm11, v29, v23;
	v20 =	vsel vm7, v21, v20  }
0xa5: {  	[tilespmem:$0x1FF50] =	vst v27;
	v23 =	vsel vm2, v22, v23;
	v21 =	vsel vm7, v34, v21;
	vm4 =	vgt.f32 v26, v20  }
0xa6: {  	v22 =	vsel vm2, v29, v22;
	v27 =	vld.idx.msk [tilespmem:v38+s2+$0x0], $0xffff;
	vm2 =	vgt.f32 v26, v21;
	v20 =	vsel vm4, v26, v20  }
0xa7: {  	[tilespmem:$0x1FF10] =	vst v31;
	v31 =	vsel vm1, $0x32, v47;
	v28 =	vsel vm11, $0xFFFFFFFF, v39;
	v20 =	vsel vm2, v21, v20  }
0xa8: {  	[tilespmem:$0x1FF30] =	vst v28;
	v21 =	vsel vm2, v26, v21;
	v26 =	vsel vm5, $0x32, v45;
	vm14 =	vgt.f32 v40, v20  }
0xa9: {  	v28 =	vld.idx.msk [tilespmem:v41+s2+$0x0], $0xffff;
	vm12 =	vgt.f32 v40, v21;
	v26 =	vsel vm1, v47, v26;
	v20 =	vsel vm14, v40, v20  }
0xaa: {  	v34 =	vimm.s32 $0x0;
	v26 =	vsel vm9, $0x33, v26;
	v20 =	vsel vm12, v21, v20  }
0xab: {  	v21 =	vsel vm12, v40, v21;
	v26 =	vsel vm3, v31, v26;
	vm5 =	vgt.f32 v27, v20  }
0xac: {  	v30 =	vld.idx.msk [tilespmem:v44+s2+$0x0], $0xffff;
	v31 =	vsel vm3, $0x33, v31;
	vm11 =	vgt.f32 v27, v21;
	v20 =	vsel vm5, v27, v20  }
0xad: {  	v26 =	vsel vm10, $0x34, v26;
	v51 =	vsel vm6, $0x34, v31;
	v20 =	vsel vm11, v21, v20  }
0xae: {  	v24 =	vld.idx.msk [tilespmem:v42+s2+$0x0], $0xffff;
	v26 =	vsel vm6, v31, v26;
	v21 =	vsel vm11, v27, v21;
	vm15 =	vgt.f32 v28, v20  }
0xaf: {  	v26 =	vsel vm13, $0x35, v26;
	vm9 =	vgt.f32 v28, v21;
	v20 =	vsel vm15, v28, v20  }
0xb0: {  	v25 =	vld.idx.msk [tilespmem:v46+s2+$0x0], $0xffff;
	v32 =	vsel vm5, $0xFFFFFFFF, v32;
	v26 =	vsel vm7, v51, v26;
	v20 =	vsel vm9, v21, v20  }
0xb1: {  	v27 =	vsel vm15, $0xFFFFFFFF, v48;
	v21 =	vsel vm9, v28, v21;
	vm5 =	vgt.f32 v30, v20  }
0xb2: {  	v26 =	vsel vm4, $0x36, v26;
	vm8 =	vgt.f32 v30, v21;
	v20 =	vsel vm5, v30, v20  }
0xb3: {  	v28 =	vsel vm5, $0xFFFFFFFF, v50;
	vm5 =	vgt.f32 v24, v23;
	v20 =	vsel vm8, v21, v20  }
0xb4: {  	[tilespmem:$0x1FF20] =	vst v28;
	v21 =	vsel vm8, v30, v21;
	v28 =	vsel vm7, $0x35, v51;
	v23 =	vsel vm5, v24, v23  }
0xb5: {  	vm13 =	vgt.f32 v25, v20;
	vm15 =	vgt.f32 v25, v21;
	v26 =	vsel vm2, v28, v26  }
0xb6: {  	v28 =	vsel vm2, $0x36, v28;
	v30 =	vsel vm13, $0xFFFFFFFF, v53;
	v20 =	vsel vm13, v25, v20  }
0xb7: {  	[tilespmem:$0x1FF00] =	vst v27;
	v27 =	vld.idx.msk [tilespmem:v49+s2+$0x0], $0xffff;
	vm13 =	vgt.f32 v24, v22;
	v26 =	vsel vm14, $0x37, v26;
	vm14 =	vgt.f32 v16, v15  }
0xb8: {  	v29 =	vld.idx.msk [tilespmem:v43+s2+$0x0], $0xffff;
	v38 =	vsel vm12, $0x37, v28;
	[tilespmem:$0x1FF40] =	vst v30;
	v30 =	vsel vm15, $0xFFFFFFFF, v54;
	v20 =	vsel vm15, v21, v20  }
0xb9: {  	v21 =	vsel vm15, v25, v21;
	v23 =	vsel vm13, v22, v23;
	v22 =	vsel vm13, v24, v22  }
0xba: {  	v18 =	vsel vm14, v15, v18;
	v15 =	vsel vm14, v16, v15;
	v37 =	vsel vm12, v28, v26  }
0xbb: {  	v41 =	vsel vm11, $0x38, v38;
	v14 =	vsel vm14, v11, v14;
	v11 =	vsel vm14, $0x1F, v11  }
0xbc: {  	v31 =	vld.idx.msk [tilespmem:v52+s2+$0x0], $0xffff;
	[tilespmem:$0x1FF70] =	vst v30;
	v30 =	vsel vm5, $0xFFFFFFFF, v55;
	vm6 =	vgt.f32 v27, v20;
	vm15 =	vgt.f32 v27, v21  }
0xbd: {  	[tilespmem:$0x1FEF0] =	vst v32;
	vm7 =	vgt.f32 v29, v23;
	vm2 =	vge.f32 v13, v15;
	v32 =	vsel vm6, $0xFFFFFFFF, v58  }
0xbe: {  	v25 =	vld.idx.msk [tilespmem:v57+s2+$0x0], $0xffff;
	v20 =	vsel vm6, v27, v20;
	v23 =	vsel vm7, v29, v23;
	vm6 =	vgt.f32 v29, v22  }
0xbf: {  	[tilespmem:$0x1FF60] =	vst v30;
	v30 =	vsel vm2, v13, v15;
	v12 =	vsel vm2, v12, v13;
	v57 =	vsel vm2, v10, v11  }
0xc0: {  	v59 =	vld.idx.msk [tilespmem:v56+s2+$0x0], $0xffff;
	v9 =	vsel vm2, v9, v10;
	v20 =	vsel vm15, v21, v20;
	v21 =	vsel vm15, v27, v21  }
0xc1: {  	v27 =	vsel vm7, $0xFFFFFFFF, v60;
	v62 =	vsel vm6, v22, v23;
	vm10 =	vgt.f32 v31, v20  }
0xc2: {  	v22 =	vsel vm6, v29, v22;
	v29 =	vimm.s32 $0x0;
	[tilespmem:$0x1FF90] =	vst v27;
	v27 =	vsel vm10, $0xFFFFFFFF, v61  }
0xc3: {  	v39 =	vld [tilespmem:$0x1FEF0];
	v20 =	vsel vm10, v31, v20;
	vm10 =	vgt.f32 v31, v21;
	vm0 =	vgt.f32 v25, v62  }
0xc4: {  	v8 =	vld.idx.msk [tilespmem:v8+s2+$0x0], $0xffff;
	[tilespmem:$0x1FFA0] =	vst v27;
	v20 =	vsel vm10, v21, v20;
	v21 =	vsel vm10, v31, v21;
	v27 =	vimm.s32 $0x0  }
0xc5: {  	v16 =	vsel vm0, v25, v62;
	v31 =	vsel vm2, v15, v18;
	vm4 =	vgt.f32 v59, v20  }
0xc6: {  	vm7 =	vgt.f32 v59, v21;
	vm1 =	vge.f32 v12, v31;
	v23 =	vsel vm4, $0xFFFFFFFF, v63  }
0xc7: {  	v20 =	vsel vm4, v59, v20;
	vm4 =	vgt.f32 v25, v22;
	v18 =	vsel vm1, $0xFFFFFFFF, v34  }
0xc8: {  	v42 =	vld [tilespmem:$0x1FF00];
	v12 =	vsel vm1, v12, v31;
	vm1 =	vnez.u8 v39;
	v20 =	vsel vm7, v21, v20  }
0xc9: {  	[tilespmem:$0x1FFC0] =	vst v23;
	v23 =	vsel vm0, $0xFFFFFFFF, v27;
	v21 =	vsel vm7, v59, v21;
	vm5 =	vgt.f32 v8, v20  }
0xca: {  	[tilespmem:$0x1FFB0] =	vst v23;
	v23 =	vsel vm5, $0xFFFFFFFF, v29;
	v20 =	vsel vm5, v8, v20;
	vm5 =	vgt.f32 v8, v21  }
0xcb: {  	v16 =	vsel vm4, v22, v16;
	v22 =	vsel vm4, v25, v22;
	v8 =	vsel vm5, v8, v21  }
0xcc: {  	v44 =	vld [tilespmem:$0x1FF10];
	v15 =	vsel vm1, $0x38, v37;
	v20 =	vsel vm5, v21, v20;
	vm3 =	vge.f32 v22, v8  }
0xcd: {  	v46 =	vld [tilespmem:$0x1FF30];
	[tilespmem:$0x1FF80] =	vst v32;
	vm1 =	vnez.u8 v42;
	v32 =	vsel vm3, v16, v22;
	v33 =	vsel vm3, v8, v20  }
0xce: {  	v50 =	vld [tilespmem:$0x1FF70];
	v59 =	vsel vm2, v11, v14;
	v8 =	vsel vm3, v22, v8;
	vm0 =	vge.f32 v32, v33  }
0xcf: {  	v45 =	vld [tilespmem:$0x1FF20];
	[tilespmem:$0x1FFE0] =	vst v18;
	v18 =	vsel vm0, $0xFFFFFFFF, v35;
	v36 =	vsel vm0, v32, v33;
	vm0 =	vge.f32 v30, v8  }
0xd0: {  	v40 =	vsel vm11, v38, v15;
	v61 =	vld [tilespmem:$0x1FFE0];
	v12 =	vsel vm0, v12, v30;
	v13 =	vsel vm0, v8, v36  }
0xd1: {  	v15 =	vsel vm9, $0x39, v41;
	v54 =	vld [tilespmem:$0x1FFB0];
	v8 =	vsel vm0, v30, v8;
	vm12 =	vge.f32 v12, v13  }
0xd2: {  	v47 =	vld [tilespmem:$0x1FF40];
	v12 =	vsel vm12, v12, v13;
	v13 =	vsel vm1, $0x39, v40;
	vm1 =	vnez.u8 v44  }
0xd3: {  	v48 =	vld [tilespmem:$0x1FF50];
	vm11 =	vnez.u8 v50;
	[tilespmem:$0x1FFF0] =	vst v18;
	v43 =	vadd.f32 v12, v8;
	v18 =	vsel vm1, v17, v19  }
0xd4: {  	v49 =	vld [tilespmem:$0x1FF60];
	v17 =	vsel vm1, $0x2B, v17;
	v13 =	vsel vm9, v41, v13;
	vm1 =	vnez.u8 v45  }
0xd5: {  	v51 =	vld [tilespmem:$0x1FF80];
	vm14 =	vnez.u8 v61;
	v13 =	vsel vm1, $0x3A, v13;
	vm1 =	vnez.u8 v46  }
0xd6: {  	v55 =	vld [tilespmem:$0x1FFC0];
	vm9 =	vnez.u8 v54;
	v16 =	vadd.f32 $9.999999970e-07, v43;
	v18 =	vsel vm1, $0x2C, v18  }
0xd7: {  	v52 =	vld [tilespmem:$0x1FF90];
	v13 =	vsel vm8, v15, v13;
	v15 =	vsel vm8, $0x3A, v15;
	vm1 =	vnez.u8 v47  }
0xd8: {  	v53 =	vld [tilespmem:$0x1FFA0];
	[tilespmem:$0x1FFD0] =	vst v23;
	v13 =	vsel vm1, $0x3B, v13;
	vm1 =	vnez.u8 v48;
	(erf) = vrcp.f32 v16  }
0xd9: {  	v56 =	vld [tilespmem:$0x1FFD0];
	v16 =	vsel vm1, v17, v18;
	v17 =	vsel vm1, $0x2C, v17;
	vm1 =	vnez.u8 v49  }
0xda: {  	v13 =	vsel vm11, v15, v13;
	v16 =	vsel vm1, $0x2D, v16;
	vm1 =	vnez.u8 v51  }
0xdb: {  	v15 =	vsel vm11, $0x3B, v15;
	vm11 =	vnez.u8 v55;
	v13 =	vsel vm1, $0x3C, v13  }
0xdc: {  	v63 =	vld [tilespmem:$0x1FFF0];
	v16 =	vsel vm13, v17, v16;
	v17 =	vsel vm13, $0x2D, v17;
	vm13 =	vnez.u8 v52  }
0xdd: {  	vm1 =	vnez.u8 v53;
	v16 =	vsel vm13, $0x2E, v16;
	v13 =	vsel vm15, v15, v13  }
0xde: {  	v15 =	vsel vm15, $0x3C, v15;
	vm13 =	vnez.u8 v56;
	v13 =	vsel vm1, $0x3D, v13  }
0xdf: {  	v16 =	vsel vm6, v17, v16;
	v17 =	vsel vm6, $0x2E, v17;
	v13 =	vsel vm10, v15, v13  }
0xe0: {  	v16 =	vsel vm9, $0x2F, v16;
	v15 =	vsel vm10, $0x3D, v15;
	v13 =	vsel vm11, $0x3E, v13  }
0xe1: {  	vm15 =	vnez.u8 v63;
	v16 =	vsel vm4, v17, v16;
	v13 =	vsel vm7, v15, v13  }
0xe2: {  	v17 =	vsel vm4, $0x2F, v17;
	v15 =	vsel vm7, $0x3E, v15;
	v13 =	vsel vm13, $0x3F, v13;
	v58 =	vpop (erf)  }
0xe3: {  	p0 =	sne.s32 s19, $0xF0;
	v13 =	vsel vm5, v15, v13;
	v15 =	vsel vm5, $0x3F, v15;
	v8 =	vmul.f32 v58, v8  }
.Ltmp0:
0xe4: {  	v60 =	vsel vm3, v16, v17;
	v13 =	vsel vm3, v15, v13;
	v12 =	vmul.f32 v58, v12;
	(pc) =	sbr.rel @p0 .LBB2_2-.Ltmp0, $4  }
0xe5: {  	v9 =	vsel vm14, v9, v59;
	v62 =	vsel vm3, v17, v15;
	v11 =	vsel vm15, v60, v13;
	[tilespmem:s18+$0x0] =	vst v8  }
0xe6: {  	v9 =	vsel vm0, v9, v57;
	v8 =	vsel vm0, v57, v62;
	v10 =	vsel vm0, v62, v11;
	[tilespmem:s17+$0x0] =	vst v12  }
0xe7: {  	s19 =	sadd.s32 $0x10, s19;
	s18 =	sadd.s32 $0x10, s18;
	v9 =	vsel vm12, v9, v10;
	[tilespmem:s16+$0x0] =	vst v8  }
0xe8: {  	s17 =	sadd.s32 $0x10, s17;
	s16 =	sadd.s32 $0x10, s16;
	[tilespmem:s15+$0x0] =	vst v9;
	s15 =	sadd.s32 $0x10, s15  }
0xe9: {  	[hbm4b:s4+s2] =	stream.linear.scatter [tilespmem:s10], [sflag:$0x1], $0x100, $0x38;
	[tilespmem:$0x8400] =	vst v63  }
0xea: {  	_ =	swait.ge [sflag:s9], $0x100  }
0xeb: {  	[sflag:s9] =	ssyncset.done $0x0  }
0xec: {  	[sflag:s9] =	ssyncadd.s32 $0xFFFFFF00  }
0xed: {  	[hbm4b:s5+s2] =	stream.linear.scatter [tilespmem:s11], [sflag:$0x1], $0x100, $0x38;
	[tilespmem:$0x8400] =	vst v63  }
0xee: {  	_ =	swait.ge [sflag:s9], $0x100  }
0xef: {  	[sflag:s9] =	ssyncset.done $0x0  }
0xf0: {  	[sflag:s9] =	ssyncadd.s32 $0xFFFFFF00  }
0xf1: {  	[hbm4b:s6+s2] =	stream.linear.scatter [tilespmem:s12], [sflag:$0x1], $0x100, $0x38;
	[tilespmem:$0x8400] =	vst v63  }
0xf2: {  	s14 =	sadd.s32 $0x1, s14;
	_ =	swait.ge [sflag:s9], $0x100  }
0xf3: {  	p0 =	sne.s32 s14, s8;
	[sflag:s9] =	ssyncset.done $0x0  }
.Ltmp1:
0xf4: {  	[sflag:s9] =	ssyncadd.s32 $0xFFFFFF00;
	(pc) =	sbr.rel @p0 .LBB2_1-.Ltmp1, $4  }
0xf5: {  	[hbm4b:s7+s2] =	stream.linear.scatter [tilespmem:s13], [sflag:$0x1], $0x100, $0x38;
	[tilespmem:$0x8400] =	vst v63  }
0xf6: {  	_ =	swait.ge [sflag:s9], $0x100  }
0xf7: {  	[sflag:s9] =	ssyncset.done $0x0  }
0xf8: {  	[sflag:s9] =	ssyncadd.s32 $0xFFFFFF00  }
0xf9: {  	_ =	sfence.sel $0x180000  }
0xfa: {  	[bflag:$0x0] =	sbarrier.arrive $0xFFFF  }
0xfb: {  	p0 =	sne.s32 s1, $0x0;
	_ =	strace $0x90000047  }
0xfc: {  	s0 =	sadd.s32 @!p0 $0x100000, s0;
	[bflag:$0x2] =	sbarrier.arrive $0xFFFF  }
0xfd: {  	[sflag:s0] =	ssyncadd.tile.s32 @!p0 $0x1;
	_ =	shalt  }
.Lfunc_end2:
_tile_overlayer_lowered:
.L_overlay_start_2:
0xfe: {  	(tag) =	ssettag $0x2  }
0xff: {  	s0 =	rddreg [dreg:$0x0];
	s2 =	stileid.u32  }
0x100: {  	s1 =	rddreg [dreg:$0x1];
	p0 =	sne.s32 s2, $0x0  }
0x101: {  	s3 =	rddreg [dreg:$0x2];
	[bflag:$0x3] =	sbarrier.arrive $0xFFFF;
	s2 =	simm.s32 @!p0 $0x1C01  }
0x102: {  	[timem:s3], [sflag:s2] =	dma.local @!p0 [hbm:s0], s1  }
0x103: {  	s0 =	simm.s32 @!p0 $0x1  }
0x104: {  	_ =	swait.ge @!p0 [sflag:s0], s1  }
0x105: {  	s1 =	ssub.s32 @!p0 $0x0, s1;
	[sflag:s0] =	ssyncset.done @!p0 $0x0  }
0x106: {  	[sflag:s0] =	ssyncadd.s32 @!p0 s1  }
0x107: {  	[bflag:$0x3] =	sbarrier.arrive $0xFFFF  }
0x108: {  	_ =	shalt  }

</sc_bundles>
